<compile_context>
chip_gen: v7x
topology: tpu7x:2x2x1
jax: 0.10.2.dev20260603
libtpu: 0.0.44.dev20260713+nightly
codegen_flags: <defaults>
</compile_context>

<pallas_src>
import jax
import jax.numpy as jnp
from jax import lax
from jax.experimental import pallas as pl
from jax.experimental.pallas import tpu as pltpu
from jax.experimental.pallas import tpu_sc as plsc

B = 8
N = 8192
G = 128
K = 32
L = 16
QC = G // 4
CAND_CAP = 2048

_mesh = plsc.VectorSubcoreMesh(core_axis_name="c", subcore_axis_name="s")

_KERNEL_KWARGS = dict(
    out_type=[
        jax.ShapeDtypeStruct((B, G, K, 3), jnp.float32),
        jax.ShapeDtypeStruct((B, G, 3), jnp.float32),
        jax.ShapeDtypeStruct((B, G, K, 3), jnp.float32),
        jax.ShapeDtypeStruct((B, G, 3), jnp.float32),
        jax.ShapeDtypeStruct((B, G, K), jnp.int32),
        jax.ShapeDtypeStruct((B, G), jnp.int32),
    ],
    mesh=_mesh,
    compiler_params=pltpu.CompilerParams(
        needs_layout_passes=False, use_tc_tiling_on_sc=False),
    scratch_types=[
        pltpu.VMEM((N,), jnp.float32),
        pltpu.VMEM((N,), jnp.float32),
        pltpu.VMEM((N,), jnp.float32),
        pltpu.VMEM((N,), jnp.float32),
        pltpu.VMEM((N,), jnp.float32),
        pltpu.VMEM((N,), jnp.float32),
        pltpu.VMEM((N,), jnp.float32),
        pltpu.VMEM((N,), jnp.float32),
        pltpu.VMEM((N,), jnp.float32),
        pltpu.VMEM((N,), jnp.float32),
        pltpu.VMEM((N,), jnp.float32),
        pltpu.VMEM((N,), jnp.float32),
        pltpu.VMEM((G,), jnp.int32),
        pltpu.VMEM((CAND_CAP + L,), jnp.float32),
        pltpu.VMEM((CAND_CAP + L,), jnp.int32),
        pltpu.VMEM((QC, K), jnp.int32),
        pltpu.VMEM((QC, K, 3), jnp.float32),
        pltpu.VMEM((QC, K, 3), jnp.float32),
        pltpu.VMEM((QC, 3), jnp.float32),
        pltpu.VMEM((QC, 3), jnp.float32),
        pltpu.VMEM((QC,), jnp.float32),
        pltpu.VMEM((QC,), jnp.float32),
        pltpu.VMEM((QC,), jnp.float32),
        pltpu.VMEM((QC,), jnp.float32),
        pltpu.VMEM_SHARED((2, 4, 4, L), jnp.int32),
        pltpu.VMEM((L,), jnp.int32),
        pltpu.VMEM((4, L), jnp.int32),
        pltpu.VMEM((L,), jnp.int32),
    ],
)


def _group_sc_body(xyz_hbm, norm_hbm, z_hbm,
              nb_out, ctr_out, ng_out, nctr_out, idx_out, idxnew_out,
              xv, yv, zv, nxv, nyv, nzv, xbv, ybv, zbv, xx, dist, d2buf, cent,
              candd, candi, selidx,
              nb_stage, ng_stage, ctr_stage, nctr_stage,
              ccx, ccy, ccz, ccsq, sbuf, stg, mbuf, zfence):
    sid = lax.axis_index("s")
    wid = sid * 2 + lax.axis_index("c")
    b = wid % B
    q = wid // B
    bslot = sid % 4

    lane = lax.broadcasted_iota(jnp.int32, (L,), 0)
    lane0 = lane == 0
    zeros16 = jnp.zeros((L,), jnp.int32)
    ones16 = jnp.full((L,), 1, jnp.int32)
    twos16 = jnp.full((L,), 2, jnp.int32)
    inf16 = jnp.full((L,), jnp.inf, jnp.float32)

    pltpu.sync_copy(xyz_hbm.at[b, 0], xv)
    pltpu.sync_copy(xyz_hbm.at[b, 1], yv)
    pltpu.sync_copy(xyz_hbm.at[b, 2], zv)
    pltpu.sync_copy(norm_hbm.at[b, 0], nxv)
    pltpu.sync_copy(norm_hbm.at[b, 1], nyv)
    pltpu.sync_copy(norm_hbm.at[b, 2], nzv)
    pltpu.sync_copy(z_hbm, zfence)
    zfv = zfence[...]

    def _fence(v):
        return plsc.bitcast(plsc.bitcast(v, jnp.int32) ^ zfv, jnp.float32)

    def _bf16r(v):
        u = plsc.bitcast(v, jnp.int32)
        r = (u + jnp.int32(0x7FFF)) + ((u >> 16) & jnp.int32(1))
        return plsc.bitcast(r & jnp.int32(-65536), jnp.float32)

    def _fma_sq_add(a, w):
        p = _fence(a * a)
        c = _fence(a * jnp.float32(4097.0))
        hi = _fence(c - _fence(c - a))
        lo = _fence(a - hi)
        e = _fence(_fence(_fence(hi * hi) - p)
                   + _fence(2.0 * _fence(hi * lo))) + _fence(lo * lo)
        s = _fence(p + w)
        bb = _fence(s - p)
        err = _fence(p - _fence(s - bb)) + _fence(w - bb)
        return s + _fence(_fence(err) + _fence(e))

    @plsc.parallel_loop(0, N, step=L, unroll=8)
    def _pre(i):
        s = pl.ds(i, L)
        x = xv[s]
        y = yv[s]
        z = zv[s]
        xx[s] = (_fence(x * x) + _fence(y * y)) + _fence(z * z)
        xbv[s] = _bf16r(x)
        ybv[s] = _bf16r(y)
        zbv[s] = _bf16r(z)
        dist[s] = jnp.full((L,), 1e10, jnp.float32)

    QN = N // 4
    base = q * QN

    def _fps_step(i, f):
        fv = jnp.full((L,), f, jnp.int32)
        plsc.store_scatter(cent, [jnp.full((L,), i, jnp.int32)], fv,
                           mask=lane0)
        cx = plsc.load_gather(xv, [fv])
        cy = plsc.load_gather(yv, [fv])
        cz = plsc.load_gather(zv, [fv])

        @plsc.parallel_loop(
            0, QN, step=L, unroll=8,
            carry=(jnp.full((L,), -1.0, jnp.float32), zeros16))
        def _chunk(ii, carry):
            vmax, vidx = carry
            s = pl.ds(base + ii, L)
            dx = xv[s] - cx
            dy = yv[s] - cy
            dz = zv[s] - cz
            d = (_fence(dx * dx) + _fence(dy * dy)) + _fence(dz * dz)
            nd = jnp.minimum(dist[s], d)
            dist[s] = nd
            gt = nd > vmax
            vidx = jnp.where(gt, base + ii + lane, vidx)
            vmax = jnp.where(gt, nd, vmax)
            return vmax, vidx

        vmax, vidx = _chunk
        m = jnp.max(vmax)
        cand = jnp.where(vmax == m, vidx, jnp.full((L,), N, jnp.int32))
        li = jnp.min(cand)
        mkey = plsc.bitcast(jnp.full((L,), m, jnp.float32), jnp.int32)
        stg[...] = jnp.where(lane0, mkey,
                             jnp.where(lane == 1, jnp.full((L,), li,
                                                           jnp.int32),
                                       zeros16))
        par = i & 1
        pltpu.sync_copy(stg, sbuf.at[par, bslot, q])
        plsc.subcore_barrier()
        pltpu.sync_copy(sbuf.at[par, bslot], mbuf)
        vals = plsc.load_gather(mbuf, [lane & 3, zeros16])
        idxs = plsc.load_gather(mbuf, [lane & 3, ones16])
        vmask = jnp.where(lane < 4, vals,
                          jnp.full((L,), jnp.iinfo(jnp.int32).min,
                                   jnp.int32))
        mg = jnp.max(vmask)
        cand2 = jnp.where(vmask == mg, idxs, jnp.full((L,), N, jnp.int32))
        return jnp.min(cand2)

    lax.fori_loop(0, G, _fps_step, jnp.int32(0))

    for h in (0, 1):
        cidx = plsc.load_gather(cent, [q * QC + h * L + lane])
        rows = h * L + lane
        sx = plsc.load_gather(xv, [cidx])
        sy = plsc.load_gather(yv, [cidx])
        sz = plsc.load_gather(zv, [cidx])
        ccx[pl.ds(h * L, L)] = sx
        ccy[pl.ds(h * L, L)] = sy
        ccz[pl.ds(h * L, L)] = sz
        ccsq[pl.ds(h * L, L)] = _fma_sq_add(sy, _fma_sq_add(sx,
                                                            _fence(sz * sz)))
        plsc.store_scatter(ctr_stage, [rows, zeros16], sx)
        plsc.store_scatter(ctr_stage, [rows, ones16], sy)
        plsc.store_scatter(ctr_stage, [rows, twos16], sz)
        plsc.store_scatter(nctr_stage, [rows, zeros16],
                           plsc.load_gather(nxv, [cidx]))
        plsc.store_scatter(nctr_stage, [rows, ones16],
                           plsc.load_gather(nyv, [cidx]))
        plsc.store_scatter(nctr_stage, [rows, twos16],
                           plsc.load_gather(nzv, [cidx]))

    def _centroid(gl, c):
        glv = jnp.full((L,), gl, jnp.int32)
        cxg = _bf16r(plsc.load_gather(ccx, [glv]))
        cyg = _bf16r(plsc.load_gather(ccy, [glv]))
        czg = _bf16r(plsc.load_gather(ccz, [glv]))
        ccg = plsc.load_gather(ccsq, [glv])

        @plsc.parallel_loop(0, N, step=L, unroll=8, carry=(inf16, inf16))
        def _p1(i, carry):
            vm1, vm2 = carry
            s = pl.ds(i, L)
            p0 = cxg * xbv[s]
            p1 = cyg * ybv[s]
            p2 = czg * zbv[s]
            s1 = _fence(p0 + p1)
            b1 = _fence(s1 - p0)
            e1 = _fence(p0 - _fence(s1 - b1)) + _fence(p1 - b1)
            r = _fence(s1 + p2)
            b2 = _fence(r - s1)
            e2 = _fence(s1 - _fence(r - b2)) + _fence(p2 - b2)
            t = r + _fence(_fence(e2) + _fence(e1))
            d2 = jnp.maximum((ccg + xx[s]) - 2.0 * t, 0.0)
            d2buf[s] = d2
            isnew = d2 < vm1
            vm2 = jnp.where(isnew, vm1, jnp.minimum(vm2, d2))
            vm1 = jnp.minimum(vm1, d2)
            return vm1, vm2
        vm1, vm2 = _p1
        ubound = jnp.max(vm2)

        @plsc.parallel_loop(0, N, step=L, unroll=8, carry=zeros16)
        def _p2(i, cnt):
            s = pl.ds(i, L)
            d2 = d2buf[s]
            msk = d2 <= ubound
            pos = cnt + plsc.cumsum(msk.astype(jnp.int32)) - 1
            plsc.store_scatter(candd, [pos], d2, mask=msk)
            plsc.store_scatter(candi, [pos], i + lane, mask=msk)
            return cnt + plsc.all_reduce_population_count(msk)
        cntv = _p2
        m_total = jnp.max(cntv)
        plsc.store_scatter(candd, [m_total + lane], inf16)
        nch_c = lax.div(m_total + (L - 1), L)

        def _sel(k, c2):
            def _scan(j, carry):
                vmin, vpos = carry
                s = pl.ds(j * L, L)
                d = candd[s]
                lt = d < vmin
                vpos = jnp.where(lt, j * L + lane, vpos)
                vmin = jnp.where(lt, d, vmin)
                return vmin, vpos
            vmin, vpos = lax.fori_loop(0, nch_c, _scan, (inf16, zeros16))
            mv = jnp.min(vmin)
            pc = jnp.where(vmin == mv, vpos,
                           jnp.full((L,), CAND_CAP + L, jnp.int32))
            p = jnp.min(pc)
            pv = jnp.full((L,), p, jnp.int32)
            iv = plsc.load_gather(candi, [pv])
            plsc.store_scatter(selidx, [glv, jnp.full((L,), k, jnp.int32)],
                               iv, mask=lane0)
            plsc.store_scatter(candd, [pv], inf16, mask=lane0)
            return c2
        lax.fori_loop(0, K, _sel, 0)
        return c
    lax.fori_loop(0, QC, _centroid, 0)

    def _gather(gl, c):
        glv = jnp.full((L,), gl, jnp.int32)
        cxg = plsc.load_gather(ccx, [glv])
        cyg = plsc.load_gather(ccy, [glv])
        czg = plsc.load_gather(ccz, [glv])

        for h in (0, 1):
            ks = h * L + lane
            ii = plsc.load_gather(selidx, [glv, ks])
            gx = plsc.load_gather(xv, [ii])
            gy = plsc.load_gather(yv, [ii])
            gz = plsc.load_gather(zv, [ii])
            plsc.store_scatter(nb_stage, [glv, ks, zeros16], gx - cxg)
            plsc.store_scatter(nb_stage, [glv, ks, ones16], gy - cyg)
            plsc.store_scatter(nb_stage, [glv, ks, twos16], gz - czg)
            plsc.store_scatter(ng_stage, [glv, ks, zeros16],
                               plsc.load_gather(nxv, [ii]))
            plsc.store_scatter(ng_stage, [glv, ks, ones16],
                               plsc.load_gather(nyv, [ii]))
            plsc.store_scatter(ng_stage, [glv, ks, twos16],
                               plsc.load_gather(nzv, [ii]))
        return c
    lax.fori_loop(0, QC, _gather, 0)

    gsl = pl.ds(q * QC, QC)
    pltpu.sync_copy(nb_stage, nb_out.at[b, gsl])
    pltpu.sync_copy(ctr_stage, ctr_out.at[b, gsl])
    pltpu.sync_copy(ng_stage, ng_out.at[b, gsl])
    pltpu.sync_copy(nctr_stage, nctr_out.at[b, gsl])
    pltpu.sync_copy(selidx, idx_out.at[b, gsl])
    pltpu.sync_copy(cent.at[gsl], idxnew_out.at[b, gsl])


_group_sc = pl.kernel(_group_sc_body, **_KERNEL_KWARGS)


def kernel(xyz, norm):
    xyz_t = jnp.transpose(xyz, (0, 2, 1))
    norm_t = jnp.transpose(norm, (0, 2, 1))
    zf = jnp.zeros((L,), jnp.int32)
    nb, ctr, ng, nctr, idx, idx_new = _group_sc(xyz_t, norm_t, zf)
    return (nb, ctr, ng, nctr, idx, idx_new)

# --- scband reference (transcript-rebuilt; emitter-appended) ---
"""Pipeline reference for scband-group-11330123727109 (READ-ONLY COPY).

The authoritative reference and input builder live on the scoring server;
editing this copy changes nothing except your own understanding.
"""

import jax, jax.numpy as jnp
import numpy as np

NUM_GROUP = 128
GROUP_SIZE = 32


def index_points(points, idx):
    B = points.shape[0]
    batch = jnp.arange(B).reshape((B,) + (1,) * (idx.ndim - 1))
    return points[batch, idx]


def farthest_point_sample(xyz, npoint, norm):
    B, N, C = xyz.shape
    distance = jnp.full((B, N), 1e10, dtype=xyz.dtype)
    # torch version uses randint for the seed point; use deterministic index 0
    farthest = jnp.zeros((B,), dtype=jnp.int32)
    batch_indices = jnp.arange(B)
    cent_list = []
    for i in range(npoint):
        cent_list.append(farthest)
        centroid = xyz[batch_indices, farthest].reshape(B, 1, 3)
        dist = jnp.sum((xyz - centroid) ** 2, -1)
        distance = jnp.minimum(distance, dist)
        farthest = jnp.argmax(distance, -1).astype(jnp.int32)
    centroids = jnp.stack(cent_list, axis=1)
    center = index_points(xyz, centroids)
    norm_center = index_points(norm, centroids)
    return center, norm_center, centroids


def knn(xyz, centroids, k):
    centroids_xyz = index_points(xyz, centroids)
    d2 = (jnp.sum(centroids_xyz ** 2, -1, keepdims=True)
          + jnp.sum(xyz ** 2, -1)[:, None, :]
          - 2.0 * jnp.einsum('bgc,bnc->bgn', centroids_xyz, xyz))
    dists = jnp.sqrt(jnp.maximum(d2, 0.0))
    _, idx = jax.lax.top_k(-dists, k)
    return idx


def setup_inputs(seed: int = 0):
    key = jax.random.key(seed)
    k1, k2 = jax.random.split(key)
    xyz = jax.random.normal(k1, (8, 8192, 3), dtype=jnp.float32)
    norm = jax.random.normal(k2, (8, 8192, 3), dtype=jnp.float32)
    return {"xyz": xyz, "norm": norm}


def reference(xyz, norm):
    B, N, _ = xyz.shape
    center, norm_center, idx_new = farthest_point_sample(xyz, NUM_GROUP, norm)
    idx = knn(xyz, idx_new, GROUP_SIZE)
    neighborhood = index_points(xyz, idx)
    neighborhood = (neighborhood.reshape(B, NUM_GROUP, GROUP_SIZE, 3)
                    - center[:, :, None, :])
    norm_g = index_points(norm, idx).reshape(B, NUM_GROUP, GROUP_SIZE, 3)
    return (neighborhood, center, norm_g, norm_center, idx, idx_new)

if __name__ == "__main__":
    import jax
    _d = setup_inputs()
    print(jax.jit(kernel)(*tuple(_d.values())))

</pallas_src>

<mosaic_0001>
#map = affine_map<(d0, d1) -> (0, 0, 0)>
#map1 = affine_map<(d0, d1) -> (0)>
#map2 = affine_map<(d0, d1) -> (0, 0, 0, 0)>
#map3 = affine_map<(d0, d1) -> (0, 0)>
module attributes {stable_mosaic.version = 14 : i64} {
  func.func @_group_sc_body(%arg0: i32, %arg1: i32, %arg2: memref<8x3x8192xf32, #tpu.memory_space<hbm>>, %arg3: memref<8x3x8192xf32, #tpu.memory_space<hbm>>, %arg4: memref<16xi32, #tpu.memory_space<hbm>>, %arg5: memref<8x128x32x3xf32, #tpu.memory_space<hbm>>, %arg6: memref<8x128x3xf32, #tpu.memory_space<hbm>>, %arg7: memref<8x128x32x3xf32, #tpu.memory_space<hbm>>, %arg8: memref<8x128x3xf32, #tpu.memory_space<hbm>>, %arg9: memref<8x128x32xi32, #tpu.memory_space<hbm>>, %arg10: memref<8x128xi32, #tpu.memory_space<hbm>>, %arg11: memref<8192xf32, #tpu.memory_space<vmem>>, %arg12: memref<8192xf32, #tpu.memory_space<vmem>>, %arg13: memref<8192xf32, #tpu.memory_space<vmem>>, %arg14: memref<8192xf32, #tpu.memory_space<vmem>>, %arg15: memref<8192xf32, #tpu.memory_space<vmem>>, %arg16: memref<8192xf32, #tpu.memory_space<vmem>>, %arg17: memref<8192xf32, #tpu.memory_space<vmem>>, %arg18: memref<8192xf32, #tpu.memory_space<vmem>>, %arg19: memref<8192xf32, #tpu.memory_space<vmem>>, %arg20: memref<8192xf32, #tpu.memory_space<vmem>>, %arg21: memref<8192xf32, #tpu.memory_space<vmem>>, %arg22: memref<8192xf32, #tpu.memory_space<vmem>>, %arg23: memref<128xi32, #tpu.memory_space<vmem>>, %arg24: memref<2064xf32, #tpu.memory_space<vmem>>, %arg25: memref<2064xi32, #tpu.memory_space<vmem>>, %arg26: memref<32x32xi32, #tpu.memory_space<vmem>>, %arg27: memref<32x32x3xf32, #tpu.memory_space<vmem>>, %arg28: memref<32x32x3xf32, #tpu.memory_space<vmem>>, %arg29: memref<32x3xf32, #tpu.memory_space<vmem>>, %arg30: memref<32x3xf32, #tpu.memory_space<vmem>>, %arg31: memref<32xf32, #tpu.memory_space<vmem>>, %arg32: memref<32xf32, #tpu.memory_space<vmem>>, %arg33: memref<32xf32, #tpu.memory_space<vmem>>, %arg34: memref<32xf32, #tpu.memory_space<vmem>>, %arg35: memref<2x4x4x16xi32, #tpu.memory_space<vmem_shared>>, %arg36: memref<16xi32, #tpu.memory_space<vmem>>, %arg37: memref<4x16xi32, #tpu.memory_space<vmem>>, %arg38: memref<16xi32, #tpu.memory_space<vmem>>) attributes {dimension_semantics = [#tpu.dimension_semantics<core_parallel>, #tpu.dimension_semantics<subcore_parallel>], iteration_bounds = array<i64: 2, 16>, scalar_prefetch = 0 : i64, scratch_operands = 28 : i64, tpu.core_type = #tpu.core_type<sc_vector_subcore>, window_params = [{transform_indices = #map}, {transform_indices = #map}, {transform_indices = #map1}, {transform_indices = #map2}, {transform_indices = #map}, {transform_indices = #map2}, {transform_indices = #map}, {transform_indices = #map}, {transform_indices = #map3}]} {
    %mul3A = arith.constant 2 : i32
    %mul3A_0 = arith.muli %arg1, %mul3A : i32
    %add3A = arith.addi %mul3A_0, %arg0 : i32
    %jit3A = arith.constant 8 : i32
    %eq3A = arith.constant 0 : i32
    %eq3A_1 = arith.cmpi eq, %jit3A, %eq3A : i32
    %jit3A_2 = arith.constant 1 : i32
    %select_n3A = arith.select %eq3A_1, %jit3A_2, %jit3A : i32
    %rem3A = arith.remsi %add3A, %select_n3A : i32
    %ne3A = arith.constant 0 : i32
    %ne3A_3 = arith.cmpi ne, %rem3A, %ne3A : i32
    %lt3A = arith.constant 0 : i32
    %lt3A_4 = arith.cmpi slt, %rem3A, %lt3A : i32
    %lt3A_5 = arith.constant 0 : i32
    %lt3A_6 = arith.cmpi slt, %select_n3A, %lt3A_5 : i32
    %ne3A_7 = arith.xori %lt3A_4, %lt3A_6 : i1
    %and3A = arith.andi %ne3A_7, %ne3A_3 : i1
    %add3A_8 = arith.addi %rem3A, %select_n3A : i32
    %select_n3A_9 = arith.select %and3A, %add3A_8, %rem3A : i32
    %jit3A_10 = arith.constant 8 : i32
    %div3A = arith.divsi %add3A, %jit3A_10 : i32
    %sign3A = arith.constant 0 : i32
    %sign3A_11 = arith.cmpi sgt, %add3A, %sign3A : i32
    %sign3A_12 = arith.extui %sign3A_11 : i1 to i32
    %sign3A_13 = arith.constant 0 : i32
    %sign3A_14 = arith.cmpi slt, %add3A, %sign3A_13 : i32
    %sign3A_15 = arith.extui %sign3A_14 : i1 to i32
    %sign3A_16 = arith.subi %sign3A_12, %sign3A_15 : i32
    %sign3A_17 = arith.constant 0 : i32
    %sign3A_18 = arith.cmpi sgt, %jit3A_10, %sign3A_17 : i32
    %sign3A_19 = arith.extui %sign3A_18 : i1 to i32
    %sign3A_20 = arith.constant 0 : i32
    %sign3A_21 = arith.cmpi slt, %jit3A_10, %sign3A_20 : i32
    %sign3A_22 = arith.extui %sign3A_21 : i1 to i32
    %sign3A_23 = arith.subi %sign3A_19, %sign3A_22 : i32
    %ne3A_24 = arith.cmpi ne, %sign3A_16, %sign3A_23 : i32
    %rem3A_25 = arith.remsi %add3A, %jit3A_10 : i32
    %ne3A_26 = arith.constant 0 : i32
    %ne3A_27 = arith.cmpi ne, %rem3A_25, %ne3A_26 : i32
    %and3A_28 = arith.andi %ne3A_24, %ne3A_27 : i1
    %sub3A = arith.constant 1 : i32
    %sub3A_29 = arith.subi %div3A, %sub3A : i32
    %select_n3A_30 = arith.select %and3A_28, %sub3A_29, %div3A : i32
    %jit3A_31 = arith.constant 4 : i32
    %eq3A_32 = arith.constant 0 : i32
    %eq3A_33 = arith.cmpi eq, %jit3A_31, %eq3A_32 : i32
    %jit3A_34 = arith.constant 1 : i32
    %select_n3A_35 = arith.select %eq3A_33, %jit3A_34, %jit3A_31 : i32
    %rem3A_36 = arith.remsi %arg1, %select_n3A_35 : i32
    %ne3A_37 = arith.constant 0 : i32
    %ne3A_38 = arith.cmpi ne, %rem3A_36, %ne3A_37 : i32
    %lt3A_39 = arith.constant 0 : i32
    %lt3A_40 = arith.cmpi slt, %rem3A_36, %lt3A_39 : i32
    %lt3A_41 = arith.constant 0 : i32
    %lt3A_42 = arith.cmpi slt, %select_n3A_35, %lt3A_41 : i32
    %ne3A_43 = arith.xori %lt3A_40, %lt3A_42 : i1
    %and3A_44 = arith.andi %ne3A_43, %ne3A_38 : i1
    %add3A_45 = arith.addi %rem3A_36, %select_n3A_35 : i32
    %select_n3A_46 = arith.select %and3A_44, %add3A_45, %rem3A_36 : i32
    %iota3A = tpu.iota {dimensions = array<i32: 0>} : vector<16xi32>
    %eq3A_47 = arith.constant 0 : i32
    %eq3A_48 = vector.broadcast %eq3A_47 : i32 to vector<16xi32>
    %eq3A_49 = arith.cmpi eq, %iota3A, %eq3A_48 : vector<16xi32>
    %broadcast_in_dim3A = arith.constant 0 : i32
    %broadcast_in_dim3A_50 = vector.broadcast %broadcast_in_dim3A : i32 to vector<16xi32>
    %broadcast_in_dim3A_51 = arith.constant 1 : i32
    %broadcast_in_dim3A_52 = vector.broadcast %broadcast_in_dim3A_51 : i32 to vector<16xi32>
    %broadcast_in_dim3A_53 = arith.constant 2 : i32
    %broadcast_in_dim3A_54 = vector.broadcast %broadcast_in_dim3A_53 : i32 to vector<16xi32>
    %broadcast_in_dim3A_55 = arith.constant 0x7F800000 : f32
    %broadcast_in_dim3A_56 = vector.broadcast %broadcast_in_dim3A_55 : f32 to vector<16xf32>
    %run_scoped3A = arith.constant 0 : i32
    "tpu.region"() ({
      %run_scoped3A_463 = tpu.sem_alloc : memref<!tpu.dma_semaphore, #tpu.memory_space<semaphore_mem>>
      %dma_start3A = arith.constant 0 : i32
      %dma_start3A_464 = tpu.memref_slice %arg2[%select_n3A_9, %run_scoped3A, %dma_start3A] : memref<8x3x8192xf32, #tpu.memory_space<hbm>> -> memref<1x1x8192xf32, #tpu.memory_space<hbm>>
      %dma_start3A_465 = tpu.memref_squeeze %dma_start3A_464 : memref<1x1x8192xf32, #tpu.memory_space<hbm>> -> memref<8192xf32, #tpu.memory_space<hbm>>
      %dma_start3A_466 = arith.constant 0 : i32
      %dma_start3A_467 = tpu.memref_slice %arg2[%select_n3A_9, %run_scoped3A, %dma_start3A_466] : memref<8x3x8192xf32, #tpu.memory_space<hbm>> -> memref<1x1x8192xf32, #tpu.memory_space<hbm>>
      %dma_start3A_468 = tpu.memref_squeeze %dma_start3A_467 : memref<1x1x8192xf32, #tpu.memory_space<hbm>> -> memref<8192xf32, #tpu.memory_space<hbm>>
      tpu.enqueue_dma source(%dma_start3A_468 : memref<8192xf32, #tpu.memory_space<hbm>>) target(%arg11 : memref<8192xf32, #tpu.memory_space<vmem>>) target_semaphore(%run_scoped3A_463 : memref<!tpu.dma_semaphore, #tpu.memory_space<semaphore_mem>>)
      %dma_wait3A = arith.constant 0 : i32
      %dma_wait3A_469 = tpu.memref_slice %arg2[%select_n3A_9, %run_scoped3A, %dma_wait3A] : memref<8x3x8192xf32, #tpu.memory_space<hbm>> -> memref<1x1x8192xf32, #tpu.memory_space<hbm>>
      %dma_wait3A_470 = tpu.memref_squeeze %dma_wait3A_469 : memref<1x1x8192xf32, #tpu.memory_space<hbm>> -> memref<8192xf32, #tpu.memory_space<hbm>>
      %dma_wait3A_471 = arith.constant 0 : i32
      %dma_wait3A_472 = tpu.memref_slice %arg2[%select_n3A_9, %run_scoped3A, %dma_wait3A_471] : memref<8x3x8192xf32, #tpu.memory_space<hbm>> -> memref<1x1x8192xf32, #tpu.memory_space<hbm>>
      %dma_wait3A_473 = tpu.memref_squeeze %dma_wait3A_472 : memref<1x1x8192xf32, #tpu.memory_space<hbm>> -> memref<8192xf32, #tpu.memory_space<hbm>>
      tpu.wait_dma2 semaphore(%run_scoped3A_463 : memref<!tpu.dma_semaphore, #tpu.memory_space<semaphore_mem>>) src(%dma_wait3A_473 : memref<8192xf32, #tpu.memory_space<hbm>>) dst(%arg11 : memref<8192xf32, #tpu.memory_space<vmem>>)
      tpu.yield
    }) : () -> ()
    %run_scoped3A_57 = arith.constant 1 : i32
    "tpu.region"() ({
      %run_scoped3A_463 = tpu.sem_alloc : memref<!tpu.dma_semaphore, #tpu.memory_space<semaphore_mem>>
      %dma_start3A = arith.constant 0 : i32
      %dma_start3A_464 = tpu.memref_slice %arg2[%select_n3A_9, %run_scoped3A_57, %dma_start3A] : memref<8x3x8192xf32, #tpu.memory_space<hbm>> -> memref<1x1x8192xf32, #tpu.memory_space<hbm>>
      %dma_start3A_465 = tpu.memref_squeeze %dma_start3A_464 : memref<1x1x8192xf32, #tpu.memory_space<hbm>> -> memref<8192xf32, #tpu.memory_space<hbm>>
      %dma_start3A_466 = arith.constant 0 : i32
      %dma_start3A_467 = tpu.memref_slice %arg2[%select_n3A_9, %run_scoped3A_57, %dma_start3A_466] : memref<8x3x8192xf32, #tpu.memory_space<hbm>> -> memref<1x1x8192xf32, #tpu.memory_space<hbm>>
      %dma_start3A_468 = tpu.memref_squeeze %dma_start3A_467 : memref<1x1x8192xf32, #tpu.memory_space<hbm>> -> memref<8192xf32, #tpu.memory_space<hbm>>
      tpu.enqueue_dma source(%dma_start3A_468 : memref<8192xf32, #tpu.memory_space<hbm>>) target(%arg12 : memref<8192xf32, #tpu.memory_space<vmem>>) target_semaphore(%run_scoped3A_463 : memref<!tpu.dma_semaphore, #tpu.memory_space<semaphore_mem>>)
      %dma_wait3A = arith.constant 0 : i32
      %dma_wait3A_469 = tpu.memref_slice %arg2[%select_n3A_9, %run_scoped3A_57, %dma_wait3A] : memref<8x3x8192xf32, #tpu.memory_space<hbm>> -> memref<1x1x8192xf32, #tpu.memory_space<hbm>>
      %dma_wait3A_470 = tpu.memref_squeeze %dma_wait3A_469 : memref<1x1x8192xf32, #tpu.memory_space<hbm>> -> memref<8192xf32, #tpu.memory_space<hbm>>
      %dma_wait3A_471 = arith.constant 0 : i32
      %dma_wait3A_472 = tpu.memref_slice %arg2[%select_n3A_9, %run_scoped3A_57, %dma_wait3A_471] : memref<8x3x8192xf32, #tpu.memory_space<hbm>> -> memref<1x1x8192xf32, #tpu.memory_space<hbm>>
      %dma_wait3A_473 = tpu.memref_squeeze %dma_wait3A_472 : memref<1x1x8192xf32, #tpu.memory_space<hbm>> -> memref<8192xf32, #tpu.memory_space<hbm>>
      tpu.wait_dma2 semaphore(%run_scoped3A_463 : memref<!tpu.dma_semaphore, #tpu.memory_space<semaphore_mem>>) src(%dma_wait3A_473 : memref<8192xf32, #tpu.memory_space<hbm>>) dst(%arg12 : memref<8192xf32, #tpu.memory_space<vmem>>)
      tpu.yield
    }) : () -> ()
    %run_scoped3A_58 = arith.constant 2 : i32
    "tpu.region"() ({
      %run_scoped3A_463 = tpu.sem_alloc : memref<!tpu.dma_semaphore, #tpu.memory_space<semaphore_mem>>
      %dma_start3A = arith.constant 0 : i32
      %dma_start3A_464 = tpu.memref_slice %arg2[%select_n3A_9, %run_scoped3A_58, %dma_start3A] : memref<8x3x8192xf32, #tpu.memory_space<hbm>> -> memref<1x1x8192xf32, #tpu.memory_space<hbm>>
      %dma_start3A_465 = tpu.memref_squeeze %dma_start3A_464 : memref<1x1x8192xf32, #tpu.memory_space<hbm>> -> memref<8192xf32, #tpu.memory_space<hbm>>
      %dma_start3A_466 = arith.constant 0 : i32
      %dma_start3A_467 = tpu.memref_slice %arg2[%select_n3A_9, %run_scoped3A_58, %dma_start3A_466] : memref<8x3x8192xf32, #tpu.memory_space<hbm>> -> memref<1x1x8192xf32, #tpu.memory_space<hbm>>
      %dma_start3A_468 = tpu.memref_squeeze %dma_start3A_467 : memref<1x1x8192xf32, #tpu.memory_space<hbm>> -> memref<8192xf32, #tpu.memory_space<hbm>>
      tpu.enqueue_dma source(%dma_start3A_468 : memref<8192xf32, #tpu.memory_space<hbm>>) target(%arg13 : memref<8192xf32, #tpu.memory_space<vmem>>) target_semaphore(%run_scoped3A_463 : memref<!tpu.dma_semaphore, #tpu.memory_space<semaphore_mem>>)
      %dma_wait3A = arith.constant 0 : i32
      %dma_wait3A_469 = tpu.memref_slice %arg2[%select_n3A_9, %run_scoped3A_58, %dma_wait3A] : memref<8x3x8192xf32, #tpu.memory_space<hbm>> -> memref<1x1x8192xf32, #tpu.memory_space<hbm>>
      %dma_wait3A_470 = tpu.memref_squeeze %dma_wait3A_469 : memref<1x1x8192xf32, #tpu.memory_space<hbm>> -> memref<8192xf32, #tpu.memory_space<hbm>>
      %dma_wait3A_471 = arith.constant 0 : i32
      %dma_wait3A_472 = tpu.memref_slice %arg2[%select_n3A_9, %run_scoped3A_58, %dma_wait3A_471] : memref<8x3x8192xf32, #tpu.memory_space<hbm>> -> memref<1x1x8192xf32, #tpu.memory_space<hbm>>
      %dma_wait3A_473 = tpu.memref_squeeze %dma_wait3A_472 : memref<1x1x8192xf32, #tpu.memory_space<hbm>> -> memref<8192xf32, #tpu.memory_space<hbm>>
      tpu.wait_dma2 semaphore(%run_scoped3A_463 : memref<!tpu.dma_semaphore, #tpu.memory_space<semaphore_mem>>) src(%dma_wait3A_473 : memref<8192xf32, #tpu.memory_space<hbm>>) dst(%arg13 : memref<8192xf32, #tpu.memory_space<vmem>>)
      tpu.yield
    }) : () -> ()
    %run_scoped3A_59 = arith.constant 0 : i32
    "tpu.region"() ({
      %run_scoped3A_463 = tpu.sem_alloc : memref<!tpu.dma_semaphore, #tpu.memory_space<semaphore_mem>>
      %dma_start3A = arith.constant 0 : i32
      %dma_start3A_464 = tpu.memref_slice %arg3[%select_n3A_9, %run_scoped3A_59, %dma_start3A] : memref<8x3x8192xf32, #tpu.memory_space<hbm>> -> memref<1x1x8192xf32, #tpu.memory_space<hbm>>
      %dma_start3A_465 = tpu.memref_squeeze %dma_start3A_464 : memref<1x1x8192xf32, #tpu.memory_space<hbm>> -> memref<8192xf32, #tpu.memory_space<hbm>>
      %dma_start3A_466 = arith.constant 0 : i32
      %dma_start3A_467 = tpu.memref_slice %arg3[%select_n3A_9, %run_scoped3A_59, %dma_start3A_466] : memref<8x3x8192xf32, #tpu.memory_space<hbm>> -> memref<1x1x8192xf32, #tpu.memory_space<hbm>>
      %dma_start3A_468 = tpu.memref_squeeze %dma_start3A_467 : memref<1x1x8192xf32, #tpu.memory_space<hbm>> -> memref<8192xf32, #tpu.memory_space<hbm>>
      tpu.enqueue_dma source(%dma_start3A_468 : memref<8192xf32, #tpu.memory_space<hbm>>) target(%arg14 : memref<8192xf32, #tpu.memory_space<vmem>>) target_semaphore(%run_scoped3A_463 : memref<!tpu.dma_semaphore, #tpu.memory_space<semaphore_mem>>)
      %dma_wait3A = arith.constant 0 : i32
      %dma_wait3A_469 = tpu.memref_slice %arg3[%select_n3A_9, %run_scoped3A_59, %dma_wait3A] : memref<8x3x8192xf32, #tpu.memory_space<hbm>> -> memref<1x1x8192xf32, #tpu.memory_space<hbm>>
      %dma_wait3A_470 = tpu.memref_squeeze %dma_wait3A_469 : memref<1x1x8192xf32, #tpu.memory_space<hbm>> -> memref<8192xf32, #tpu.memory_space<hbm>>
      %dma_wait3A_471 = arith.constant 0 : i32
      %dma_wait3A_472 = tpu.memref_slice %arg3[%select_n3A_9, %run_scoped3A_59, %dma_wait3A_471] : memref<8x3x8192xf32, #tpu.memory_space<hbm>> -> memref<1x1x8192xf32, #tpu.memory_space<hbm>>
      %dma_wait3A_473 = tpu.memref_squeeze %dma_wait3A_472 : memref<1x1x8192xf32, #tpu.memory_space<hbm>> -> memref<8192xf32, #tpu.memory_space<hbm>>
      tpu.wait_dma2 semaphore(%run_scoped3A_463 : memref<!tpu.dma_semaphore, #tpu.memory_space<semaphore_mem>>) src(%dma_wait3A_473 : memref<8192xf32, #tpu.memory_space<hbm>>) dst(%arg14 : memref<8192xf32, #tpu.memory_space<vmem>>)
      tpu.yield
    }) : () -> ()
    %run_scoped3A_60 = arith.constant 1 : i32
    "tpu.region"() ({
      %run_scoped3A_463 = tpu.sem_alloc : memref<!tpu.dma_semaphore, #tpu.memory_space<semaphore_mem>>
      %dma_start3A = arith.constant 0 : i32
      %dma_start3A_464 = tpu.memref_slice %arg3[%select_n3A_9, %run_scoped3A_60, %dma_start3A] : memref<8x3x8192xf32, #tpu.memory_space<hbm>> -> memref<1x1x8192xf32, #tpu.memory_space<hbm>>
      %dma_start3A_465 = tpu.memref_squeeze %dma_start3A_464 : memref<1x1x8192xf32, #tpu.memory_space<hbm>> -> memref<8192xf32, #tpu.memory_space<hbm>>
      %dma_start3A_466 = arith.constant 0 : i32
      %dma_start3A_467 = tpu.memref_slice %arg3[%select_n3A_9, %run_scoped3A_60, %dma_start3A_466] : memref<8x3x8192xf32, #tpu.memory_space<hbm>> -> memref<1x1x8192xf32, #tpu.memory_space<hbm>>
      %dma_start3A_468 = tpu.memref_squeeze %dma_start3A_467 : memref<1x1x8192xf32, #tpu.memory_space<hbm>> -> memref<8192xf32, #tpu.memory_space<hbm>>
      tpu.enqueue_dma source(%dma_start3A_468 : memref<8192xf32, #tpu.memory_space<hbm>>) target(%arg15 : memref<8192xf32, #tpu.memory_space<vmem>>) target_semaphore(%run_scoped3A_463 : memref<!tpu.dma_semaphore, #tpu.memory_space<semaphore_mem>>)
      %dma_wait3A = arith.constant 0 : i32
      %dma_wait3A_469 = tpu.memref_slice %arg3[%select_n3A_9, %run_scoped3A_60, %dma_wait3A] : memref<8x3x8192xf32, #tpu.memory_space<hbm>> -> memref<1x1x8192xf32, #tpu.memory_space<hbm>>
      %dma_wait3A_470 = tpu.memref_squeeze %dma_wait3A_469 : memref<1x1x8192xf32, #tpu.memory_space<hbm>> -> memref<8192xf32, #tpu.memory_space<hbm>>
      %dma_wait3A_471 = arith.constant 0 : i32
      %dma_wait3A_472 = tpu.memref_slice %arg3[%select_n3A_9, %run_scoped3A_60, %dma_wait3A_471] : memref<8x3x8192xf32, #tpu.memory_space<hbm>> -> memref<1x1x8192xf32, #tpu.memory_space<hbm>>
      %dma_wait3A_473 = tpu.memref_squeeze %dma_wait3A_472 : memref<1x1x8192xf32, #tpu.memory_space<hbm>> -> memref<8192xf32, #tpu.memory_space<hbm>>
      tpu.wait_dma2 semaphore(%run_scoped3A_463 : memref<!tpu.dma_semaphore, #tpu.memory_space<semaphore_mem>>) src(%dma_wait3A_473 : memref<8192xf32, #tpu.memory_space<hbm>>) dst(%arg15 : memref<8192xf32, #tpu.memory_space<vmem>>)
      tpu.yield
    }) : () -> ()
    %run_scoped3A_61 = arith.constant 2 : i32
    "tpu.region"() ({
      %run_scoped3A_463 = tpu.sem_alloc : memref<!tpu.dma_semaphore, #tpu.memory_space<semaphore_mem>>
      %dma_start3A = arith.constant 0 : i32
      %dma_start3A_464 = tpu.memref_slice %arg3[%select_n3A_9, %run_scoped3A_61, %dma_start3A] : memref<8x3x8192xf32, #tpu.memory_space<hbm>> -> memref<1x1x8192xf32, #tpu.memory_space<hbm>>
      %dma_start3A_465 = tpu.memref_squeeze %dma_start3A_464 : memref<1x1x8192xf32, #tpu.memory_space<hbm>> -> memref<8192xf32, #tpu.memory_space<hbm>>
      %dma_start3A_466 = arith.constant 0 : i32
      %dma_start3A_467 = tpu.memref_slice %arg3[%select_n3A_9, %run_scoped3A_61, %dma_start3A_466] : memref<8x3x8192xf32, #tpu.memory_space<hbm>> -> memref<1x1x8192xf32, #tpu.memory_space<hbm>>
      %dma_start3A_468 = tpu.memref_squeeze %dma_start3A_467 : memref<1x1x8192xf32, #tpu.memory_space<hbm>> -> memref<8192xf32, #tpu.memory_space<hbm>>
      tpu.enqueue_dma source(%dma_start3A_468 : memref<8192xf32, #tpu.memory_space<hbm>>) target(%arg16 : memref<8192xf32, #tpu.memory_space<vmem>>) target_semaphore(%run_scoped3A_463 : memref<!tpu.dma_semaphore, #tpu.memory_space<semaphore_mem>>)
      %dma_wait3A = arith.constant 0 : i32
      %dma_wait3A_469 = tpu.memref_slice %arg3[%select_n3A_9, %run_scoped3A_61, %dma_wait3A] : memref<8x3x8192xf32, #tpu.memory_space<hbm>> -> memref<1x1x8192xf32, #tpu.memory_space<hbm>>
      %dma_wait3A_470 = tpu.memref_squeeze %dma_wait3A_469 : memref<1x1x8192xf32, #tpu.memory_space<hbm>> -> memref<8192xf32, #tpu.memory_space<hbm>>
      %dma_wait3A_471 = arith.constant 0 : i32
      %dma_wait3A_472 = tpu.memref_slice %arg3[%select_n3A_9, %run_scoped3A_61, %dma_wait3A_471] : memref<8x3x8192xf32, #tpu.memory_space<hbm>> -> memref<1x1x8192xf32, #tpu.memory_space<hbm>>
      %dma_wait3A_473 = tpu.memref_squeeze %dma_wait3A_472 : memref<1x1x8192xf32, #tpu.memory_space<hbm>> -> memref<8192xf32, #tpu.memory_space<hbm>>
      tpu.wait_dma2 semaphore(%run_scoped3A_463 : memref<!tpu.dma_semaphore, #tpu.memory_space<semaphore_mem>>) src(%dma_wait3A_473 : memref<8192xf32, #tpu.memory_space<hbm>>) dst(%arg16 : memref<8192xf32, #tpu.memory_space<vmem>>)
      tpu.yield
    }) : () -> ()
    "tpu.region"() ({
      %run_scoped3A_463 = tpu.sem_alloc : memref<!tpu.dma_semaphore, #tpu.memory_space<semaphore_mem>>
      tpu.enqueue_dma source(%arg4 : memref<16xi32, #tpu.memory_space<hbm>>) target(%arg38 : memref<16xi32, #tpu.memory_space<vmem>>) target_semaphore(%run_scoped3A_463 : memref<!tpu.dma_semaphore, #tpu.memory_space<semaphore_mem>>)
      tpu.wait_dma2 semaphore(%run_scoped3A_463 : memref<!tpu.dma_semaphore, #tpu.memory_space<semaphore_mem>>) src(%arg4 : memref<16xi32, #tpu.memory_space<hbm>>) dst(%arg38 : memref<16xi32, #tpu.memory_space<vmem>>)
      tpu.yield
    }) : () -> ()
    %get3A = arith.constant 0 : index
    %get3A_62 = tpu.vector_load %arg38[%get3A] {strides = array<i32>} : memref<16xi32, #tpu.memory_space<vmem>>, vector<16xi32>,
    %parallel_loop3A = arith.constant 0 : i32
    %parallel_loop3A_63 = arith.constant 8192 : i32
    %parallel_loop3A_64 = arith.constant 16 : i32
    scf.for %parallel_loop3A_463 = %parallel_loop3A to %parallel_loop3A_63 step %parallel_loop3A_64  : i32 {
      %parallel_loop3A_464 = arith.index_cast %parallel_loop3A_463 : i32 to index
      %parallel_loop3A_465 = tpu.vector_load %arg11[%parallel_loop3A_464] {strides = array<i32>} : memref<8192xf32, #tpu.memory_space<vmem>>, vector<16xf32>,
      %parallel_loop3A_466 = arith.index_cast %parallel_loop3A_463 : i32 to index
      %parallel_loop3A_467 = tpu.vector_load %arg12[%parallel_loop3A_466] {strides = array<i32>} : memref<8192xf32, #tpu.memory_space<vmem>>, vector<16xf32>,
      %parallel_loop3A_468 = arith.index_cast %parallel_loop3A_463 : i32 to index
      %parallel_loop3A_469 = tpu.vector_load %arg13[%parallel_loop3A_468] {strides = array<i32>} : memref<8192xf32, #tpu.memory_space<vmem>>, vector<16xf32>,
      %parallel_loop3A_470 = arith.mulf %parallel_loop3A_465, %parallel_loop3A_465 : vector<16xf32>
      %parallel_loop3A_471 = vector.bitcast %parallel_loop3A_470 : vector<16xf32> to vector<16xi32>
      %parallel_loop3A_472 = arith.xori %parallel_loop3A_471, %get3A_62 : vector<16xi32>
      %parallel_loop3A_473 = vector.bitcast %parallel_loop3A_472 : vector<16xi32> to vector<16xf32>
      %parallel_loop3A_474 = arith.mulf %parallel_loop3A_467, %parallel_loop3A_467 : vector<16xf32>
      %parallel_loop3A_475 = vector.bitcast %parallel_loop3A_474 : vector<16xf32> to vector<16xi32>
      %parallel_loop3A_476 = arith.xori %parallel_loop3A_475, %get3A_62 : vector<16xi32>
      %parallel_loop3A_477 = vector.bitcast %parallel_loop3A_476 : vector<16xi32> to vector<16xf32>
      %parallel_loop3A_478 = arith.addf %parallel_loop3A_473, %parallel_loop3A_477 : vector<16xf32>
      %parallel_loop3A_479 = arith.mulf %parallel_loop3A_469, %parallel_loop3A_469 : vector<16xf32>
      %parallel_loop3A_480 = vector.bitcast %parallel_loop3A_479 : vector<16xf32> to vector<16xi32>
      %parallel_loop3A_481 = arith.xori %parallel_loop3A_480, %get3A_62 : vector<16xi32>
      %parallel_loop3A_482 = vector.bitcast %parallel_loop3A_481 : vector<16xi32> to vector<16xf32>
      %parallel_loop3A_483 = arith.addf %parallel_loop3A_478, %parallel_loop3A_482 : vector<16xf32>
      %parallel_loop3A_484 = arith.index_cast %parallel_loop3A_463 : i32 to index
      %parallel_loop3A_485 = tpu.vector_load %arg20[%parallel_loop3A_484] {strides = array<i32>} : memref<8192xf32, #tpu.memory_space<vmem>>, vector<16xf32>,
      tpu.vector_store %arg20[%parallel_loop3A_484], %parallel_loop3A_483 {strides = array<i32>} : memref<8192xf32, #tpu.memory_space<vmem>>, vector<16xf32>,
      %parallel_loop3A_486 = vector.bitcast %parallel_loop3A_465 : vector<16xf32> to vector<16xi32>
      %parallel_loop3A_487 = arith.constant 32767 : i32
      %parallel_loop3A_488 = vector.broadcast %parallel_loop3A_487 : i32 to vector<16xi32>
      %parallel_loop3A_489 = arith.addi %parallel_loop3A_486, %parallel_loop3A_488 : vector<16xi32>
      %parallel_loop3A_490 = arith.constant 16 : i32
      %parallel_loop3A_491 = vector.broadcast %parallel_loop3A_490 : i32 to vector<16xi32>
      %parallel_loop3A_492 = arith.shrsi %parallel_loop3A_486, %parallel_loop3A_491 : vector<16xi32>
      %parallel_loop3A_493 = arith.constant 1 : i32
      %parallel_loop3A_494 = vector.broadcast %parallel_loop3A_493 : i32 to vector<16xi32>
      %parallel_loop3A_495 = arith.andi %parallel_loop3A_492, %parallel_loop3A_494 : vector<16xi32>
      %parallel_loop3A_496 = arith.addi %parallel_loop3A_489, %parallel_loop3A_495 : vector<16xi32>
      %parallel_loop3A_497 = arith.constant -65536 : i32
      %parallel_loop3A_498 = vector.broadcast %parallel_loop3A_497 : i32 to vector<16xi32>
      %parallel_loop3A_499 = arith.andi %parallel_loop3A_496, %parallel_loop3A_498 : vector<16xi32>
      %parallel_loop3A_500 = vector.bitcast %parallel_loop3A_499 : vector<16xi32> to vector<16xf32>
      %parallel_loop3A_501 = arith.index_cast %parallel_loop3A_463 : i32 to index
      %parallel_loop3A_502 = tpu.vector_load %arg17[%parallel_loop3A_501] {strides = array<i32>} : memref<8192xf32, #tpu.memory_space<vmem>>, vector<16xf32>,
      tpu.vector_store %arg17[%parallel_loop3A_501], %parallel_loop3A_500 {strides = array<i32>} : memref<8192xf32, #tpu.memory_space<vmem>>, vector<16xf32>,
      %parallel_loop3A_503 = vector.bitcast %parallel_loop3A_467 : vector<16xf32> to vector<16xi32>
      %parallel_loop3A_504 = arith.constant 32767 : i32
      %parallel_loop3A_505 = vector.broadcast %parallel_loop3A_504 : i32 to vector<16xi32>
      %parallel_loop3A_506 = arith.addi %parallel_loop3A_503, %parallel_loop3A_505 : vector<16xi32>
      %parallel_loop3A_507 = arith.constant 16 : i32
      %parallel_loop3A_508 = vector.broadcast %parallel_loop3A_507 : i32 to vector<16xi32>
      %parallel_loop3A_509 = arith.shrsi %parallel_loop3A_503, %parallel_loop3A_508 : vector<16xi32>
      %parallel_loop3A_510 = arith.constant 1 : i32
      %parallel_loop3A_511 = vector.broadcast %parallel_loop3A_510 : i32 to vector<16xi32>
      %parallel_loop3A_512 = arith.andi %parallel_loop3A_509, %parallel_loop3A_511 : vector<16xi32>
      %parallel_loop3A_513 = arith.addi %parallel_loop3A_506, %parallel_loop3A_512 : vector<16xi32>
      %parallel_loop3A_514 = arith.constant -65536 : i32
      %parallel_loop3A_515 = vector.broadcast %parallel_loop3A_514 : i32 to vector<16xi32>
      %parallel_loop3A_516 = arith.andi %parallel_loop3A_513, %parallel_loop3A_515 : vector<16xi32>
      %parallel_loop3A_517 = vector.bitcast %parallel_loop3A_516 : vector<16xi32> to vector<16xf32>
      %parallel_loop3A_518 = arith.index_cast %parallel_loop3A_463 : i32 to index
      %parallel_loop3A_519 = tpu.vector_load %arg18[%parallel_loop3A_518] {strides = array<i32>} : memref<8192xf32, #tpu.memory_space<vmem>>, vector<16xf32>,
      tpu.vector_store %arg18[%parallel_loop3A_518], %parallel_loop3A_517 {strides = array<i32>} : memref<8192xf32, #tpu.memory_space<vmem>>, vector<16xf32>,
      %parallel_loop3A_520 = vector.bitcast %parallel_loop3A_469 : vector<16xf32> to vector<16xi32>
      %parallel_loop3A_521 = arith.constant 32767 : i32
      %parallel_loop3A_522 = vector.broadcast %parallel_loop3A_521 : i32 to vector<16xi32>
      %parallel_loop3A_523 = arith.addi %parallel_loop3A_520, %parallel_loop3A_522 : vector<16xi32>
      %parallel_loop3A_524 = arith.constant 16 : i32
      %parallel_loop3A_525 = vector.broadcast %parallel_loop3A_524 : i32 to vector<16xi32>
      %parallel_loop3A_526 = arith.shrsi %parallel_loop3A_520, %parallel_loop3A_525 : vector<16xi32>
      %parallel_loop3A_527 = arith.constant 1 : i32
      %parallel_loop3A_528 = vector.broadcast %parallel_loop3A_527 : i32 to vector<16xi32>
      %parallel_loop3A_529 = arith.andi %parallel_loop3A_526, %parallel_loop3A_528 : vector<16xi32>
      %parallel_loop3A_530 = arith.addi %parallel_loop3A_523, %parallel_loop3A_529 : vector<16xi32>
      %parallel_loop3A_531 = arith.constant -65536 : i32
      %parallel_loop3A_532 = vector.broadcast %parallel_loop3A_531 : i32 to vector<16xi32>
      %parallel_loop3A_533 = arith.andi %parallel_loop3A_530, %parallel_loop3A_532 : vector<16xi32>
      %parallel_loop3A_534 = vector.bitcast %parallel_loop3A_533 : vector<16xi32> to vector<16xf32>
      %parallel_loop3A_535 = arith.index_cast %parallel_loop3A_463 : i32 to index
      %parallel_loop3A_536 = tpu.vector_load %arg19[%parallel_loop3A_535] {strides = array<i32>} : memref<8192xf32, #tpu.memory_space<vmem>>, vector<16xf32>,
      tpu.vector_store %arg19[%parallel_loop3A_535], %parallel_loop3A_534 {strides = array<i32>} : memref<8192xf32, #tpu.memory_space<vmem>>, vector<16xf32>,
      %parallel_loop3A_537 = arith.constant 1.000000e+10 : f32
      %parallel_loop3A_538 = vector.broadcast %parallel_loop3A_537 : f32 to vector<16xf32>
      %parallel_loop3A_539 = arith.index_cast %parallel_loop3A_463 : i32 to index
      %parallel_loop3A_540 = tpu.vector_load %arg21[%parallel_loop3A_539] {strides = array<i32>} : memref<8192xf32, #tpu.memory_space<vmem>>, vector<16xf32>,
      tpu.vector_store %arg21[%parallel_loop3A_539], %parallel_loop3A_538 {strides = array<i32>} : memref<8192xf32, #tpu.memory_space<vmem>>, vector<16xf32>,
    } {sc.loop_unroll_factor = 8 : i64, sc.parallel_access}
    %mul3A_65 = arith.constant 2048 : i32
    %mul3A_66 = arith.muli %select_n3A_30, %mul3A_65 : i32
    %scan3A = arith.constant 0 : i32
    %scan3A_67 = arith.constant 0 : i32
    %scan3A_68 = arith.constant 128 : i32
    %scan3A_69 = arith.addi %scan3A_67, %scan3A_68 : i32
    %scan3A_70 = arith.constant 1 : i32
    %scan3A_71 = scf.for %scan3A_463 = %scan3A_67 to %scan3A_69 step %scan3A_70 iter_args(%scan3A_464 = %scan3A) -> (i32)  : i32 {
      %broadcast_in_dim3A_465 = vector.broadcast %scan3A_464 : i32 to vector<16xi32>
      %broadcast_in_dim3A_466 = vector.broadcast %scan3A_463 : i32 to vector<16xi32>
      tpu.vector_store_idx %arg23[%broadcast_in_dim3A_466], %broadcast_in_dim3A_465 masked %eq3A_49 : memref<128xi32, #tpu.memory_space<vmem>>[vector<16xi32>], vector<16xi32>, vector<16xi1>
      %gather3A_467 = tpu.vector_load_idx %arg11[%broadcast_in_dim3A_465] : memref<8192xf32, #tpu.memory_space<vmem>>[vector<16xi32>], vector<16xf32>,
      %gather3A_468 = tpu.vector_load_idx %arg12[%broadcast_in_dim3A_465] : memref<8192xf32, #tpu.memory_space<vmem>>[vector<16xi32>], vector<16xf32>,
      %gather3A_469 = tpu.vector_load_idx %arg13[%broadcast_in_dim3A_465] : memref<8192xf32, #tpu.memory_space<vmem>>[vector<16xi32>], vector<16xf32>,
      %broadcast_in_dim3A_470 = arith.constant -1.000000e+00 : f32
      %broadcast_in_dim3A_471 = vector.broadcast %broadcast_in_dim3A_470 : f32 to vector<16xf32>
      %parallel_loop3A_472 = arith.constant 0 : i32
      %parallel_loop3A_473 = arith.constant 2048 : i32
      %parallel_loop3A_474 = arith.constant 16 : i32
      %parallel_loop3A_475:2 = scf.for %parallel_loop3A_538 = %parallel_loop3A_472 to %parallel_loop3A_473 step %parallel_loop3A_474 iter_args(%parallel_loop3A_539 = %broadcast_in_dim3A_471, %parallel_loop3A_540 = %broadcast_in_dim3A_50) -> (vector<16xf32>, vector<16xi32>)  : i32 {
        %parallel_loop3A_541 = arith.addi %mul3A_66, %parallel_loop3A_538 : i32
        %parallel_loop3A_542 = arith.index_cast %parallel_loop3A_541 : i32 to index
        %parallel_loop3A_543 = tpu.vector_load %arg11[%parallel_loop3A_542] {strides = array<i32>} : memref<8192xf32, #tpu.memory_space<vmem>>, vector<16xf32>,
        %parallel_loop3A_544 = arith.subf %parallel_loop3A_543, %gather3A_467 : vector<16xf32>
        %parallel_loop3A_545 = arith.index_cast %parallel_loop3A_541 : i32 to index
        %parallel_loop3A_546 = tpu.vector_load %arg12[%parallel_loop3A_545] {strides = array<i32>} : memref<8192xf32, #tpu.memory_space<vmem>>, vector<16xf32>,
        %parallel_loop3A_547 = arith.subf %parallel_loop3A_546, %gather3A_468 : vector<16xf32>
        %parallel_loop3A_548 = arith.index_cast %parallel_loop3A_541 : i32 to index
        %parallel_loop3A_549 = tpu.vector_load %arg13[%parallel_loop3A_548] {strides = array<i32>} : memref<8192xf32, #tpu.memory_space<vmem>>, vector<16xf32>,
        %parallel_loop3A_550 = arith.subf %parallel_loop3A_549, %gather3A_469 : vector<16xf32>
        %parallel_loop3A_551 = arith.mulf %parallel_loop3A_544, %parallel_loop3A_544 : vector<16xf32>
        %parallel_loop3A_552 = vector.bitcast %parallel_loop3A_551 : vector<16xf32> to vector<16xi32>
        %parallel_loop3A_553 = arith.xori %parallel_loop3A_552, %get3A_62 : vector<16xi32>
        %parallel_loop3A_554 = vector.bitcast %parallel_loop3A_553 : vector<16xi32> to vector<16xf32>
        %parallel_loop3A_555 = arith.mulf %parallel_loop3A_547, %parallel_loop3A_547 : vector<16xf32>
        %parallel_loop3A_556 = vector.bitcast %parallel_loop3A_555 : vector<16xf32> to vector<16xi32>
        %parallel_loop3A_557 = arith.xori %parallel_loop3A_556, %get3A_62 : vector<16xi32>
        %parallel_loop3A_558 = vector.bitcast %parallel_loop3A_557 : vector<16xi32> to vector<16xf32>
        %parallel_loop3A_559 = arith.addf %parallel_loop3A_554, %parallel_loop3A_558 : vector<16xf32>
        %parallel_loop3A_560 = arith.mulf %parallel_loop3A_550, %parallel_loop3A_550 : vector<16xf32>
        %parallel_loop3A_561 = vector.bitcast %parallel_loop3A_560 : vector<16xf32> to vector<16xi32>
        %parallel_loop3A_562 = arith.xori %parallel_loop3A_561, %get3A_62 : vector<16xi32>
        %parallel_loop3A_563 = vector.bitcast %parallel_loop3A_562 : vector<16xi32> to vector<16xf32>
        %parallel_loop3A_564 = arith.addf %parallel_loop3A_559, %parallel_loop3A_563 : vector<16xf32>
        %parallel_loop3A_565 = arith.index_cast %parallel_loop3A_541 : i32 to index
        %parallel_loop3A_566 = tpu.vector_load %arg21[%parallel_loop3A_565] {strides = array<i32>} : memref<8192xf32, #tpu.memory_space<vmem>>, vector<16xf32>,
        %parallel_loop3A_567 = arith.minimumf %parallel_loop3A_566, %parallel_loop3A_564 : vector<16xf32>
        %parallel_loop3A_568 = arith.index_cast %parallel_loop3A_541 : i32 to index
        %parallel_loop3A_569 = tpu.vector_load %arg21[%parallel_loop3A_568] {strides = array<i32>} : memref<8192xf32, #tpu.memory_space<vmem>>, vector<16xf32>,
        tpu.vector_store %arg21[%parallel_loop3A_568], %parallel_loop3A_567 {strides = array<i32>} : memref<8192xf32, #tpu.memory_space<vmem>>, vector<16xf32>,
        %parallel_loop3A_570 = arith.cmpf ogt, %parallel_loop3A_567, %parallel_loop3A_539 : vector<16xf32>
        %parallel_loop3A_571 = arith.addi %mul3A_66, %parallel_loop3A_538 : i32
        %parallel_loop3A_572 = vector.broadcast %parallel_loop3A_571 : i32 to vector<16xi32>
        %parallel_loop3A_573 = arith.addi %parallel_loop3A_572, %iota3A : vector<16xi32>
        %parallel_loop3A_574 = arith.select %parallel_loop3A_570, %parallel_loop3A_573, %parallel_loop3A_540 : vector<16xi1>, vector<16xi32>
        %parallel_loop3A_575 = arith.select %parallel_loop3A_570, %parallel_loop3A_567, %parallel_loop3A_539 : vector<16xi1>, vector<16xf32>
        scf.yield %parallel_loop3A_575, %parallel_loop3A_574 : vector<16xf32>, vector<16xi32>
      } {sc.loop_unroll_factor = 8 : i64, sc.parallel_access}
      %reduce_max3A = arith.constant true
      %reduce_max3A_476 = vector.broadcast %reduce_max3A : i1 to vector<16xi1>
      %reduce_max3A_477 = tpu.scan <max>, %parallel_loop3A_475#0 masked %reduce_max3A_476 : vector<16xf32>, vector<16xi1> -> vector<16xf32>
      %reduce_max3A_478 = vector.extract %reduce_max3A_477[15] : f32 from vector<16xf32>
      %eq3A_479 = vector.broadcast %reduce_max3A_478 : f32 to vector<16xf32>
      %eq3A_480 = arith.cmpf oeq, %parallel_loop3A_475#0, %eq3A_479 : vector<16xf32>
      %broadcast_in_dim3A_481 = arith.constant 8192 : i32
      %broadcast_in_dim3A_482 = vector.broadcast %broadcast_in_dim3A_481 : i32 to vector<16xi32>
      %select_n3A_483 = arith.select %eq3A_480, %parallel_loop3A_475#1, %broadcast_in_dim3A_482 : vector<16xi1>, vector<16xi32>
      %reduce_min3A = arith.constant true
      %reduce_min3A_484 = vector.broadcast %reduce_min3A : i1 to vector<16xi1>
      %reduce_min3A_485 = arith.constant -2147483648 : i32
      %reduce_min3A_486 = vector.broadcast %reduce_min3A_485 : i32 to vector<16xi32>
      %reduce_min3A_487 = arith.xori %select_n3A_483, %reduce_min3A_486 : vector<16xi32>
      %reduce_min3A_488 = tpu.scan <min>, %reduce_min3A_487 masked %reduce_min3A_484 : vector<16xi32>, vector<16xi1> -> vector<16xi32>
      %reduce_min3A_489 = arith.xori %reduce_min3A_488, %reduce_min3A_486 : vector<16xi32>
      %reduce_min3A_490 = vector.extract %reduce_min3A_489[15] : i32 from vector<16xi32>
      %broadcast_in_dim3A_491 = vector.broadcast %reduce_max3A_478 : f32 to vector<16xf32>
      %bitcast3A_492 = vector.bitcast %broadcast_in_dim3A_491 : vector<16xf32> to vector<16xi32>
      %eq3A_493 = arith.constant 1 : i32
      %eq3A_494 = vector.broadcast %eq3A_493 : i32 to vector<16xi32>
      %eq3A_495 = arith.cmpi eq, %iota3A, %eq3A_494 : vector<16xi32>
      %broadcast_in_dim3A_496 = vector.broadcast %reduce_min3A_490 : i32 to vector<16xi32>
      %select_n3A_497 = arith.select %eq3A_495, %broadcast_in_dim3A_496, %broadcast_in_dim3A_50 : vector<16xi1>, vector<16xi32>
      %select_n3A_498 = arith.select %eq3A_49, %bitcast3A_492, %select_n3A_497 : vector<16xi1>, vector<16xi32>
      %swap3A_499 = arith.constant 0 : index
      %swap3A_500 = tpu.vector_load %arg36[%swap3A_499] {strides = array<i32>} : memref<16xi32, #tpu.memory_space<vmem>>, vector<16xi32>,
      tpu.vector_store %arg36[%swap3A_499], %select_n3A_498 {strides = array<i32>} : memref<16xi32, #tpu.memory_space<vmem>>, vector<16xi32>,
      %and3A_501 = arith.constant 1 : i32
      %and3A_502 = arith.andi %scan3A_463, %and3A_501 : i32
      "tpu.region"() ({
        %run_scoped3A_538 = tpu.sem_alloc : memref<!tpu.dma_semaphore, #tpu.memory_space<semaphore_mem>>
        %dma_start3A = arith.constant 0 : i32
        %dma_start3A_539 = tpu.memref_slice %arg35[%and3A_502, %select_n3A_46, %select_n3A_30, %dma_start3A] : memref<2x4x4x16xi32, #tpu.memory_space<vmem_shared>> -> memref<1x1x1x16xi32, #tpu.memory_space<vmem_shared>>
        %dma_start3A_540 = tpu.memref_squeeze %dma_start3A_539 : memref<1x1x1x16xi32, #tpu.memory_space<vmem_shared>> -> memref<16xi32, #tpu.memory_space<vmem_shared>>
        %dma_start3A_541 = arith.constant 0 : i32
        %dma_start3A_542 = tpu.memref_slice %arg35[%and3A_502, %select_n3A_46, %select_n3A_30, %dma_start3A_541] : memref<2x4x4x16xi32, #tpu.memory_space<vmem_shared>> -> memref<1x1x1x16xi32, #tpu.memory_space<vmem_shared>>
        %dma_start3A_543 = tpu.memref_squeeze %dma_start3A_542 : memref<1x1x1x16xi32, #tpu.memory_space<vmem_shared>> -> memref<16xi32, #tpu.memory_space<vmem_shared>>
        tpu.enqueue_dma source(%arg36 : memref<16xi32, #tpu.memory_space<vmem>>) target(%dma_start3A_543 : memref<16xi32, #tpu.memory_space<vmem_shared>>) target_semaphore(%run_scoped3A_538 : memref<!tpu.dma_semaphore, #tpu.memory_space<semaphore_mem>>)
        %dma_wait3A = arith.constant 0 : i32
        %dma_wait3A_544 = tpu.memref_slice %arg35[%and3A_502, %select_n3A_46, %select_n3A_30, %dma_wait3A] : memref<2x4x4x16xi32, #tpu.memory_space<vmem_shared>> -> memref<1x1x1x16xi32, #tpu.memory_space<vmem_shared>>
        %dma_wait3A_545 = tpu.memref_squeeze %dma_wait3A_544 : memref<1x1x1x16xi32, #tpu.memory_space<vmem_shared>> -> memref<16xi32, #tpu.memory_space<vmem_shared>>
        %dma_wait3A_546 = arith.constant 0 : i32
        %dma_wait3A_547 = tpu.memref_slice %arg35[%and3A_502, %select_n3A_46, %select_n3A_30, %dma_wait3A_546] : memref<2x4x4x16xi32, #tpu.memory_space<vmem_shared>> -> memref<1x1x1x16xi32, #tpu.memory_space<vmem_shared>>
        %dma_wait3A_548 = tpu.memref_squeeze %dma_wait3A_547 : memref<1x1x1x16xi32, #tpu.memory_space<vmem_shared>> -> memref<16xi32, #tpu.memory_space<vmem_shared>>
        tpu.wait_dma2 semaphore(%run_scoped3A_538 : memref<!tpu.dma_semaphore, #tpu.memory_space<semaphore_mem>>) src(%arg36 : memref<16xi32, #tpu.memory_space<vmem>>) dst(%dma_wait3A_548 : memref<16xi32, #tpu.memory_space<vmem_shared>>)
        tpu.yield
      }) : () -> ()
      %barrier3A = arith.constant 0 : index
      tpu.barrier barrier_id(%barrier3A)
      "tpu.region"() ({
        %run_scoped3A_538 = tpu.sem_alloc : memref<!tpu.dma_semaphore, #tpu.memory_space<semaphore_mem>>
        %dma_start3A = arith.constant 0 : i32
        %dma_start3A_539 = arith.constant 0 : i32
        %dma_start3A_540 = tpu.memref_slice %arg35[%and3A_502, %select_n3A_46, %dma_start3A, %dma_start3A_539] : memref<2x4x4x16xi32, #tpu.memory_space<vmem_shared>> -> memref<1x1x4x16xi32, #tpu.memory_space<vmem_shared>>
        %dma_start3A_541 = tpu.memref_squeeze %dma_start3A_540 : memref<1x1x4x16xi32, #tpu.memory_space<vmem_shared>> -> memref<4x16xi32, #tpu.memory_space<vmem_shared>>
        %dma_start3A_542 = arith.constant 0 : i32
        %dma_start3A_543 = arith.constant 0 : i32
        %dma_start3A_544 = tpu.memref_slice %arg35[%and3A_502, %select_n3A_46, %dma_start3A_542, %dma_start3A_543] : memref<2x4x4x16xi32, #tpu.memory_space<vmem_shared>> -> memref<1x1x4x16xi32, #tpu.memory_space<vmem_shared>>
        %dma_start3A_545 = tpu.memref_squeeze %dma_start3A_544 : memref<1x1x4x16xi32, #tpu.memory_space<vmem_shared>> -> memref<4x16xi32, #tpu.memory_space<vmem_shared>>
        tpu.enqueue_dma source(%dma_start3A_545 : memref<4x16xi32, #tpu.memory_space<vmem_shared>>) target(%arg37 : memref<4x16xi32, #tpu.memory_space<vmem>>) target_semaphore(%run_scoped3A_538 : memref<!tpu.dma_semaphore, #tpu.memory_space<semaphore_mem>>)
        %dma_wait3A = arith.constant 0 : i32
        %dma_wait3A_546 = arith.constant 0 : i32
        %dma_wait3A_547 = tpu.memref_slice %arg35[%and3A_502, %select_n3A_46, %dma_wait3A, %dma_wait3A_546] : memref<2x4x4x16xi32, #tpu.memory_space<vmem_shared>> -> memref<1x1x4x16xi32, #tpu.memory_space<vmem_shared>>
        %dma_wait3A_548 = tpu.memref_squeeze %dma_wait3A_547 : memref<1x1x4x16xi32, #tpu.memory_space<vmem_shared>> -> memref<4x16xi32, #tpu.memory_space<vmem_shared>>
        %dma_wait3A_549 = arith.constant 0 : i32
        %dma_wait3A_550 = arith.constant 0 : i32
        %dma_wait3A_551 = tpu.memref_slice %arg35[%and3A_502, %select_n3A_46, %dma_wait3A_549, %dma_wait3A_550] : memref<2x4x4x16xi32, #tpu.memory_space<vmem_shared>> -> memref<1x1x4x16xi32, #tpu.memory_space<vmem_shared>>
        %dma_wait3A_552 = tpu.memref_squeeze %dma_wait3A_551 : memref<1x1x4x16xi32, #tpu.memory_space<vmem_shared>> -> memref<4x16xi32, #tpu.memory_space<vmem_shared>>
        tpu.wait_dma2 semaphore(%run_scoped3A_538 : memref<!tpu.dma_semaphore, #tpu.memory_space<semaphore_mem>>) src(%dma_wait3A_552 : memref<4x16xi32, #tpu.memory_space<vmem_shared>>) dst(%arg37 : memref<4x16xi32, #tpu.memory_space<vmem>>)
        tpu.yield
      }) : () -> ()
      %and3A_503 = arith.constant 3 : i32
      %and3A_504 = vector.broadcast %and3A_503 : i32 to vector<16xi32>
      %and3A_505 = arith.andi %iota3A, %and3A_504 : vector<16xi32>
      %gather3A_506 = tpu.vector_load_idx %arg37[%and3A_505, %broadcast_in_dim3A_50] : memref<4x16xi32, #tpu.memory_space<vmem>>[vector<16xi32>, vector<16xi32>], vector<16xi32>,
      %and3A_507 = arith.constant 3 : i32
      %and3A_508 = vector.broadcast %and3A_507 : i32 to vector<16xi32>
      %and3A_509 = arith.andi %iota3A, %and3A_508 : vector<16xi32>
      %gather3A_510 = tpu.vector_load_idx %arg37[%and3A_509, %broadcast_in_dim3A_52] : memref<4x16xi32, #tpu.memory_space<vmem>>[vector<16xi32>, vector<16xi32>], vector<16xi32>,
      %lt3A_511 = arith.constant 4 : i32
      %lt3A_512 = vector.broadcast %lt3A_511 : i32 to vector<16xi32>
      %lt3A_513 = arith.cmpi slt, %iota3A, %lt3A_512 : vector<16xi32>
      %broadcast_in_dim3A_514 = arith.constant -2147483648 : i32
      %broadcast_in_dim3A_515 = vector.broadcast %broadcast_in_dim3A_514 : i32 to vector<16xi32>
      %select_n3A_516 = arith.select %lt3A_513, %gather3A_506, %broadcast_in_dim3A_515 : vector<16xi1>, vector<16xi32>
      %reduce_max3A_517 = arith.constant true
      %reduce_max3A_518 = vector.broadcast %reduce_max3A_517 : i1 to vector<16xi1>
      %reduce_max3A_519 = arith.constant -2147483648 : i32
      %reduce_max3A_520 = vector.broadcast %reduce_max3A_519 : i32 to vector<16xi32>
      %reduce_max3A_521 = arith.xori %select_n3A_516, %reduce_max3A_520 : vector<16xi32>
      %reduce_max3A_522 = tpu.scan <max>, %reduce_max3A_521 masked %reduce_max3A_518 : vector<16xi32>, vector<16xi1> -> vector<16xi32>
      %reduce_max3A_523 = arith.xori %reduce_max3A_522, %reduce_max3A_520 : vector<16xi32>
      %reduce_max3A_524 = vector.extract %reduce_max3A_523[15] : i32 from vector<16xi32>
      %eq3A_525 = vector.broadcast %reduce_max3A_524 : i32 to vector<16xi32>
      %eq3A_526 = arith.cmpi eq, %select_n3A_516, %eq3A_525 : vector<16xi32>
      %broadcast_in_dim3A_527 = arith.constant 8192 : i32
      %broadcast_in_dim3A_528 = vector.broadcast %broadcast_in_dim3A_527 : i32 to vector<16xi32>
      %select_n3A_529 = arith.select %eq3A_526, %gather3A_510, %broadcast_in_dim3A_528 : vector<16xi1>, vector<16xi32>
      %reduce_min3A_530 = arith.constant true
      %reduce_min3A_531 = vector.broadcast %reduce_min3A_530 : i1 to vector<16xi1>
      %reduce_min3A_532 = arith.constant -2147483648 : i32
      %reduce_min3A_533 = vector.broadcast %reduce_min3A_532 : i32 to vector<16xi32>
      %reduce_min3A_534 = arith.xori %select_n3A_529, %reduce_min3A_533 : vector<16xi32>
      %reduce_min3A_535 = tpu.scan <min>, %reduce_min3A_534 masked %reduce_min3A_531 : vector<16xi32>, vector<16xi1> -> vector<16xi32>
      %reduce_min3A_536 = arith.xori %reduce_min3A_535, %reduce_min3A_533 : vector<16xi32>
      %reduce_min3A_537 = vector.extract %reduce_min3A_536[15] : i32 from vector<16xi32>
      scf.yield %reduce_min3A_537 : i32
    }
    %scan3A_72 = arith.constant 128 : i32
    %mul3A_73 = arith.constant 32 : i32
    %mul3A_74 = arith.muli %select_n3A_30, %mul3A_73 : i32
    %add3A_75 = arith.constant 0 : i32
    %add3A_76 = arith.addi %mul3A_74, %add3A_75 : i32
    %add3A_77 = vector.broadcast %add3A_76 : i32 to vector<16xi32>
    %add3A_78 = arith.addi %add3A_77, %iota3A : vector<16xi32>
    %gather3A = tpu.vector_load_idx %arg23[%add3A_78] : memref<128xi32, #tpu.memory_space<vmem>>[vector<16xi32>], vector<16xi32>,
    %add3A_79 = arith.constant 0 : i32
    %add3A_80 = vector.broadcast %add3A_79 : i32 to vector<16xi32>
    %add3A_81 = arith.addi %add3A_80, %iota3A : vector<16xi32>
    %gather3A_82 = tpu.vector_load_idx %arg11[%gather3A] : memref<8192xf32, #tpu.memory_space<vmem>>[vector<16xi32>], vector<16xf32>,
    %gather3A_83 = tpu.vector_load_idx %arg12[%gather3A] : memref<8192xf32, #tpu.memory_space<vmem>>[vector<16xi32>], vector<16xf32>,
    %gather3A_84 = tpu.vector_load_idx %arg13[%gather3A] : memref<8192xf32, #tpu.memory_space<vmem>>[vector<16xi32>], vector<16xf32>,
    %swap3A = arith.constant 0 : index
    %swap3A_85 = tpu.vector_load %arg31[%swap3A] {strides = array<i32>} : memref<32xf32, #tpu.memory_space<vmem>>, vector<16xf32>,
    tpu.vector_store %arg31[%swap3A], %gather3A_82 {strides = array<i32>} : memref<32xf32, #tpu.memory_space<vmem>>, vector<16xf32>,
    %swap3A_86 = arith.constant 0 : index
    %swap3A_87 = tpu.vector_load %arg32[%swap3A_86] {strides = array<i32>} : memref<32xf32, #tpu.memory_space<vmem>>, vector<16xf32>,
    tpu.vector_store %arg32[%swap3A_86], %gather3A_83 {strides = array<i32>} : memref<32xf32, #tpu.memory_space<vmem>>, vector<16xf32>,
    %swap3A_88 = arith.constant 0 : index
    %swap3A_89 = tpu.vector_load %arg33[%swap3A_88] {strides = array<i32>} : memref<32xf32, #tpu.memory_space<vmem>>, vector<16xf32>,
    tpu.vector_store %arg33[%swap3A_88], %gather3A_84 {strides = array<i32>} : memref<32xf32, #tpu.memory_space<vmem>>, vector<16xf32>,
    %mul3A_90 = arith.mulf %gather3A_84, %gather3A_84 : vector<16xf32>
    %bitcast3A = vector.bitcast %mul3A_90 : vector<16xf32> to vector<16xi32>
    %xor3A = arith.xori %bitcast3A, %get3A_62 : vector<16xi32>
    %bitcast3A_91 = vector.bitcast %xor3A : vector<16xi32> to vector<16xf32>
    %mul3A_92 = arith.mulf %gather3A_82, %gather3A_82 : vector<16xf32>
    %bitcast3A_93 = vector.bitcast %mul3A_92 : vector<16xf32> to vector<16xi32>
    %xor3A_94 = arith.xori %bitcast3A_93, %get3A_62 : vector<16xi32>
    %bitcast3A_95 = vector.bitcast %xor3A_94 : vector<16xi32> to vector<16xf32>
    %mul3A_96 = arith.constant 4.097000e+03 : f32
    %mul3A_97 = vector.broadcast %mul3A_96 : f32 to vector<16xf32>
    %mul3A_98 = arith.mulf %gather3A_82, %mul3A_97 : vector<16xf32>
    %bitcast3A_99 = vector.bitcast %mul3A_98 : vector<16xf32> to vector<16xi32>
    %xor3A_100 = arith.xori %bitcast3A_99, %get3A_62 : vector<16xi32>
    %bitcast3A_101 = vector.bitcast %xor3A_100 : vector<16xi32> to vector<16xf32>
    %sub3A_102 = arith.subf %bitcast3A_101, %gather3A_82 : vector<16xf32>
    %bitcast3A_103 = vector.bitcast %sub3A_102 : vector<16xf32> to vector<16xi32>
    %xor3A_104 = arith.xori %bitcast3A_103, %get3A_62 : vector<16xi32>
    %bitcast3A_105 = vector.bitcast %xor3A_104 : vector<16xi32> to vector<16xf32>
    %sub3A_106 = arith.subf %bitcast3A_101, %bitcast3A_105 : vector<16xf32>
    %bitcast3A_107 = vector.bitcast %sub3A_106 : vector<16xf32> to vector<16xi32>
    %xor3A_108 = arith.xori %bitcast3A_107, %get3A_62 : vector<16xi32>
    %bitcast3A_109 = vector.bitcast %xor3A_108 : vector<16xi32> to vector<16xf32>
    %sub3A_110 = arith.subf %gather3A_82, %bitcast3A_109 : vector<16xf32>
    %bitcast3A_111 = vector.bitcast %sub3A_110 : vector<16xf32> to vector<16xi32>
    %xor3A_112 = arith.xori %bitcast3A_111, %get3A_62 : vector<16xi32>
    %bitcast3A_113 = vector.bitcast %xor3A_112 : vector<16xi32> to vector<16xf32>
    %mul3A_114 = arith.mulf %bitcast3A_109, %bitcast3A_109 : vector<16xf32>
    %bitcast3A_115 = vector.bitcast %mul3A_114 : vector<16xf32> to vector<16xi32>
    %xor3A_116 = arith.xori %bitcast3A_115, %get3A_62 : vector<16xi32>
    %bitcast3A_117 = vector.bitcast %xor3A_116 : vector<16xi32> to vector<16xf32>
    %sub3A_118 = arith.subf %bitcast3A_117, %bitcast3A_95 : vector<16xf32>
    %bitcast3A_119 = vector.bitcast %sub3A_118 : vector<16xf32> to vector<16xi32>
    %xor3A_120 = arith.xori %bitcast3A_119, %get3A_62 : vector<16xi32>
    %bitcast3A_121 = vector.bitcast %xor3A_120 : vector<16xi32> to vector<16xf32>
    %mul3A_122 = arith.mulf %bitcast3A_109, %bitcast3A_113 : vector<16xf32>
    %bitcast3A_123 = vector.bitcast %mul3A_122 : vector<16xf32> to vector<16xi32>
    %xor3A_124 = arith.xori %bitcast3A_123, %get3A_62 : vector<16xi32>
    %bitcast3A_125 = vector.bitcast %xor3A_124 : vector<16xi32> to vector<16xf32>
    %mul3A_126 = arith.constant 2.000000e+00 : f32
    %mul3A_127 = vector.broadcast %mul3A_126 : f32 to vector<16xf32>
    %mul3A_128 = arith.mulf %mul3A_127, %bitcast3A_125 : vector<16xf32>
    %bitcast3A_129 = vector.bitcast %mul3A_128 : vector<16xf32> to vector<16xi32>
    %xor3A_130 = arith.xori %bitcast3A_129, %get3A_62 : vector<16xi32>
    %bitcast3A_131 = vector.bitcast %xor3A_130 : vector<16xi32> to vector<16xf32>
    %add3A_132 = arith.addf %bitcast3A_121, %bitcast3A_131 : vector<16xf32>
    %bitcast3A_133 = vector.bitcast %add3A_132 : vector<16xf32> to vector<16xi32>
    %xor3A_134 = arith.xori %bitcast3A_133, %get3A_62 : vector<16xi32>
    %bitcast3A_135 = vector.bitcast %xor3A_134 : vector<16xi32> to vector<16xf32>
    %mul3A_136 = arith.mulf %bitcast3A_113, %bitcast3A_113 : vector<16xf32>
    %bitcast3A_137 = vector.bitcast %mul3A_136 : vector<16xf32> to vector<16xi32>
    %xor3A_138 = arith.xori %bitcast3A_137, %get3A_62 : vector<16xi32>
    %bitcast3A_139 = vector.bitcast %xor3A_138 : vector<16xi32> to vector<16xf32>
    %add3A_140 = arith.addf %bitcast3A_135, %bitcast3A_139 : vector<16xf32>
    %add3A_141 = arith.addf %bitcast3A_95, %bitcast3A_91 : vector<16xf32>
    %bitcast3A_142 = vector.bitcast %add3A_141 : vector<16xf32> to vector<16xi32>
    %xor3A_143 = arith.xori %bitcast3A_142, %get3A_62 : vector<16xi32>
    %bitcast3A_144 = vector.bitcast %xor3A_143 : vector<16xi32> to vector<16xf32>
    %sub3A_145 = arith.subf %bitcast3A_144, %bitcast3A_95 : vector<16xf32>
    %bitcast3A_146 = vector.bitcast %sub3A_145 : vector<16xf32> to vector<16xi32>
    %xor3A_147 = arith.xori %bitcast3A_146, %get3A_62 : vector<16xi32>
    %bitcast3A_148 = vector.bitcast %xor3A_147 : vector<16xi32> to vector<16xf32>
    %sub3A_149 = arith.subf %bitcast3A_144, %bitcast3A_148 : vector<16xf32>
    %bitcast3A_150 = vector.bitcast %sub3A_149 : vector<16xf32> to vector<16xi32>
    %xor3A_151 = arith.xori %bitcast3A_150, %get3A_62 : vector<16xi32>
    %bitcast3A_152 = vector.bitcast %xor3A_151 : vector<16xi32> to vector<16xf32>
    %sub3A_153 = arith.subf %bitcast3A_95, %bitcast3A_152 : vector<16xf32>
    %bitcast3A_154 = vector.bitcast %sub3A_153 : vector<16xf32> to vector<16xi32>
    %xor3A_155 = arith.xori %bitcast3A_154, %get3A_62 : vector<16xi32>
    %bitcast3A_156 = vector.bitcast %xor3A_155 : vector<16xi32> to vector<16xf32>
    %sub3A_157 = arith.subf %bitcast3A_91, %bitcast3A_148 : vector<16xf32>
    %bitcast3A_158 = vector.bitcast %sub3A_157 : vector<16xf32> to vector<16xi32>
    %xor3A_159 = arith.xori %bitcast3A_158, %get3A_62 : vector<16xi32>
    %bitcast3A_160 = vector.bitcast %xor3A_159 : vector<16xi32> to vector<16xf32>
    %add3A_161 = arith.addf %bitcast3A_156, %bitcast3A_160 : vector<16xf32>
    %bitcast3A_162 = vector.bitcast %add3A_161 : vector<16xf32> to vector<16xi32>
    %xor3A_163 = arith.xori %bitcast3A_162, %get3A_62 : vector<16xi32>
    %bitcast3A_164 = vector.bitcast %xor3A_163 : vector<16xi32> to vector<16xf32>
    %bitcast3A_165 = vector.bitcast %add3A_140 : vector<16xf32> to vector<16xi32>
    %xor3A_166 = arith.xori %bitcast3A_165, %get3A_62 : vector<16xi32>
    %bitcast3A_167 = vector.bitcast %xor3A_166 : vector<16xi32> to vector<16xf32>
    %add3A_168 = arith.addf %bitcast3A_164, %bitcast3A_167 : vector<16xf32>
    %bitcast3A_169 = vector.bitcast %add3A_168 : vector<16xf32> to vector<16xi32>
    %xor3A_170 = arith.xori %bitcast3A_169, %get3A_62 : vector<16xi32>
    %bitcast3A_171 = vector.bitcast %xor3A_170 : vector<16xi32> to vector<16xf32>
    %add3A_172 = arith.addf %bitcast3A_144, %bitcast3A_171 : vector<16xf32>
    %mul3A_173 = arith.mulf %gather3A_83, %gather3A_83 : vector<16xf32>
    %bitcast3A_174 = vector.bitcast %mul3A_173 : vector<16xf32> to vector<16xi32>
    %xor3A_175 = arith.xori %bitcast3A_174, %get3A_62 : vector<16xi32>
    %bitcast3A_176 = vector.bitcast %xor3A_175 : vector<16xi32> to vector<16xf32>
    %mul3A_177 = arith.constant 4.097000e+03 : f32
    %mul3A_178 = vector.broadcast %mul3A_177 : f32 to vector<16xf32>
    %mul3A_179 = arith.mulf %gather3A_83, %mul3A_178 : vector<16xf32>
    %bitcast3A_180 = vector.bitcast %mul3A_179 : vector<16xf32> to vector<16xi32>
    %xor3A_181 = arith.xori %bitcast3A_180, %get3A_62 : vector<16xi32>
    %bitcast3A_182 = vector.bitcast %xor3A_181 : vector<16xi32> to vector<16xf32>
    %sub3A_183 = arith.subf %bitcast3A_182, %gather3A_83 : vector<16xf32>
    %bitcast3A_184 = vector.bitcast %sub3A_183 : vector<16xf32> to vector<16xi32>
    %xor3A_185 = arith.xori %bitcast3A_184, %get3A_62 : vector<16xi32>
    %bitcast3A_186 = vector.bitcast %xor3A_185 : vector<16xi32> to vector<16xf32>
    %sub3A_187 = arith.subf %bitcast3A_182, %bitcast3A_186 : vector<16xf32>
    %bitcast3A_188 = vector.bitcast %sub3A_187 : vector<16xf32> to vector<16xi32>
    %xor3A_189 = arith.xori %bitcast3A_188, %get3A_62 : vector<16xi32>
    %bitcast3A_190 = vector.bitcast %xor3A_189 : vector<16xi32> to vector<16xf32>
    %sub3A_191 = arith.subf %gather3A_83, %bitcast3A_190 : vector<16xf32>
    %bitcast3A_192 = vector.bitcast %sub3A_191 : vector<16xf32> to vector<16xi32>
    %xor3A_193 = arith.xori %bitcast3A_192, %get3A_62 : vector<16xi32>
    %bitcast3A_194 = vector.bitcast %xor3A_193 : vector<16xi32> to vector<16xf32>
    %mul3A_195 = arith.mulf %bitcast3A_190, %bitcast3A_190 : vector<16xf32>
    %bitcast3A_196 = vector.bitcast %mul3A_195 : vector<16xf32> to vector<16xi32>
    %xor3A_197 = arith.xori %bitcast3A_196, %get3A_62 : vector<16xi32>
    %bitcast3A_198 = vector.bitcast %xor3A_197 : vector<16xi32> to vector<16xf32>
    %sub3A_199 = arith.subf %bitcast3A_198, %bitcast3A_176 : vector<16xf32>
    %bitcast3A_200 = vector.bitcast %sub3A_199 : vector<16xf32> to vector<16xi32>
    %xor3A_201 = arith.xori %bitcast3A_200, %get3A_62 : vector<16xi32>
    %bitcast3A_202 = vector.bitcast %xor3A_201 : vector<16xi32> to vector<16xf32>
    %mul3A_203 = arith.mulf %bitcast3A_190, %bitcast3A_194 : vector<16xf32>
    %bitcast3A_204 = vector.bitcast %mul3A_203 : vector<16xf32> to vector<16xi32>
    %xor3A_205 = arith.xori %bitcast3A_204, %get3A_62 : vector<16xi32>
    %bitcast3A_206 = vector.bitcast %xor3A_205 : vector<16xi32> to vector<16xf32>
    %mul3A_207 = arith.constant 2.000000e+00 : f32
    %mul3A_208 = vector.broadcast %mul3A_207 : f32 to vector<16xf32>
    %mul3A_209 = arith.mulf %mul3A_208, %bitcast3A_206 : vector<16xf32>
    %bitcast3A_210 = vector.bitcast %mul3A_209 : vector<16xf32> to vector<16xi32>
    %xor3A_211 = arith.xori %bitcast3A_210, %get3A_62 : vector<16xi32>
    %bitcast3A_212 = vector.bitcast %xor3A_211 : vector<16xi32> to vector<16xf32>
    %add3A_213 = arith.addf %bitcast3A_202, %bitcast3A_212 : vector<16xf32>
    %bitcast3A_214 = vector.bitcast %add3A_213 : vector<16xf32> to vector<16xi32>
    %xor3A_215 = arith.xori %bitcast3A_214, %get3A_62 : vector<16xi32>
    %bitcast3A_216 = vector.bitcast %xor3A_215 : vector<16xi32> to vector<16xf32>
    %mul3A_217 = arith.mulf %bitcast3A_194, %bitcast3A_194 : vector<16xf32>
    %bitcast3A_218 = vector.bitcast %mul3A_217 : vector<16xf32> to vector<16xi32>
    %xor3A_219 = arith.xori %bitcast3A_218, %get3A_62 : vector<16xi32>
    %bitcast3A_220 = vector.bitcast %xor3A_219 : vector<16xi32> to vector<16xf32>
    %add3A_221 = arith.addf %bitcast3A_216, %bitcast3A_220 : vector<16xf32>
    %add3A_222 = arith.addf %bitcast3A_176, %add3A_172 : vector<16xf32>
    %bitcast3A_223 = vector.bitcast %add3A_222 : vector<16xf32> to vector<16xi32>
    %xor3A_224 = arith.xori %bitcast3A_223, %get3A_62 : vector<16xi32>
    %bitcast3A_225 = vector.bitcast %xor3A_224 : vector<16xi32> to vector<16xf32>
    %sub3A_226 = arith.subf %bitcast3A_225, %bitcast3A_176 : vector<16xf32>
    %bitcast3A_227 = vector.bitcast %sub3A_226 : vector<16xf32> to vector<16xi32>
    %xor3A_228 = arith.xori %bitcast3A_227, %get3A_62 : vector<16xi32>
    %bitcast3A_229 = vector.bitcast %xor3A_228 : vector<16xi32> to vector<16xf32>
    %sub3A_230 = arith.subf %bitcast3A_225, %bitcast3A_229 : vector<16xf32>
    %bitcast3A_231 = vector.bitcast %sub3A_230 : vector<16xf32> to vector<16xi32>
    %xor3A_232 = arith.xori %bitcast3A_231, %get3A_62 : vector<16xi32>
    %bitcast3A_233 = vector.bitcast %xor3A_232 : vector<16xi32> to vector<16xf32>
    %sub3A_234 = arith.subf %bitcast3A_176, %bitcast3A_233 : vector<16xf32>
    %bitcast3A_235 = vector.bitcast %sub3A_234 : vector<16xf32> to vector<16xi32>
    %xor3A_236 = arith.xori %bitcast3A_235, %get3A_62 : vector<16xi32>
    %bitcast3A_237 = vector.bitcast %xor3A_236 : vector<16xi32> to vector<16xf32>
    %sub3A_238 = arith.subf %add3A_172, %bitcast3A_229 : vector<16xf32>
    %bitcast3A_239 = vector.bitcast %sub3A_238 : vector<16xf32> to vector<16xi32>
    %xor3A_240 = arith.xori %bitcast3A_239, %get3A_62 : vector<16xi32>
    %bitcast3A_241 = vector.bitcast %xor3A_240 : vector<16xi32> to vector<16xf32>
    %add3A_242 = arith.addf %bitcast3A_237, %bitcast3A_241 : vector<16xf32>
    %bitcast3A_243 = vector.bitcast %add3A_242 : vector<16xf32> to vector<16xi32>
    %xor3A_244 = arith.xori %bitcast3A_243, %get3A_62 : vector<16xi32>
    %bitcast3A_245 = vector.bitcast %xor3A_244 : vector<16xi32> to vector<16xf32>
    %bitcast3A_246 = vector.bitcast %add3A_221 : vector<16xf32> to vector<16xi32>
    %xor3A_247 = arith.xori %bitcast3A_246, %get3A_62 : vector<16xi32>
    %bitcast3A_248 = vector.bitcast %xor3A_247 : vector<16xi32> to vector<16xf32>
    %add3A_249 = arith.addf %bitcast3A_245, %bitcast3A_248 : vector<16xf32>
    %bitcast3A_250 = vector.bitcast %add3A_249 : vector<16xf32> to vector<16xi32>
    %xor3A_251 = arith.xori %bitcast3A_250, %get3A_62 : vector<16xi32>
    %bitcast3A_252 = vector.bitcast %xor3A_251 : vector<16xi32> to vector<16xf32>
    %add3A_253 = arith.addf %bitcast3A_225, %bitcast3A_252 : vector<16xf32>
    %swap3A_254 = arith.constant 0 : index
    %swap3A_255 = tpu.vector_load %arg34[%swap3A_254] {strides = array<i32>} : memref<32xf32, #tpu.memory_space<vmem>>, vector<16xf32>,
    tpu.vector_store %arg34[%swap3A_254], %add3A_253 {strides = array<i32>} : memref<32xf32, #tpu.memory_space<vmem>>, vector<16xf32>,
    tpu.vector_store_idx %arg29[%add3A_81, %broadcast_in_dim3A_50], %gather3A_82 : memref<32x3xf32, #tpu.memory_space<vmem>>[vector<16xi32>, vector<16xi32>], vector<16xf32>,
    tpu.vector_store_idx %arg29[%add3A_81, %broadcast_in_dim3A_52], %gather3A_83 : memref<32x3xf32, #tpu.memory_space<vmem>>[vector<16xi32>, vector<16xi32>], vector<16xf32>,
    tpu.vector_store_idx %arg29[%add3A_81, %broadcast_in_dim3A_54], %gather3A_84 : memref<32x3xf32, #tpu.memory_space<vmem>>[vector<16xi32>, vector<16xi32>], vector<16xf32>,
    %gather3A_256 = tpu.vector_load_idx %arg14[%gather3A] : memref<8192xf32, #tpu.memory_space<vmem>>[vector<16xi32>], vector<16xf32>,
    tpu.vector_store_idx %arg30[%add3A_81, %broadcast_in_dim3A_50], %gather3A_256 : memref<32x3xf32, #tpu.memory_space<vmem>>[vector<16xi32>, vector<16xi32>], vector<16xf32>,
    %gather3A_257 = tpu.vector_load_idx %arg15[%gather3A] : memref<8192xf32, #tpu.memory_space<vmem>>[vector<16xi32>], vector<16xf32>,
    tpu.vector_store_idx %arg30[%add3A_81, %broadcast_in_dim3A_52], %gather3A_257 : memref<32x3xf32, #tpu.memory_space<vmem>>[vector<16xi32>, vector<16xi32>], vector<16xf32>,
    %gather3A_258 = tpu.vector_load_idx %arg16[%gather3A] : memref<8192xf32, #tpu.memory_space<vmem>>[vector<16xi32>], vector<16xf32>,
    tpu.vector_store_idx %arg30[%add3A_81, %broadcast_in_dim3A_54], %gather3A_258 : memref<32x3xf32, #tpu.memory_space<vmem>>[vector<16xi32>, vector<16xi32>], vector<16xf32>,
    %mul3A_259 = arith.constant 32 : i32
    %mul3A_260 = arith.muli %select_n3A_30, %mul3A_259 : i32
    %add3A_261 = arith.constant 16 : i32
    %add3A_262 = arith.addi %mul3A_260, %add3A_261 : i32
    %add3A_263 = vector.broadcast %add3A_262 : i32 to vector<16xi32>
    %add3A_264 = arith.addi %add3A_263, %iota3A : vector<16xi32>
    %gather3A_265 = tpu.vector_load_idx %arg23[%add3A_264] : memref<128xi32, #tpu.memory_space<vmem>>[vector<16xi32>], vector<16xi32>,
    %add3A_266 = arith.constant 16 : i32
    %add3A_267 = vector.broadcast %add3A_266 : i32 to vector<16xi32>
    %add3A_268 = arith.addi %add3A_267, %iota3A : vector<16xi32>
    %gather3A_269 = tpu.vector_load_idx %arg11[%gather3A_265] : memref<8192xf32, #tpu.memory_space<vmem>>[vector<16xi32>], vector<16xf32>,
    %gather3A_270 = tpu.vector_load_idx %arg12[%gather3A_265] : memref<8192xf32, #tpu.memory_space<vmem>>[vector<16xi32>], vector<16xf32>,
    %gather3A_271 = tpu.vector_load_idx %arg13[%gather3A_265] : memref<8192xf32, #tpu.memory_space<vmem>>[vector<16xi32>], vector<16xf32>,
    %swap3A_272 = arith.constant 16 : index
    %swap3A_273 = tpu.vector_load %arg31[%swap3A_272] {strides = array<i32>} : memref<32xf32, #tpu.memory_space<vmem>>, vector<16xf32>,
    tpu.vector_store %arg31[%swap3A_272], %gather3A_269 {strides = array<i32>} : memref<32xf32, #tpu.memory_space<vmem>>, vector<16xf32>,
    %swap3A_274 = arith.constant 16 : index
    %swap3A_275 = tpu.vector_load %arg32[%swap3A_274] {strides = array<i32>} : memref<32xf32, #tpu.memory_space<vmem>>, vector<16xf32>,
    tpu.vector_store %arg32[%swap3A_274], %gather3A_270 {strides = array<i32>} : memref<32xf32, #tpu.memory_space<vmem>>, vector<16xf32>,
    %swap3A_276 = arith.constant 16 : index
    %swap3A_277 = tpu.vector_load %arg33[%swap3A_276] {strides = array<i32>} : memref<32xf32, #tpu.memory_space<vmem>>, vector<16xf32>,
    tpu.vector_store %arg33[%swap3A_276], %gather3A_271 {strides = array<i32>} : memref<32xf32, #tpu.memory_space<vmem>>, vector<16xf32>,
    %mul3A_278 = arith.mulf %gather3A_271, %gather3A_271 : vector<16xf32>
    %bitcast3A_279 = vector.bitcast %mul3A_278 : vector<16xf32> to vector<16xi32>
    %xor3A_280 = arith.xori %bitcast3A_279, %get3A_62 : vector<16xi32>
    %bitcast3A_281 = vector.bitcast %xor3A_280 : vector<16xi32> to vector<16xf32>
    %mul3A_282 = arith.mulf %gather3A_269, %gather3A_269 : vector<16xf32>
    %bitcast3A_283 = vector.bitcast %mul3A_282 : vector<16xf32> to vector<16xi32>
    %xor3A_284 = arith.xori %bitcast3A_283, %get3A_62 : vector<16xi32>
    %bitcast3A_285 = vector.bitcast %xor3A_284 : vector<16xi32> to vector<16xf32>
    %mul3A_286 = arith.constant 4.097000e+03 : f32
    %mul3A_287 = vector.broadcast %mul3A_286 : f32 to vector<16xf32>
    %mul3A_288 = arith.mulf %gather3A_269, %mul3A_287 : vector<16xf32>
    %bitcast3A_289 = vector.bitcast %mul3A_288 : vector<16xf32> to vector<16xi32>
    %xor3A_290 = arith.xori %bitcast3A_289, %get3A_62 : vector<16xi32>
    %bitcast3A_291 = vector.bitcast %xor3A_290 : vector<16xi32> to vector<16xf32>
    %sub3A_292 = arith.subf %bitcast3A_291, %gather3A_269 : vector<16xf32>
    %bitcast3A_293 = vector.bitcast %sub3A_292 : vector<16xf32> to vector<16xi32>
    %xor3A_294 = arith.xori %bitcast3A_293, %get3A_62 : vector<16xi32>
    %bitcast3A_295 = vector.bitcast %xor3A_294 : vector<16xi32> to vector<16xf32>
    %sub3A_296 = arith.subf %bitcast3A_291, %bitcast3A_295 : vector<16xf32>
    %bitcast3A_297 = vector.bitcast %sub3A_296 : vector<16xf32> to vector<16xi32>
    %xor3A_298 = arith.xori %bitcast3A_297, %get3A_62 : vector<16xi32>
    %bitcast3A_299 = vector.bitcast %xor3A_298 : vector<16xi32> to vector<16xf32>
    %sub3A_300 = arith.subf %gather3A_269, %bitcast3A_299 : vector<16xf32>
    %bitcast3A_301 = vector.bitcast %sub3A_300 : vector<16xf32> to vector<16xi32>
    %xor3A_302 = arith.xori %bitcast3A_301, %get3A_62 : vector<16xi32>
    %bitcast3A_303 = vector.bitcast %xor3A_302 : vector<16xi32> to vector<16xf32>
    %mul3A_304 = arith.mulf %bitcast3A_299, %bitcast3A_299 : vector<16xf32>
    %bitcast3A_305 = vector.bitcast %mul3A_304 : vector<16xf32> to vector<16xi32>
    %xor3A_306 = arith.xori %bitcast3A_305, %get3A_62 : vector<16xi32>
    %bitcast3A_307 = vector.bitcast %xor3A_306 : vector<16xi32> to vector<16xf32>
    %sub3A_308 = arith.subf %bitcast3A_307, %bitcast3A_285 : vector<16xf32>
    %bitcast3A_309 = vector.bitcast %sub3A_308 : vector<16xf32> to vector<16xi32>
    %xor3A_310 = arith.xori %bitcast3A_309, %get3A_62 : vector<16xi32>
    %bitcast3A_311 = vector.bitcast %xor3A_310 : vector<16xi32> to vector<16xf32>
    %mul3A_312 = arith.mulf %bitcast3A_299, %bitcast3A_303 : vector<16xf32>
    %bitcast3A_313 = vector.bitcast %mul3A_312 : vector<16xf32> to vector<16xi32>
    %xor3A_314 = arith.xori %bitcast3A_313, %get3A_62 : vector<16xi32>
    %bitcast3A_315 = vector.bitcast %xor3A_314 : vector<16xi32> to vector<16xf32>
    %mul3A_316 = arith.constant 2.000000e+00 : f32
    %mul3A_317 = vector.broadcast %mul3A_316 : f32 to vector<16xf32>
    %mul3A_318 = arith.mulf %mul3A_317, %bitcast3A_315 : vector<16xf32>
    %bitcast3A_319 = vector.bitcast %mul3A_318 : vector<16xf32> to vector<16xi32>
    %xor3A_320 = arith.xori %bitcast3A_319, %get3A_62 : vector<16xi32>
    %bitcast3A_321 = vector.bitcast %xor3A_320 : vector<16xi32> to vector<16xf32>
    %add3A_322 = arith.addf %bitcast3A_311, %bitcast3A_321 : vector<16xf32>
    %bitcast3A_323 = vector.bitcast %add3A_322 : vector<16xf32> to vector<16xi32>
    %xor3A_324 = arith.xori %bitcast3A_323, %get3A_62 : vector<16xi32>
    %bitcast3A_325 = vector.bitcast %xor3A_324 : vector<16xi32> to vector<16xf32>
    %mul3A_326 = arith.mulf %bitcast3A_303, %bitcast3A_303 : vector<16xf32>
    %bitcast3A_327 = vector.bitcast %mul3A_326 : vector<16xf32> to vector<16xi32>
    %xor3A_328 = arith.xori %bitcast3A_327, %get3A_62 : vector<16xi32>
    %bitcast3A_329 = vector.bitcast %xor3A_328 : vector<16xi32> to vector<16xf32>
    %add3A_330 = arith.addf %bitcast3A_325, %bitcast3A_329 : vector<16xf32>
    %add3A_331 = arith.addf %bitcast3A_285, %bitcast3A_281 : vector<16xf32>
    %bitcast3A_332 = vector.bitcast %add3A_331 : vector<16xf32> to vector<16xi32>
    %xor3A_333 = arith.xori %bitcast3A_332, %get3A_62 : vector<16xi32>
    %bitcast3A_334 = vector.bitcast %xor3A_333 : vector<16xi32> to vector<16xf32>
    %sub3A_335 = arith.subf %bitcast3A_334, %bitcast3A_285 : vector<16xf32>
    %bitcast3A_336 = vector.bitcast %sub3A_335 : vector<16xf32> to vector<16xi32>
    %xor3A_337 = arith.xori %bitcast3A_336, %get3A_62 : vector<16xi32>
    %bitcast3A_338 = vector.bitcast %xor3A_337 : vector<16xi32> to vector<16xf32>
    %sub3A_339 = arith.subf %bitcast3A_334, %bitcast3A_338 : vector<16xf32>
    %bitcast3A_340 = vector.bitcast %sub3A_339 : vector<16xf32> to vector<16xi32>
    %xor3A_341 = arith.xori %bitcast3A_340, %get3A_62 : vector<16xi32>
    %bitcast3A_342 = vector.bitcast %xor3A_341 : vector<16xi32> to vector<16xf32>
    %sub3A_343 = arith.subf %bitcast3A_285, %bitcast3A_342 : vector<16xf32>
    %bitcast3A_344 = vector.bitcast %sub3A_343 : vector<16xf32> to vector<16xi32>
    %xor3A_345 = arith.xori %bitcast3A_344, %get3A_62 : vector<16xi32>
    %bitcast3A_346 = vector.bitcast %xor3A_345 : vector<16xi32> to vector<16xf32>
    %sub3A_347 = arith.subf %bitcast3A_281, %bitcast3A_338 : vector<16xf32>
    %bitcast3A_348 = vector.bitcast %sub3A_347 : vector<16xf32> to vector<16xi32>
    %xor3A_349 = arith.xori %bitcast3A_348, %get3A_62 : vector<16xi32>
    %bitcast3A_350 = vector.bitcast %xor3A_349 : vector<16xi32> to vector<16xf32>
    %add3A_351 = arith.addf %bitcast3A_346, %bitcast3A_350 : vector<16xf32>
    %bitcast3A_352 = vector.bitcast %add3A_351 : vector<16xf32> to vector<16xi32>
    %xor3A_353 = arith.xori %bitcast3A_352, %get3A_62 : vector<16xi32>
    %bitcast3A_354 = vector.bitcast %xor3A_353 : vector<16xi32> to vector<16xf32>
    %bitcast3A_355 = vector.bitcast %add3A_330 : vector<16xf32> to vector<16xi32>
    %xor3A_356 = arith.xori %bitcast3A_355, %get3A_62 : vector<16xi32>
    %bitcast3A_357 = vector.bitcast %xor3A_356 : vector<16xi32> to vector<16xf32>
    %add3A_358 = arith.addf %bitcast3A_354, %bitcast3A_357 : vector<16xf32>
    %bitcast3A_359 = vector.bitcast %add3A_358 : vector<16xf32> to vector<16xi32>
    %xor3A_360 = arith.xori %bitcast3A_359, %get3A_62 : vector<16xi32>
    %bitcast3A_361 = vector.bitcast %xor3A_360 : vector<16xi32> to vector<16xf32>
    %add3A_362 = arith.addf %bitcast3A_334, %bitcast3A_361 : vector<16xf32>
    %mul3A_363 = arith.mulf %gather3A_270, %gather3A_270 : vector<16xf32>
    %bitcast3A_364 = vector.bitcast %mul3A_363 : vector<16xf32> to vector<16xi32>
    %xor3A_365 = arith.xori %bitcast3A_364, %get3A_62 : vector<16xi32>
    %bitcast3A_366 = vector.bitcast %xor3A_365 : vector<16xi32> to vector<16xf32>
    %mul3A_367 = arith.constant 4.097000e+03 : f32
    %mul3A_368 = vector.broadcast %mul3A_367 : f32 to vector<16xf32>
    %mul3A_369 = arith.mulf %gather3A_270, %mul3A_368 : vector<16xf32>
    %bitcast3A_370 = vector.bitcast %mul3A_369 : vector<16xf32> to vector<16xi32>
    %xor3A_371 = arith.xori %bitcast3A_370, %get3A_62 : vector<16xi32>
    %bitcast3A_372 = vector.bitcast %xor3A_371 : vector<16xi32> to vector<16xf32>
    %sub3A_373 = arith.subf %bitcast3A_372, %gather3A_270 : vector<16xf32>
    %bitcast3A_374 = vector.bitcast %sub3A_373 : vector<16xf32> to vector<16xi32>
    %xor3A_375 = arith.xori %bitcast3A_374, %get3A_62 : vector<16xi32>
    %bitcast3A_376 = vector.bitcast %xor3A_375 : vector<16xi32> to vector<16xf32>
    %sub3A_377 = arith.subf %bitcast3A_372, %bitcast3A_376 : vector<16xf32>
    %bitcast3A_378 = vector.bitcast %sub3A_377 : vector<16xf32> to vector<16xi32>
    %xor3A_379 = arith.xori %bitcast3A_378, %get3A_62 : vector<16xi32>
    %bitcast3A_380 = vector.bitcast %xor3A_379 : vector<16xi32> to vector<16xf32>
    %sub3A_381 = arith.subf %gather3A_270, %bitcast3A_380 : vector<16xf32>
    %bitcast3A_382 = vector.bitcast %sub3A_381 : vector<16xf32> to vector<16xi32>
    %xor3A_383 = arith.xori %bitcast3A_382, %get3A_62 : vector<16xi32>
    %bitcast3A_384 = vector.bitcast %xor3A_383 : vector<16xi32> to vector<16xf32>
    %mul3A_385 = arith.mulf %bitcast3A_380, %bitcast3A_380 : vector<16xf32>
    %bitcast3A_386 = vector.bitcast %mul3A_385 : vector<16xf32> to vector<16xi32>
    %xor3A_387 = arith.xori %bitcast3A_386, %get3A_62 : vector<16xi32>
    %bitcast3A_388 = vector.bitcast %xor3A_387 : vector<16xi32> to vector<16xf32>
    %sub3A_389 = arith.subf %bitcast3A_388, %bitcast3A_366 : vector<16xf32>
    %bitcast3A_390 = vector.bitcast %sub3A_389 : vector<16xf32> to vector<16xi32>
    %xor3A_391 = arith.xori %bitcast3A_390, %get3A_62 : vector<16xi32>
    %bitcast3A_392 = vector.bitcast %xor3A_391 : vector<16xi32> to vector<16xf32>
    %mul3A_393 = arith.mulf %bitcast3A_380, %bitcast3A_384 : vector<16xf32>
    %bitcast3A_394 = vector.bitcast %mul3A_393 : vector<16xf32> to vector<16xi32>
    %xor3A_395 = arith.xori %bitcast3A_394, %get3A_62 : vector<16xi32>
    %bitcast3A_396 = vector.bitcast %xor3A_395 : vector<16xi32> to vector<16xf32>
    %mul3A_397 = arith.constant 2.000000e+00 : f32
    %mul3A_398 = vector.broadcast %mul3A_397 : f32 to vector<16xf32>
    %mul3A_399 = arith.mulf %mul3A_398, %bitcast3A_396 : vector<16xf32>
    %bitcast3A_400 = vector.bitcast %mul3A_399 : vector<16xf32> to vector<16xi32>
    %xor3A_401 = arith.xori %bitcast3A_400, %get3A_62 : vector<16xi32>
    %bitcast3A_402 = vector.bitcast %xor3A_401 : vector<16xi32> to vector<16xf32>
    %add3A_403 = arith.addf %bitcast3A_392, %bitcast3A_402 : vector<16xf32>
    %bitcast3A_404 = vector.bitcast %add3A_403 : vector<16xf32> to vector<16xi32>
    %xor3A_405 = arith.xori %bitcast3A_404, %get3A_62 : vector<16xi32>
    %bitcast3A_406 = vector.bitcast %xor3A_405 : vector<16xi32> to vector<16xf32>
    %mul3A_407 = arith.mulf %bitcast3A_384, %bitcast3A_384 : vector<16xf32>
    %bitcast3A_408 = vector.bitcast %mul3A_407 : vector<16xf32> to vector<16xi32>
    %xor3A_409 = arith.xori %bitcast3A_408, %get3A_62 : vector<16xi32>
    %bitcast3A_410 = vector.bitcast %xor3A_409 : vector<16xi32> to vector<16xf32>
    %add3A_411 = arith.addf %bitcast3A_406, %bitcast3A_410 : vector<16xf32>
    %add3A_412 = arith.addf %bitcast3A_366, %add3A_362 : vector<16xf32>
    %bitcast3A_413 = vector.bitcast %add3A_412 : vector<16xf32> to vector<16xi32>
    %xor3A_414 = arith.xori %bitcast3A_413, %get3A_62 : vector<16xi32>
    %bitcast3A_415 = vector.bitcast %xor3A_414 : vector<16xi32> to vector<16xf32>
    %sub3A_416 = arith.subf %bitcast3A_415, %bitcast3A_366 : vector<16xf32>
    %bitcast3A_417 = vector.bitcast %sub3A_416 : vector<16xf32> to vector<16xi32>
    %xor3A_418 = arith.xori %bitcast3A_417, %get3A_62 : vector<16xi32>
    %bitcast3A_419 = vector.bitcast %xor3A_418 : vector<16xi32> to vector<16xf32>
    %sub3A_420 = arith.subf %bitcast3A_415, %bitcast3A_419 : vector<16xf32>
    %bitcast3A_421 = vector.bitcast %sub3A_420 : vector<16xf32> to vector<16xi32>
    %xor3A_422 = arith.xori %bitcast3A_421, %get3A_62 : vector<16xi32>
    %bitcast3A_423 = vector.bitcast %xor3A_422 : vector<16xi32> to vector<16xf32>
    %sub3A_424 = arith.subf %bitcast3A_366, %bitcast3A_423 : vector<16xf32>
    %bitcast3A_425 = vector.bitcast %sub3A_424 : vector<16xf32> to vector<16xi32>
    %xor3A_426 = arith.xori %bitcast3A_425, %get3A_62 : vector<16xi32>
    %bitcast3A_427 = vector.bitcast %xor3A_426 : vector<16xi32> to vector<16xf32>
    %sub3A_428 = arith.subf %add3A_362, %bitcast3A_419 : vector<16xf32>
    %bitcast3A_429 = vector.bitcast %sub3A_428 : vector<16xf32> to vector<16xi32>
    %xor3A_430 = arith.xori %bitcast3A_429, %get3A_62 : vector<16xi32>
    %bitcast3A_431 = vector.bitcast %xor3A_430 : vector<16xi32> to vector<16xf32>
    %add3A_432 = arith.addf %bitcast3A_427, %bitcast3A_431 : vector<16xf32>
    %bitcast3A_433 = vector.bitcast %add3A_432 : vector<16xf32> to vector<16xi32>
    %xor3A_434 = arith.xori %bitcast3A_433, %get3A_62 : vector<16xi32>
    %bitcast3A_435 = vector.bitcast %xor3A_434 : vector<16xi32> to vector<16xf32>
    %bitcast3A_436 = vector.bitcast %add3A_411 : vector<16xf32> to vector<16xi32>
    %xor3A_437 = arith.xori %bitcast3A_436, %get3A_62 : vector<16xi32>
    %bitcast3A_438 = vector.bitcast %xor3A_437 : vector<16xi32> to vector<16xf32>
    %add3A_439 = arith.addf %bitcast3A_435, %bitcast3A_438 : vector<16xf32>
    %bitcast3A_440 = vector.bitcast %add3A_439 : vector<16xf32> to vector<16xi32>
    %xor3A_441 = arith.xori %bitcast3A_440, %get3A_62 : vector<16xi32>
    %bitcast3A_442 = vector.bitcast %xor3A_441 : vector<16xi32> to vector<16xf32>
    %add3A_443 = arith.addf %bitcast3A_415, %bitcast3A_442 : vector<16xf32>
    %swap3A_444 = arith.constant 16 : index
    %swap3A_445 = tpu.vector_load %arg34[%swap3A_444] {strides = array<i32>} : memref<32xf32, #tpu.memory_space<vmem>>, vector<16xf32>,
    tpu.vector_store %arg34[%swap3A_444], %add3A_443 {strides = array<i32>} : memref<32xf32, #tpu.memory_space<vmem>>, vector<16xf32>,
    tpu.vector_store_idx %arg29[%add3A_268, %broadcast_in_dim3A_50], %gather3A_269 : memref<32x3xf32, #tpu.memory_space<vmem>>[vector<16xi32>, vector<16xi32>], vector<16xf32>,
    tpu.vector_store_idx %arg29[%add3A_268, %broadcast_in_dim3A_52], %gather3A_270 : memref<32x3xf32, #tpu.memory_space<vmem>>[vector<16xi32>, vector<16xi32>], vector<16xf32>,
    tpu.vector_store_idx %arg29[%add3A_268, %broadcast_in_dim3A_54], %gather3A_271 : memref<32x3xf32, #tpu.memory_space<vmem>>[vector<16xi32>, vector<16xi32>], vector<16xf32>,
    %gather3A_446 = tpu.vector_load_idx %arg14[%gather3A_265] : memref<8192xf32, #tpu.memory_space<vmem>>[vector<16xi32>], vector<16xf32>,
    tpu.vector_store_idx %arg30[%add3A_268, %broadcast_in_dim3A_50], %gather3A_446 : memref<32x3xf32, #tpu.memory_space<vmem>>[vector<16xi32>, vector<16xi32>], vector<16xf32>,
    %gather3A_447 = tpu.vector_load_idx %arg15[%gather3A_265] : memref<8192xf32, #tpu.memory_space<vmem>>[vector<16xi32>], vector<16xf32>,
    tpu.vector_store_idx %arg30[%add3A_268, %broadcast_in_dim3A_52], %gather3A_447 : memref<32x3xf32, #tpu.memory_space<vmem>>[vector<16xi32>, vector<16xi32>], vector<16xf32>,
    %gather3A_448 = tpu.vector_load_idx %arg16[%gather3A_265] : memref<8192xf32, #tpu.memory_space<vmem>>[vector<16xi32>], vector<16xf32>,
    tpu.vector_store_idx %arg30[%add3A_268, %broadcast_in_dim3A_54], %gather3A_448 : memref<32x3xf32, #tpu.memory_space<vmem>>[vector<16xi32>, vector<16xi32>], vector<16xf32>,
    %scan3A_449 = arith.constant 0 : i32
    %scan3A_450 = arith.constant 0 : i32
    %scan3A_451 = arith.constant 32 : i32
    %scan3A_452 = arith.addi %scan3A_450, %scan3A_451 : i32
    %scan3A_453 = arith.constant 1 : i32
    scf.for %scan3A_463 = %scan3A_450 to %scan3A_452 step %scan3A_453  : i32 {
      %broadcast_in_dim3A_464 = vector.broadcast %scan3A_463 : i32 to vector<16xi32>
      %gather3A_465 = tpu.vector_load_idx %arg31[%broadcast_in_dim3A_464] : memref<32xf32, #tpu.memory_space<vmem>>[vector<16xi32>], vector<16xf32>,
      %bitcast3A_466 = vector.bitcast %gather3A_465 : vector<16xf32> to vector<16xi32>
      %add3A_467 = arith.constant 32767 : i32
      %add3A_468 = vector.broadcast %add3A_467 : i32 to vector<16xi32>
      %add3A_469 = arith.addi %bitcast3A_466, %add3A_468 : vector<16xi32>
      %shift_right_arithmetic3A = arith.constant 16 : i32
      %shift_right_arithmetic3A_470 = vector.broadcast %shift_right_arithmetic3A : i32 to vector<16xi32>
      %shift_right_arithmetic3A_471 = arith.shrsi %bitcast3A_466, %shift_right_arithmetic3A_470 : vector<16xi32>
      %and3A_472 = arith.constant 1 : i32
      %and3A_473 = vector.broadcast %and3A_472 : i32 to vector<16xi32>
      %and3A_474 = arith.andi %shift_right_arithmetic3A_471, %and3A_473 : vector<16xi32>
      %add3A_475 = arith.addi %add3A_469, %and3A_474 : vector<16xi32>
      %and3A_476 = arith.constant -65536 : i32
      %and3A_477 = vector.broadcast %and3A_476 : i32 to vector<16xi32>
      %and3A_478 = arith.andi %add3A_475, %and3A_477 : vector<16xi32>
      %bitcast3A_479 = vector.bitcast %and3A_478 : vector<16xi32> to vector<16xf32>
      %gather3A_480 = tpu.vector_load_idx %arg32[%broadcast_in_dim3A_464] : memref<32xf32, #tpu.memory_space<vmem>>[vector<16xi32>], vector<16xf32>,
      %bitcast3A_481 = vector.bitcast %gather3A_480 : vector<16xf32> to vector<16xi32>
      %add3A_482 = arith.constant 32767 : i32
      %add3A_483 = vector.broadcast %add3A_482 : i32 to vector<16xi32>
      %add3A_484 = arith.addi %bitcast3A_481, %add3A_483 : vector<16xi32>
      %shift_right_arithmetic3A_485 = arith.constant 16 : i32
      %shift_right_arithmetic3A_486 = vector.broadcast %shift_right_arithmetic3A_485 : i32 to vector<16xi32>
      %shift_right_arithmetic3A_487 = arith.shrsi %bitcast3A_481, %shift_right_arithmetic3A_486 : vector<16xi32>
      %and3A_488 = arith.constant 1 : i32
      %and3A_489 = vector.broadcast %and3A_488 : i32 to vector<16xi32>
      %and3A_490 = arith.andi %shift_right_arithmetic3A_487, %and3A_489 : vector<16xi32>
      %add3A_491 = arith.addi %add3A_484, %and3A_490 : vector<16xi32>
      %and3A_492 = arith.constant -65536 : i32
      %and3A_493 = vector.broadcast %and3A_492 : i32 to vector<16xi32>
      %and3A_494 = arith.andi %add3A_491, %and3A_493 : vector<16xi32>
      %bitcast3A_495 = vector.bitcast %and3A_494 : vector<16xi32> to vector<16xf32>
      %gather3A_496 = tpu.vector_load_idx %arg33[%broadcast_in_dim3A_464] : memref<32xf32, #tpu.memory_space<vmem>>[vector<16xi32>], vector<16xf32>,
      %bitcast3A_497 = vector.bitcast %gather3A_496 : vector<16xf32> to vector<16xi32>
      %add3A_498 = arith.constant 32767 : i32
      %add3A_499 = vector.broadcast %add3A_498 : i32 to vector<16xi32>
      %add3A_500 = arith.addi %bitcast3A_497, %add3A_499 : vector<16xi32>
      %shift_right_arithmetic3A_501 = arith.constant 16 : i32
      %shift_right_arithmetic3A_502 = vector.broadcast %shift_right_arithmetic3A_501 : i32 to vector<16xi32>
      %shift_right_arithmetic3A_503 = arith.shrsi %bitcast3A_497, %shift_right_arithmetic3A_502 : vector<16xi32>
      %and3A_504 = arith.constant 1 : i32
      %and3A_505 = vector.broadcast %and3A_504 : i32 to vector<16xi32>
      %and3A_506 = arith.andi %shift_right_arithmetic3A_503, %and3A_505 : vector<16xi32>
      %add3A_507 = arith.addi %add3A_500, %and3A_506 : vector<16xi32>
      %and3A_508 = arith.constant -65536 : i32
      %and3A_509 = vector.broadcast %and3A_508 : i32 to vector<16xi32>
      %and3A_510 = arith.andi %add3A_507, %and3A_509 : vector<16xi32>
      %bitcast3A_511 = vector.bitcast %and3A_510 : vector<16xi32> to vector<16xf32>
      %gather3A_512 = tpu.vector_load_idx %arg34[%broadcast_in_dim3A_464] : memref<32xf32, #tpu.memory_space<vmem>>[vector<16xi32>], vector<16xf32>,
      %parallel_loop3A_513 = arith.constant 0 : i32
      %parallel_loop3A_514 = arith.constant 8192 : i32
      %parallel_loop3A_515 = arith.constant 16 : i32
      %parallel_loop3A_516:2 = scf.for %parallel_loop3A_544 = %parallel_loop3A_513 to %parallel_loop3A_514 step %parallel_loop3A_515 iter_args(%parallel_loop3A_545 = %broadcast_in_dim3A_56, %parallel_loop3A_546 = %broadcast_in_dim3A_56) -> (vector<16xf32>, vector<16xf32>)  : i32 {
        %parallel_loop3A_547 = arith.index_cast %parallel_loop3A_544 : i32 to index
        %parallel_loop3A_548 = tpu.vector_load %arg17[%parallel_loop3A_547] {strides = array<i32>} : memref<8192xf32, #tpu.memory_space<vmem>>, vector<16xf32>,
        %parallel_loop3A_549 = arith.mulf %bitcast3A_479, %parallel_loop3A_548 : vector<16xf32>
        %parallel_loop3A_550 = arith.index_cast %parallel_loop3A_544 : i32 to index
        %parallel_loop3A_551 = tpu.vector_load %arg18[%parallel_loop3A_550] {strides = array<i32>} : memref<8192xf32, #tpu.memory_space<vmem>>, vector<16xf32>,
        %parallel_loop3A_552 = arith.mulf %bitcast3A_495, %parallel_loop3A_551 : vector<16xf32>
        %parallel_loop3A_553 = arith.index_cast %parallel_loop3A_544 : i32 to index
        %parallel_loop3A_554 = tpu.vector_load %arg19[%parallel_loop3A_553] {strides = array<i32>} : memref<8192xf32, #tpu.memory_space<vmem>>, vector<16xf32>,
        %parallel_loop3A_555 = arith.mulf %bitcast3A_511, %parallel_loop3A_554 : vector<16xf32>
        %parallel_loop3A_556 = arith.addf %parallel_loop3A_549, %parallel_loop3A_552 : vector<16xf32>
        %parallel_loop3A_557 = vector.bitcast %parallel_loop3A_556 : vector<16xf32> to vector<16xi32>
        %parallel_loop3A_558 = arith.xori %parallel_loop3A_557, %get3A_62 : vector<16xi32>
        %parallel_loop3A_559 = vector.bitcast %parallel_loop3A_558 : vector<16xi32> to vector<16xf32>
        %parallel_loop3A_560 = arith.subf %parallel_loop3A_559, %parallel_loop3A_549 : vector<16xf32>
        %parallel_loop3A_561 = vector.bitcast %parallel_loop3A_560 : vector<16xf32> to vector<16xi32>
        %parallel_loop3A_562 = arith.xori %parallel_loop3A_561, %get3A_62 : vector<16xi32>
        %parallel_loop3A_563 = vector.bitcast %parallel_loop3A_562 : vector<16xi32> to vector<16xf32>
        %parallel_loop3A_564 = arith.subf %parallel_loop3A_559, %parallel_loop3A_563 : vector<16xf32>
        %parallel_loop3A_565 = vector.bitcast %parallel_loop3A_564 : vector<16xf32> to vector<16xi32>
        %parallel_loop3A_566 = arith.xori %parallel_loop3A_565, %get3A_62 : vector<16xi32>
        %parallel_loop3A_567 = vector.bitcast %parallel_loop3A_566 : vector<16xi32> to vector<16xf32>
        %parallel_loop3A_568 = arith.subf %parallel_loop3A_549, %parallel_loop3A_567 : vector<16xf32>
        %parallel_loop3A_569 = vector.bitcast %parallel_loop3A_568 : vector<16xf32> to vector<16xi32>
        %parallel_loop3A_570 = arith.xori %parallel_loop3A_569, %get3A_62 : vector<16xi32>
        %parallel_loop3A_571 = vector.bitcast %parallel_loop3A_570 : vector<16xi32> to vector<16xf32>
        %parallel_loop3A_572 = arith.subf %parallel_loop3A_552, %parallel_loop3A_563 : vector<16xf32>
        %parallel_loop3A_573 = vector.bitcast %parallel_loop3A_572 : vector<16xf32> to vector<16xi32>
        %parallel_loop3A_574 = arith.xori %parallel_loop3A_573, %get3A_62 : vector<16xi32>
        %parallel_loop3A_575 = vector.bitcast %parallel_loop3A_574 : vector<16xi32> to vector<16xf32>
        %parallel_loop3A_576 = arith.addf %parallel_loop3A_571, %parallel_loop3A_575 : vector<16xf32>
        %parallel_loop3A_577 = arith.addf %parallel_loop3A_559, %parallel_loop3A_555 : vector<16xf32>
        %parallel_loop3A_578 = vector.bitcast %parallel_loop3A_577 : vector<16xf32> to vector<16xi32>
        %parallel_loop3A_579 = arith.xori %parallel_loop3A_578, %get3A_62 : vector<16xi32>
        %parallel_loop3A_580 = vector.bitcast %parallel_loop3A_579 : vector<16xi32> to vector<16xf32>
        %parallel_loop3A_581 = arith.subf %parallel_loop3A_580, %parallel_loop3A_559 : vector<16xf32>
        %parallel_loop3A_582 = vector.bitcast %parallel_loop3A_581 : vector<16xf32> to vector<16xi32>
        %parallel_loop3A_583 = arith.xori %parallel_loop3A_582, %get3A_62 : vector<16xi32>
        %parallel_loop3A_584 = vector.bitcast %parallel_loop3A_583 : vector<16xi32> to vector<16xf32>
        %parallel_loop3A_585 = arith.subf %parallel_loop3A_580, %parallel_loop3A_584 : vector<16xf32>
        %parallel_loop3A_586 = vector.bitcast %parallel_loop3A_585 : vector<16xf32> to vector<16xi32>
        %parallel_loop3A_587 = arith.xori %parallel_loop3A_586, %get3A_62 : vector<16xi32>
        %parallel_loop3A_588 = vector.bitcast %parallel_loop3A_587 : vector<16xi32> to vector<16xf32>
        %parallel_loop3A_589 = arith.subf %parallel_loop3A_559, %parallel_loop3A_588 : vector<16xf32>
        %parallel_loop3A_590 = vector.bitcast %parallel_loop3A_589 : vector<16xf32> to vector<16xi32>
        %parallel_loop3A_591 = arith.xori %parallel_loop3A_590, %get3A_62 : vector<16xi32>
        %parallel_loop3A_592 = vector.bitcast %parallel_loop3A_591 : vector<16xi32> to vector<16xf32>
        %parallel_loop3A_593 = arith.subf %parallel_loop3A_555, %parallel_loop3A_584 : vector<16xf32>
        %parallel_loop3A_594 = vector.bitcast %parallel_loop3A_593 : vector<16xf32> to vector<16xi32>
        %parallel_loop3A_595 = arith.xori %parallel_loop3A_594, %get3A_62 : vector<16xi32>
        %parallel_loop3A_596 = vector.bitcast %parallel_loop3A_595 : vector<16xi32> to vector<16xf32>
        %parallel_loop3A_597 = arith.addf %parallel_loop3A_592, %parallel_loop3A_596 : vector<16xf32>
        %parallel_loop3A_598 = vector.bitcast %parallel_loop3A_597 : vector<16xf32> to vector<16xi32>
        %parallel_loop3A_599 = arith.xori %parallel_loop3A_598, %get3A_62 : vector<16xi32>
        %parallel_loop3A_600 = vector.bitcast %parallel_loop3A_599 : vector<16xi32> to vector<16xf32>
        %parallel_loop3A_601 = vector.bitcast %parallel_loop3A_576 : vector<16xf32> to vector<16xi32>
        %parallel_loop3A_602 = arith.xori %parallel_loop3A_601, %get3A_62 : vector<16xi32>
        %parallel_loop3A_603 = vector.bitcast %parallel_loop3A_602 : vector<16xi32> to vector<16xf32>
        %parallel_loop3A_604 = arith.addf %parallel_loop3A_600, %parallel_loop3A_603 : vector<16xf32>
        %parallel_loop3A_605 = vector.bitcast %parallel_loop3A_604 : vector<16xf32> to vector<16xi32>
        %parallel_loop3A_606 = arith.xori %parallel_loop3A_605, %get3A_62 : vector<16xi32>
        %parallel_loop3A_607 = vector.bitcast %parallel_loop3A_606 : vector<16xi32> to vector<16xf32>
        %parallel_loop3A_608 = arith.addf %parallel_loop3A_580, %parallel_loop3A_607 : vector<16xf32>
        %parallel_loop3A_609 = arith.index_cast %parallel_loop3A_544 : i32 to index
        %parallel_loop3A_610 = tpu.vector_load %arg20[%parallel_loop3A_609] {strides = array<i32>} : memref<8192xf32, #tpu.memory_space<vmem>>, vector<16xf32>,
        %parallel_loop3A_611 = arith.addf %gather3A_512, %parallel_loop3A_610 : vector<16xf32>
        %parallel_loop3A_612 = arith.constant 2.000000e+00 : f32
        %parallel_loop3A_613 = vector.broadcast %parallel_loop3A_612 : f32 to vector<16xf32>
        %parallel_loop3A_614 = arith.mulf %parallel_loop3A_613, %parallel_loop3A_608 : vector<16xf32>
        %parallel_loop3A_615 = arith.subf %parallel_loop3A_611, %parallel_loop3A_614 : vector<16xf32>
        %parallel_loop3A_616 = arith.constant 0.000000e+00 : f32
        %parallel_loop3A_617 = vector.broadcast %parallel_loop3A_616 : f32 to vector<16xf32>
        %parallel_loop3A_618 = arith.maximumf %parallel_loop3A_615, %parallel_loop3A_617 : vector<16xf32>
        %parallel_loop3A_619 = arith.index_cast %parallel_loop3A_544 : i32 to index
        %parallel_loop3A_620 = tpu.vector_load %arg22[%parallel_loop3A_619] {strides = array<i32>} : memref<8192xf32, #tpu.memory_space<vmem>>, vector<16xf32>,
        tpu.vector_store %arg22[%parallel_loop3A_619], %parallel_loop3A_618 {strides = array<i32>} : memref<8192xf32, #tpu.memory_space<vmem>>, vector<16xf32>,
        %parallel_loop3A_621 = arith.cmpf olt, %parallel_loop3A_618, %parallel_loop3A_545 : vector<16xf32>
        %parallel_loop3A_622 = arith.minimumf %parallel_loop3A_546, %parallel_loop3A_618 : vector<16xf32>
        %parallel_loop3A_623 = arith.select %parallel_loop3A_621, %parallel_loop3A_545, %parallel_loop3A_622 : vector<16xi1>, vector<16xf32>
        %parallel_loop3A_624 = arith.minimumf %parallel_loop3A_545, %parallel_loop3A_618 : vector<16xf32>
        scf.yield %parallel_loop3A_624, %parallel_loop3A_623 : vector<16xf32>, vector<16xf32>
      } {sc.loop_unroll_factor = 8 : i64, sc.parallel_access}
      %reduce_max3A = arith.constant true
      %reduce_max3A_517 = vector.broadcast %reduce_max3A : i1 to vector<16xi1>
      %reduce_max3A_518 = tpu.scan <max>, %parallel_loop3A_516#1 masked %reduce_max3A_517 : vector<16xf32>, vector<16xi1> -> vector<16xf32>
      %reduce_max3A_519 = vector.extract %reduce_max3A_518[15] : f32 from vector<16xf32>
      %parallel_loop3A_520 = arith.constant 0 : i32
      %parallel_loop3A_521 = arith.constant 8192 : i32
      %parallel_loop3A_522 = arith.constant 16 : i32
      %parallel_loop3A_523 = scf.for %parallel_loop3A_544 = %parallel_loop3A_520 to %parallel_loop3A_521 step %parallel_loop3A_522 iter_args(%parallel_loop3A_545 = %broadcast_in_dim3A_50) -> (vector<16xi32>)  : i32 {
        %parallel_loop3A_546 = arith.index_cast %parallel_loop3A_544 : i32 to index
        %parallel_loop3A_547 = tpu.vector_load %arg22[%parallel_loop3A_546] {strides = array<i32>} : memref<8192xf32, #tpu.memory_space<vmem>>, vector<16xf32>,
        %parallel_loop3A_548 = vector.broadcast %reduce_max3A_519 : f32 to vector<16xf32>
        %parallel_loop3A_549 = arith.cmpf ole, %parallel_loop3A_547, %parallel_loop3A_548 : vector<16xf32>
        %parallel_loop3A_550 = arith.extui %parallel_loop3A_549 : vector<16xi1> to vector<16xi32>
        %parallel_loop3A_551 = arith.constant true
        %parallel_loop3A_552 = vector.broadcast %parallel_loop3A_551 : i1 to vector<16xi1>
        %parallel_loop3A_553 = tpu.scan <sum>, %parallel_loop3A_550 masked %parallel_loop3A_552 : vector<16xi32>, vector<16xi1> -> vector<16xi32>
        %parallel_loop3A_554 = arith.addi %parallel_loop3A_545, %parallel_loop3A_553 : vector<16xi32>
        %parallel_loop3A_555 = arith.constant 1 : i32
        %parallel_loop3A_556 = vector.broadcast %parallel_loop3A_555 : i32 to vector<16xi32>
        %parallel_loop3A_557 = arith.subi %parallel_loop3A_554, %parallel_loop3A_556 : vector<16xi32>
        tpu.vector_store_idx %arg24[%parallel_loop3A_557], %parallel_loop3A_547 masked %parallel_loop3A_549 : memref<2064xf32, #tpu.memory_space<vmem>>[vector<16xi32>], vector<16xf32>, vector<16xi1>
        %parallel_loop3A_558 = vector.broadcast %parallel_loop3A_544 : i32 to vector<16xi32>
        %parallel_loop3A_559 = arith.addi %parallel_loop3A_558, %iota3A : vector<16xi32>
        tpu.vector_store_idx %arg25[%parallel_loop3A_557], %parallel_loop3A_559 masked %parallel_loop3A_549 : memref<2064xi32, #tpu.memory_space<vmem>>[vector<16xi32>], vector<16xi32>, vector<16xi1>
        %parallel_loop3A_560 = tpu.all_reduce %parallel_loop3A_549 {dim = 0 : i64, kind = #tpu.reduction_kind<sum>} : vector<16xi1> -> vector<16xi32>
        %parallel_loop3A_561 = arith.addi %parallel_loop3A_545, %parallel_loop3A_560 : vector<16xi32>
        scf.yield %parallel_loop3A_561 : vector<16xi32>
      } {sc.loop_unroll_factor = 8 : i64, sc.parallel_access}
      %reduce_max3A_524 = arith.constant true
      %reduce_max3A_525 = vector.broadcast %reduce_max3A_524 : i1 to vector<16xi1>
      %reduce_max3A_526 = arith.constant -2147483648 : i32
      %reduce_max3A_527 = vector.broadcast %reduce_max3A_526 : i32 to vector<16xi32>
      %reduce_max3A_528 = arith.xori %parallel_loop3A_523, %reduce_max3A_527 : vector<16xi32>
      %reduce_max3A_529 = tpu.scan <max>, %reduce_max3A_528 masked %reduce_max3A_525 : vector<16xi32>, vector<16xi1> -> vector<16xi32>
      %reduce_max3A_530 = arith.xori %reduce_max3A_529, %reduce_max3A_527 : vector<16xi32>
      %reduce_max3A_531 = vector.extract %reduce_max3A_530[15] : i32 from vector<16xi32>
      %add3A_532 = vector.broadcast %reduce_max3A_531 : i32 to vector<16xi32>
      %add3A_533 = arith.addi %add3A_532, %iota3A : vector<16xi32>
      tpu.vector_store_idx %arg24[%add3A_533], %broadcast_in_dim3A_56 : memref<2064xf32, #tpu.memory_space<vmem>>[vector<16xi32>], vector<16xf32>,
      %add3A_534 = arith.constant 15 : i32
      %add3A_535 = arith.addi %reduce_max3A_531, %add3A_534 : i32
      %div3A_536 = arith.constant 16 : i32
      %div3A_537 = arith.divsi %add3A_535, %div3A_536 : i32
      %scan3A_538 = arith.constant 0 : i32
      %scan3A_539 = arith.constant 0 : i32
      %scan3A_540 = arith.constant 32 : i32
      %scan3A_541 = arith.addi %scan3A_539, %scan3A_540 : i32
      %scan3A_542 = arith.constant 1 : i32
      scf.for %scan3A_544 = %scan3A_539 to %scan3A_541 step %scan3A_542  : i32 {
        %while3A = arith.constant 0 : i32
        %while3A_545 = arith.subi %div3A_537, %while3A : i32
        %while3A_546 = arith.addi %while3A, %while3A_545 : i32
        %while3A_547 = arith.constant 1 : i32
        %while3A_548 = arith.divsi %while3A_545, %while3A_547 : i32
        %while3A_549 = arith.muli %while3A_548, %while3A_547 : i32
        %while3A_550 = arith.addi %while3A, %while3A_549 : i32
        %while3A_551 = arith.constant 1 : i32
        %while3A_552:2 = scf.for %while3A_574 = %while3A to %while3A_550 step %while3A_551 iter_args(%while3A_575 = %broadcast_in_dim3A_56, %while3A_576 = %broadcast_in_dim3A_50) -> (vector<16xf32>, vector<16xi32>)  : i32 {
          %mul3A_577 = arith.constant 16 : i32
          %mul3A_578 = arith.muli %while3A_574, %mul3A_577 : i32
          %get3A_579 = arith.index_cast %mul3A_578 : i32 to index
          %get3A_580 = tpu.vector_load %arg24[%get3A_579] {strides = array<i32>} : memref<2064xf32, #tpu.memory_space<vmem>>, vector<16xf32>,
          %lt3A_581 = arith.cmpf olt, %get3A_580, %while3A_575 : vector<16xf32>
          %mul3A_582 = arith.constant 16 : i32
          %mul3A_583 = arith.muli %while3A_574, %mul3A_582 : i32
          %add3A_584 = vector.broadcast %mul3A_583 : i32 to vector<16xi32>
          %add3A_585 = arith.addi %add3A_584, %iota3A : vector<16xi32>
          %select_n3A_586 = arith.select %lt3A_581, %add3A_585, %while3A_576 : vector<16xi1>, vector<16xi32>
          %select_n3A_587 = arith.select %lt3A_581, %get3A_580, %while3A_575 : vector<16xi1>, vector<16xf32>
          scf.yield %select_n3A_587, %select_n3A_586 : vector<16xf32>, vector<16xi32>
        }
        %while3A_553 = arith.constant 1 : i32
        %while3A_554:2 = scf.for %while3A_574 = %while3A_550 to %while3A_546 step %while3A_553 iter_args(%while3A_575 = %while3A_552#0, %while3A_576 = %while3A_552#1) -> (vector<16xf32>, vector<16xi32>)  : i32 {
          %mul3A_577 = arith.constant 16 : i32
          %mul3A_578 = arith.muli %while3A_574, %mul3A_577 : i32
          %get3A_579 = arith.index_cast %mul3A_578 : i32 to index
          %get3A_580 = tpu.vector_load %arg24[%get3A_579] {strides = array<i32>} : memref<2064xf32, #tpu.memory_space<vmem>>, vector<16xf32>,
          %lt3A_581 = arith.cmpf olt, %get3A_580, %while3A_575 : vector<16xf32>
          %mul3A_582 = arith.constant 16 : i32
          %mul3A_583 = arith.muli %while3A_574, %mul3A_582 : i32
          %add3A_584 = vector.broadcast %mul3A_583 : i32 to vector<16xi32>
          %add3A_585 = arith.addi %add3A_584, %iota3A : vector<16xi32>
          %select_n3A_586 = arith.select %lt3A_581, %add3A_585, %while3A_576 : vector<16xi1>, vector<16xi32>
          %select_n3A_587 = arith.select %lt3A_581, %get3A_580, %while3A_575 : vector<16xi1>, vector<16xf32>
          scf.yield %select_n3A_587, %select_n3A_586 : vector<16xf32>, vector<16xi32>
        }
        %reduce_min3A = arith.constant true
        %reduce_min3A_555 = vector.broadcast %reduce_min3A : i1 to vector<16xi1>
        %reduce_min3A_556 = tpu.scan <min>, %while3A_554#0 masked %reduce_min3A_555 : vector<16xf32>, vector<16xi1> -> vector<16xf32>
        %reduce_min3A_557 = vector.extract %reduce_min3A_556[15] : f32 from vector<16xf32>
        %eq3A_558 = vector.broadcast %reduce_min3A_557 : f32 to vector<16xf32>
        %eq3A_559 = arith.cmpf oeq, %while3A_554#0, %eq3A_558 : vector<16xf32>
        %broadcast_in_dim3A_560 = arith.constant 2064 : i32
        %broadcast_in_dim3A_561 = vector.broadcast %broadcast_in_dim3A_560 : i32 to vector<16xi32>
        %select_n3A_562 = arith.select %eq3A_559, %while3A_554#1, %broadcast_in_dim3A_561 : vector<16xi1>, vector<16xi32>
        %reduce_min3A_563 = arith.constant true
        %reduce_min3A_564 = vector.broadcast %reduce_min3A_563 : i1 to vector<16xi1>
        %reduce_min3A_565 = arith.constant -2147483648 : i32
        %reduce_min3A_566 = vector.broadcast %reduce_min3A_565 : i32 to vector<16xi32>
        %reduce_min3A_567 = arith.xori %select_n3A_562, %reduce_min3A_566 : vector<16xi32>
        %reduce_min3A_568 = tpu.scan <min>, %reduce_min3A_567 masked %reduce_min3A_564 : vector<16xi32>, vector<16xi1> -> vector<16xi32>
        %reduce_min3A_569 = arith.xori %reduce_min3A_568, %reduce_min3A_566 : vector<16xi32>
        %reduce_min3A_570 = vector.extract %reduce_min3A_569[15] : i32 from vector<16xi32>
        %broadcast_in_dim3A_571 = vector.broadcast %reduce_min3A_570 : i32 to vector<16xi32>
        %gather3A_572 = tpu.vector_load_idx %arg25[%broadcast_in_dim3A_571] : memref<2064xi32, #tpu.memory_space<vmem>>[vector<16xi32>], vector<16xi32>,
        %broadcast_in_dim3A_573 = vector.broadcast %scan3A_544 : i32 to vector<16xi32>
        tpu.vector_store_idx %arg26[%broadcast_in_dim3A_464, %broadcast_in_dim3A_573], %gather3A_572 masked %eq3A_49 : memref<32x32xi32, #tpu.memory_space<vmem>>[vector<16xi32>, vector<16xi32>], vector<16xi32>, vector<16xi1>
        tpu.vector_store_idx %arg24[%broadcast_in_dim3A_571], %broadcast_in_dim3A_56 masked %eq3A_49 : memref<2064xf32, #tpu.memory_space<vmem>>[vector<16xi32>], vector<16xf32>, vector<16xi1>
      }
      %scan3A_543 = arith.constant 32 : i32
    }
    %scan3A_454 = arith.constant 32 : i32
    %scan3A_455 = arith.constant 0 : i32
    %scan3A_456 = arith.constant 0 : i32
    %scan3A_457 = arith.constant 32 : i32
    %scan3A_458 = arith.addi %scan3A_456, %scan3A_457 : i32
    %scan3A_459 = arith.constant 1 : i32
    scf.for %scan3A_463 = %scan3A_456 to %scan3A_458 step %scan3A_459  : i32 {
      %broadcast_in_dim3A_464 = vector.broadcast %scan3A_463 : i32 to vector<16xi32>
      %gather3A_465 = tpu.vector_load_idx %arg31[%broadcast_in_dim3A_464] : memref<32xf32, #tpu.memory_space<vmem>>[vector<16xi32>], vector<16xf32>,
      %gather3A_466 = tpu.vector_load_idx %arg32[%broadcast_in_dim3A_464] : memref<32xf32, #tpu.memory_space<vmem>>[vector<16xi32>], vector<16xf32>,
      %gather3A_467 = tpu.vector_load_idx %arg33[%broadcast_in_dim3A_464] : memref<32xf32, #tpu.memory_space<vmem>>[vector<16xi32>], vector<16xf32>,
      %add3A_468 = arith.constant 0 : i32
      %add3A_469 = vector.broadcast %add3A_468 : i32 to vector<16xi32>
      %add3A_470 = arith.addi %add3A_469, %iota3A : vector<16xi32>
      %gather3A_471 = tpu.vector_load_idx %arg26[%broadcast_in_dim3A_464, %add3A_470] : memref<32x32xi32, #tpu.memory_space<vmem>>[vector<16xi32>, vector<16xi32>], vector<16xi32>,
      %gather3A_472 = tpu.vector_load_idx %arg11[%gather3A_471] : memref<8192xf32, #tpu.memory_space<vmem>>[vector<16xi32>], vector<16xf32>,
      %gather3A_473 = tpu.vector_load_idx %arg12[%gather3A_471] : memref<8192xf32, #tpu.memory_space<vmem>>[vector<16xi32>], vector<16xf32>,
      %gather3A_474 = tpu.vector_load_idx %arg13[%gather3A_471] : memref<8192xf32, #tpu.memory_space<vmem>>[vector<16xi32>], vector<16xf32>,
      %sub3A_475 = arith.subf %gather3A_472, %gather3A_465 : vector<16xf32>
      tpu.vector_store_idx %arg27[%broadcast_in_dim3A_464, %add3A_470, %broadcast_in_dim3A_50], %sub3A_475 : memref<32x32x3xf32, #tpu.memory_space<vmem>>[vector<16xi32>, vector<16xi32>, vector<16xi32>], vector<16xf32>,
      %sub3A_476 = arith.subf %gather3A_473, %gather3A_466 : vector<16xf32>
      tpu.vector_store_idx %arg27[%broadcast_in_dim3A_464, %add3A_470, %broadcast_in_dim3A_52], %sub3A_476 : memref<32x32x3xf32, #tpu.memory_space<vmem>>[vector<16xi32>, vector<16xi32>, vector<16xi32>], vector<16xf32>,
      %sub3A_477 = arith.subf %gather3A_474, %gather3A_467 : vector<16xf32>
      tpu.vector_store_idx %arg27[%broadcast_in_dim3A_464, %add3A_470, %broadcast_in_dim3A_54], %sub3A_477 : memref<32x32x3xf32, #tpu.memory_space<vmem>>[vector<16xi32>, vector<16xi32>, vector<16xi32>], vector<16xf32>,
      %gather3A_478 = tpu.vector_load_idx %arg14[%gather3A_471] : memref<8192xf32, #tpu.memory_space<vmem>>[vector<16xi32>], vector<16xf32>,
      tpu.vector_store_idx %arg28[%broadcast_in_dim3A_464, %add3A_470, %broadcast_in_dim3A_50], %gather3A_478 : memref<32x32x3xf32, #tpu.memory_space<vmem>>[vector<16xi32>, vector<16xi32>, vector<16xi32>], vector<16xf32>,
      %gather3A_479 = tpu.vector_load_idx %arg15[%gather3A_471] : memref<8192xf32, #tpu.memory_space<vmem>>[vector<16xi32>], vector<16xf32>,
      tpu.vector_store_idx %arg28[%broadcast_in_dim3A_464, %add3A_470, %broadcast_in_dim3A_52], %gather3A_479 : memref<32x32x3xf32, #tpu.memory_space<vmem>>[vector<16xi32>, vector<16xi32>, vector<16xi32>], vector<16xf32>,
      %gather3A_480 = tpu.vector_load_idx %arg16[%gather3A_471] : memref<8192xf32, #tpu.memory_space<vmem>>[vector<16xi32>], vector<16xf32>,
      tpu.vector_store_idx %arg28[%broadcast_in_dim3A_464, %add3A_470, %broadcast_in_dim3A_54], %gather3A_480 : memref<32x32x3xf32, #tpu.memory_space<vmem>>[vector<16xi32>, vector<16xi32>, vector<16xi32>], vector<16xf32>,
      %add3A_481 = arith.constant 16 : i32
      %add3A_482 = vector.broadcast %add3A_481 : i32 to vector<16xi32>
      %add3A_483 = arith.addi %add3A_482, %iota3A : vector<16xi32>
      %gather3A_484 = tpu.vector_load_idx %arg26[%broadcast_in_dim3A_464, %add3A_483] : memref<32x32xi32, #tpu.memory_space<vmem>>[vector<16xi32>, vector<16xi32>], vector<16xi32>,
      %gather3A_485 = tpu.vector_load_idx %arg11[%gather3A_484] : memref<8192xf32, #tpu.memory_space<vmem>>[vector<16xi32>], vector<16xf32>,
      %gather3A_486 = tpu.vector_load_idx %arg12[%gather3A_484] : memref<8192xf32, #tpu.memory_space<vmem>>[vector<16xi32>], vector<16xf32>,
      %gather3A_487 = tpu.vector_load_idx %arg13[%gather3A_484] : memref<8192xf32, #tpu.memory_space<vmem>>[vector<16xi32>], vector<16xf32>,
      %sub3A_488 = arith.subf %gather3A_485, %gather3A_465 : vector<16xf32>
      tpu.vector_store_idx %arg27[%broadcast_in_dim3A_464, %add3A_483, %broadcast_in_dim3A_50], %sub3A_488 : memref<32x32x3xf32, #tpu.memory_space<vmem>>[vector<16xi32>, vector<16xi32>, vector<16xi32>], vector<16xf32>,
      %sub3A_489 = arith.subf %gather3A_486, %gather3A_466 : vector<16xf32>
      tpu.vector_store_idx %arg27[%broadcast_in_dim3A_464, %add3A_483, %broadcast_in_dim3A_52], %sub3A_489 : memref<32x32x3xf32, #tpu.memory_space<vmem>>[vector<16xi32>, vector<16xi32>, vector<16xi32>], vector<16xf32>,
      %sub3A_490 = arith.subf %gather3A_487, %gather3A_467 : vector<16xf32>
      tpu.vector_store_idx %arg27[%broadcast_in_dim3A_464, %add3A_483, %broadcast_in_dim3A_54], %sub3A_490 : memref<32x32x3xf32, #tpu.memory_space<vmem>>[vector<16xi32>, vector<16xi32>, vector<16xi32>], vector<16xf32>,
      %gather3A_491 = tpu.vector_load_idx %arg14[%gather3A_484] : memref<8192xf32, #tpu.memory_space<vmem>>[vector<16xi32>], vector<16xf32>,
      tpu.vector_store_idx %arg28[%broadcast_in_dim3A_464, %add3A_483, %broadcast_in_dim3A_50], %gather3A_491 : memref<32x32x3xf32, #tpu.memory_space<vmem>>[vector<16xi32>, vector<16xi32>, vector<16xi32>], vector<16xf32>,
      %gather3A_492 = tpu.vector_load_idx %arg15[%gather3A_484] : memref<8192xf32, #tpu.memory_space<vmem>>[vector<16xi32>], vector<16xf32>,
      tpu.vector_store_idx %arg28[%broadcast_in_dim3A_464, %add3A_483, %broadcast_in_dim3A_52], %gather3A_492 : memref<32x32x3xf32, #tpu.memory_space<vmem>>[vector<16xi32>, vector<16xi32>, vector<16xi32>], vector<16xf32>,
      %gather3A_493 = tpu.vector_load_idx %arg16[%gather3A_484] : memref<8192xf32, #tpu.memory_space<vmem>>[vector<16xi32>], vector<16xf32>,
      tpu.vector_store_idx %arg28[%broadcast_in_dim3A_464, %add3A_483, %broadcast_in_dim3A_54], %gather3A_493 : memref<32x32x3xf32, #tpu.memory_space<vmem>>[vector<16xi32>, vector<16xi32>, vector<16xi32>], vector<16xf32>,
    }
    %scan3A_460 = arith.constant 32 : i32
    %mul3A_461 = arith.constant 32 : i32
    %mul3A_462 = arith.muli %select_n3A_30, %mul3A_461 : i32
    "tpu.region"() ({
      %run_scoped3A_463 = tpu.sem_alloc : memref<!tpu.dma_semaphore, #tpu.memory_space<semaphore_mem>>
      %dma_start3A = arith.constant 0 : i32
      %dma_start3A_464 = arith.constant 0 : i32
      %dma_start3A_465 = tpu.memref_slice %arg5[%select_n3A_9, %mul3A_462, %dma_start3A, %dma_start3A_464] : memref<8x128x32x3xf32, #tpu.memory_space<hbm>> -> memref<1x32x32x3xf32, #tpu.memory_space<hbm>>
      %dma_start3A_466 = tpu.memref_squeeze %dma_start3A_465 : memref<1x32x32x3xf32, #tpu.memory_space<hbm>> -> memref<32x32x3xf32, #tpu.memory_space<hbm>>
      %dma_start3A_467 = arith.constant 0 : i32
      %dma_start3A_468 = arith.constant 0 : i32
      %dma_start3A_469 = tpu.memref_slice %arg5[%select_n3A_9, %mul3A_462, %dma_start3A_467, %dma_start3A_468] : memref<8x128x32x3xf32, #tpu.memory_space<hbm>> -> memref<1x32x32x3xf32, #tpu.memory_space<hbm>>
      %dma_start3A_470 = tpu.memref_squeeze %dma_start3A_469 : memref<1x32x32x3xf32, #tpu.memory_space<hbm>> -> memref<32x32x3xf32, #tpu.memory_space<hbm>>
      tpu.enqueue_dma source(%arg27 : memref<32x32x3xf32, #tpu.memory_space<vmem>>) target(%dma_start3A_470 : memref<32x32x3xf32, #tpu.memory_space<hbm>>) target_semaphore(%run_scoped3A_463 : memref<!tpu.dma_semaphore, #tpu.memory_space<semaphore_mem>>)
      %dma_wait3A = arith.constant 0 : i32
      %dma_wait3A_471 = arith.constant 0 : i32
      %dma_wait3A_472 = tpu.memref_slice %arg5[%select_n3A_9, %mul3A_462, %dma_wait3A, %dma_wait3A_471] : memref<8x128x32x3xf32, #tpu.memory_space<hbm>> -> memref<1x32x32x3xf32, #tpu.memory_space<hbm>>
      %dma_wait3A_473 = tpu.memref_squeeze %dma_wait3A_472 : memref<1x32x32x3xf32, #tpu.memory_space<hbm>> -> memref<32x32x3xf32, #tpu.memory_space<hbm>>
      %dma_wait3A_474 = arith.constant 0 : i32
      %dma_wait3A_475 = arith.constant 0 : i32
      %dma_wait3A_476 = tpu.memref_slice %arg5[%select_n3A_9, %mul3A_462, %dma_wait3A_474, %dma_wait3A_475] : memref<8x128x32x3xf32, #tpu.memory_space<hbm>> -> memref<1x32x32x3xf32, #tpu.memory_space<hbm>>
      %dma_wait3A_477 = tpu.memref_squeeze %dma_wait3A_476 : memref<1x32x32x3xf32, #tpu.memory_space<hbm>> -> memref<32x32x3xf32, #tpu.memory_space<hbm>>
      tpu.wait_dma2 semaphore(%run_scoped3A_463 : memref<!tpu.dma_semaphore, #tpu.memory_space<semaphore_mem>>) src(%arg27 : memref<32x32x3xf32, #tpu.memory_space<vmem>>) dst(%dma_wait3A_477 : memref<32x32x3xf32, #tpu.memory_space<hbm>>)
      tpu.yield
    }) : () -> ()
    "tpu.region"() ({
      %run_scoped3A_463 = tpu.sem_alloc : memref<!tpu.dma_semaphore, #tpu.memory_space<semaphore_mem>>
      %dma_start3A = arith.constant 0 : i32
      %dma_start3A_464 = tpu.memref_slice %arg6[%select_n3A_9, %mul3A_462, %dma_start3A] : memref<8x128x3xf32, #tpu.memory_space<hbm>> -> memref<1x32x3xf32, #tpu.memory_space<hbm>>
      %dma_start3A_465 = tpu.memref_squeeze %dma_start3A_464 : memref<1x32x3xf32, #tpu.memory_space<hbm>> -> memref<32x3xf32, #tpu.memory_space<hbm>>
      %dma_start3A_466 = arith.constant 0 : i32
      %dma_start3A_467 = tpu.memref_slice %arg6[%select_n3A_9, %mul3A_462, %dma_start3A_466] : memref<8x128x3xf32, #tpu.memory_space<hbm>> -> memref<1x32x3xf32, #tpu.memory_space<hbm>>
      %dma_start3A_468 = tpu.memref_squeeze %dma_start3A_467 : memref<1x32x3xf32, #tpu.memory_space<hbm>> -> memref<32x3xf32, #tpu.memory_space<hbm>>
      tpu.enqueue_dma source(%arg29 : memref<32x3xf32, #tpu.memory_space<vmem>>) target(%dma_start3A_468 : memref<32x3xf32, #tpu.memory_space<hbm>>) target_semaphore(%run_scoped3A_463 : memref<!tpu.dma_semaphore, #tpu.memory_space<semaphore_mem>>)
      %dma_wait3A = arith.constant 0 : i32
      %dma_wait3A_469 = tpu.memref_slice %arg6[%select_n3A_9, %mul3A_462, %dma_wait3A] : memref<8x128x3xf32, #tpu.memory_space<hbm>> -> memref<1x32x3xf32, #tpu.memory_space<hbm>>
      %dma_wait3A_470 = tpu.memref_squeeze %dma_wait3A_469 : memref<1x32x3xf32, #tpu.memory_space<hbm>> -> memref<32x3xf32, #tpu.memory_space<hbm>>
      %dma_wait3A_471 = arith.constant 0 : i32
      %dma_wait3A_472 = tpu.memref_slice %arg6[%select_n3A_9, %mul3A_462, %dma_wait3A_471] : memref<8x128x3xf32, #tpu.memory_space<hbm>> -> memref<1x32x3xf32, #tpu.memory_space<hbm>>
      %dma_wait3A_473 = tpu.memref_squeeze %dma_wait3A_472 : memref<1x32x3xf32, #tpu.memory_space<hbm>> -> memref<32x3xf32, #tpu.memory_space<hbm>>
      tpu.wait_dma2 semaphore(%run_scoped3A_463 : memref<!tpu.dma_semaphore, #tpu.memory_space<semaphore_mem>>) src(%arg29 : memref<32x3xf32, #tpu.memory_space<vmem>>) dst(%dma_wait3A_473 : memref<32x3xf32, #tpu.memory_space<hbm>>)
      tpu.yield
    }) : () -> ()
    "tpu.region"() ({
      %run_scoped3A_463 = tpu.sem_alloc : memref<!tpu.dma_semaphore, #tpu.memory_space<semaphore_mem>>
      %dma_start3A = arith.constant 0 : i32
      %dma_start3A_464 = arith.constant 0 : i32
      %dma_start3A_465 = tpu.memref_slice %arg7[%select_n3A_9, %mul3A_462, %dma_start3A, %dma_start3A_464] : memref<8x128x32x3xf32, #tpu.memory_space<hbm>> -> memref<1x32x32x3xf32, #tpu.memory_space<hbm>>
      %dma_start3A_466 = tpu.memref_squeeze %dma_start3A_465 : memref<1x32x32x3xf32, #tpu.memory_space<hbm>> -> memref<32x32x3xf32, #tpu.memory_space<hbm>>
      %dma_start3A_467 = arith.constant 0 : i32
      %dma_start3A_468 = arith.constant 0 : i32
      %dma_start3A_469 = tpu.memref_slice %arg7[%select_n3A_9, %mul3A_462, %dma_start3A_467, %dma_start3A_468] : memref<8x128x32x3xf32, #tpu.memory_space<hbm>> -> memref<1x32x32x3xf32, #tpu.memory_space<hbm>>
      %dma_start3A_470 = tpu.memref_squeeze %dma_start3A_469 : memref<1x32x32x3xf32, #tpu.memory_space<hbm>> -> memref<32x32x3xf32, #tpu.memory_space<hbm>>
      tpu.enqueue_dma source(%arg28 : memref<32x32x3xf32, #tpu.memory_space<vmem>>) target(%dma_start3A_470 : memref<32x32x3xf32, #tpu.memory_space<hbm>>) target_semaphore(%run_scoped3A_463 : memref<!tpu.dma_semaphore, #tpu.memory_space<semaphore_mem>>)
      %dma_wait3A = arith.constant 0 : i32
      %dma_wait3A_471 = arith.constant 0 : i32
      %dma_wait3A_472 = tpu.memref_slice %arg7[%select_n3A_9, %mul3A_462, %dma_wait3A, %dma_wait3A_471] : memref<8x128x32x3xf32, #tpu.memory_space<hbm>> -> memref<1x32x32x3xf32, #tpu.memory_space<hbm>>
      %dma_wait3A_473 = tpu.memref_squeeze %dma_wait3A_472 : memref<1x32x32x3xf32, #tpu.memory_space<hbm>> -> memref<32x32x3xf32, #tpu.memory_space<hbm>>
      %dma_wait3A_474 = arith.constant 0 : i32
      %dma_wait3A_475 = arith.constant 0 : i32
      %dma_wait3A_476 = tpu.memref_slice %arg7[%select_n3A_9, %mul3A_462, %dma_wait3A_474, %dma_wait3A_475] : memref<8x128x32x3xf32, #tpu.memory_space<hbm>> -> memref<1x32x32x3xf32, #tpu.memory_space<hbm>>
      %dma_wait3A_477 = tpu.memref_squeeze %dma_wait3A_476 : memref<1x32x32x3xf32, #tpu.memory_space<hbm>> -> memref<32x32x3xf32, #tpu.memory_space<hbm>>
      tpu.wait_dma2 semaphore(%run_scoped3A_463 : memref<!tpu.dma_semaphore, #tpu.memory_space<semaphore_mem>>) src(%arg28 : memref<32x32x3xf32, #tpu.memory_space<vmem>>) dst(%dma_wait3A_477 : memref<32x32x3xf32, #tpu.memory_space<hbm>>)
      tpu.yield
    }) : () -> ()
    "tpu.region"() ({
      %run_scoped3A_463 = tpu.sem_alloc : memref<!tpu.dma_semaphore, #tpu.memory_space<semaphore_mem>>
      %dma_start3A = arith.constant 0 : i32
      %dma_start3A_464 = tpu.memref_slice %arg8[%select_n3A_9, %mul3A_462, %dma_start3A] : memref<8x128x3xf32, #tpu.memory_space<hbm>> -> memref<1x32x3xf32, #tpu.memory_space<hbm>>
      %dma_start3A_465 = tpu.memref_squeeze %dma_start3A_464 : memref<1x32x3xf32, #tpu.memory_space<hbm>> -> memref<32x3xf32, #tpu.memory_space<hbm>>
      %dma_start3A_466 = arith.constant 0 : i32
      %dma_start3A_467 = tpu.memref_slice %arg8[%select_n3A_9, %mul3A_462, %dma_start3A_466] : memref<8x128x3xf32, #tpu.memory_space<hbm>> -> memref<1x32x3xf32, #tpu.memory_space<hbm>>
      %dma_start3A_468 = tpu.memref_squeeze %dma_start3A_467 : memref<1x32x3xf32, #tpu.memory_space<hbm>> -> memref<32x3xf32, #tpu.memory_space<hbm>>
      tpu.enqueue_dma source(%arg30 : memref<32x3xf32, #tpu.memory_space<vmem>>) target(%dma_start3A_468 : memref<32x3xf32, #tpu.memory_space<hbm>>) target_semaphore(%run_scoped3A_463 : memref<!tpu.dma_semaphore, #tpu.memory_space<semaphore_mem>>)
      %dma_wait3A = arith.constant 0 : i32
      %dma_wait3A_469 = tpu.memref_slice %arg8[%select_n3A_9, %mul3A_462, %dma_wait3A] : memref<8x128x3xf32, #tpu.memory_space<hbm>> -> memref<1x32x3xf32, #tpu.memory_space<hbm>>
      %dma_wait3A_470 = tpu.memref_squeeze %dma_wait3A_469 : memref<1x32x3xf32, #tpu.memory_space<hbm>> -> memref<32x3xf32, #tpu.memory_space<hbm>>
      %dma_wait3A_471 = arith.constant 0 : i32
      %dma_wait3A_472 = tpu.memref_slice %arg8[%select_n3A_9, %mul3A_462, %dma_wait3A_471] : memref<8x128x3xf32, #tpu.memory_space<hbm>> -> memref<1x32x3xf32, #tpu.memory_space<hbm>>
      %dma_wait3A_473 = tpu.memref_squeeze %dma_wait3A_472 : memref<1x32x3xf32, #tpu.memory_space<hbm>> -> memref<32x3xf32, #tpu.memory_space<hbm>>
      tpu.wait_dma2 semaphore(%run_scoped3A_463 : memref<!tpu.dma_semaphore, #tpu.memory_space<semaphore_mem>>) src(%arg30 : memref<32x3xf32, #tpu.memory_space<vmem>>) dst(%dma_wait3A_473 : memref<32x3xf32, #tpu.memory_space<hbm>>)
      tpu.yield
    }) : () -> ()
    "tpu.region"() ({
      %run_scoped3A_463 = tpu.sem_alloc : memref<!tpu.dma_semaphore, #tpu.memory_space<semaphore_mem>>
      %dma_start3A = arith.constant 0 : i32
      %dma_start3A_464 = tpu.memref_slice %arg9[%select_n3A_9, %mul3A_462, %dma_start3A] : memref<8x128x32xi32, #tpu.memory_space<hbm>> -> memref<1x32x32xi32, #tpu.memory_space<hbm>>
      %dma_start3A_465 = tpu.memref_squeeze %dma_start3A_464 : memref<1x32x32xi32, #tpu.memory_space<hbm>> -> memref<32x32xi32, #tpu.memory_space<hbm>>
      %dma_start3A_466 = arith.constant 0 : i32
      %dma_start3A_467 = tpu.memref_slice %arg9[%select_n3A_9, %mul3A_462, %dma_start3A_466] : memref<8x128x32xi32, #tpu.memory_space<hbm>> -> memref<1x32x32xi32, #tpu.memory_space<hbm>>
      %dma_start3A_468 = tpu.memref_squeeze %dma_start3A_467 : memref<1x32x32xi32, #tpu.memory_space<hbm>> -> memref<32x32xi32, #tpu.memory_space<hbm>>
      tpu.enqueue_dma source(%arg26 : memref<32x32xi32, #tpu.memory_space<vmem>>) target(%dma_start3A_468 : memref<32x32xi32, #tpu.memory_space<hbm>>) target_semaphore(%run_scoped3A_463 : memref<!tpu.dma_semaphore, #tpu.memory_space<semaphore_mem>>)
      %dma_wait3A = arith.constant 0 : i32
      %dma_wait3A_469 = tpu.memref_slice %arg9[%select_n3A_9, %mul3A_462, %dma_wait3A] : memref<8x128x32xi32, #tpu.memory_space<hbm>> -> memref<1x32x32xi32, #tpu.memory_space<hbm>>
      %dma_wait3A_470 = tpu.memref_squeeze %dma_wait3A_469 : memref<1x32x32xi32, #tpu.memory_space<hbm>> -> memref<32x32xi32, #tpu.memory_space<hbm>>
      %dma_wait3A_471 = arith.constant 0 : i32
      %dma_wait3A_472 = tpu.memref_slice %arg9[%select_n3A_9, %mul3A_462, %dma_wait3A_471] : memref<8x128x32xi32, #tpu.memory_space<hbm>> -> memref<1x32x32xi32, #tpu.memory_space<hbm>>
      %dma_wait3A_473 = tpu.memref_squeeze %dma_wait3A_472 : memref<1x32x32xi32, #tpu.memory_space<hbm>> -> memref<32x32xi32, #tpu.memory_space<hbm>>
      tpu.wait_dma2 semaphore(%run_scoped3A_463 : memref<!tpu.dma_semaphore, #tpu.memory_space<semaphore_mem>>) src(%arg26 : memref<32x32xi32, #tpu.memory_space<vmem>>) dst(%dma_wait3A_473 : memref<32x32xi32, #tpu.memory_space<hbm>>)
      tpu.yield
    }) : () -> ()
    "tpu.region"() ({
      %run_scoped3A_463 = tpu.sem_alloc : memref<!tpu.dma_semaphore, #tpu.memory_space<semaphore_mem>>
      %dma_start3A = tpu.memref_slice %arg23[%mul3A_462] : memref<128xi32, #tpu.memory_space<vmem>> -> memref<32xi32, #tpu.memory_space<vmem>>
      %dma_start3A_464 = tpu.memref_slice %arg10[%select_n3A_9, %mul3A_462] : memref<8x128xi32, #tpu.memory_space<hbm>> -> memref<1x32xi32, #tpu.memory_space<hbm>>
      %dma_start3A_465 = tpu.memref_squeeze %dma_start3A_464 : memref<1x32xi32, #tpu.memory_space<hbm>> -> memref<32xi32, #tpu.memory_space<hbm>>
      %dma_start3A_466 = tpu.memref_slice %arg10[%select_n3A_9, %mul3A_462] : memref<8x128xi32, #tpu.memory_space<hbm>> -> memref<1x32xi32, #tpu.memory_space<hbm>>
      %dma_start3A_467 = tpu.memref_squeeze %dma_start3A_466 : memref<1x32xi32, #tpu.memory_space<hbm>> -> memref<32xi32, #tpu.memory_space<hbm>>
      %dma_start3A_468 = tpu.memref_slice %arg23[%mul3A_462] : memref<128xi32, #tpu.memory_space<vmem>> -> memref<32xi32, #tpu.memory_space<vmem>>
      tpu.enqueue_dma source(%dma_start3A_468 : memref<32xi32, #tpu.memory_space<vmem>>) target(%dma_start3A_467 : memref<32xi32, #tpu.memory_space<hbm>>) target_semaphore(%run_scoped3A_463 : memref<!tpu.dma_semaphore, #tpu.memory_space<semaphore_mem>>)
      %dma_wait3A = tpu.memref_slice %arg23[%mul3A_462] : memref<128xi32, #tpu.memory_space<vmem>> -> memref<32xi32, #tpu.memory_space<vmem>>
      %dma_wait3A_469 = tpu.memref_slice %arg10[%select_n3A_9, %mul3A_462] : memref<8x128xi32, #tpu.memory_space<hbm>> -> memref<1x32xi32, #tpu.memory_space<hbm>>
      %dma_wait3A_470 = tpu.memref_squeeze %dma_wait3A_469 : memref<1x32xi32, #tpu.memory_space<hbm>> -> memref<32xi32, #tpu.memory_space<hbm>>
      %dma_wait3A_471 = tpu.memref_slice %arg10[%select_n3A_9, %mul3A_462] : memref<8x128xi32, #tpu.memory_space<hbm>> -> memref<1x32xi32, #tpu.memory_space<hbm>>
      %dma_wait3A_472 = tpu.memref_squeeze %dma_wait3A_471 : memref<1x32xi32, #tpu.memory_space<hbm>> -> memref<32xi32, #tpu.memory_space<hbm>>
      %dma_wait3A_473 = tpu.memref_slice %arg23[%mul3A_462] : memref<128xi32, #tpu.memory_space<vmem>> -> memref<32xi32, #tpu.memory_space<vmem>>
      tpu.wait_dma2 semaphore(%run_scoped3A_463 : memref<!tpu.dma_semaphore, #tpu.memory_space<semaphore_mem>>) src(%dma_wait3A_473 : memref<32xi32, #tpu.memory_space<vmem>>) dst(%dma_wait3A_472 : memref<32xi32, #tpu.memory_space<hbm>>)
      tpu.yield
    }) : () -> ()
    return
  }
}

</mosaic_0001>

<sc_bundles>
// kernel: kernel.3.cloned.1.call-start
scs
__scs_entry_jumppad:
0x0: {  	(pc) =	sbr.rel $0x88, $3  }
0x1: {  	(tag) =	ssettag $0x0;
	lr =	simm.s32 $0x1  }
0x2: {  	[smem:$0x3F9F] =	sst lr;
	_ =	strace $0xD0000000  }
0x3: {  	_ = 	snop  }
0x4: {  	_ = 	snop  }
0x5: {  	_ = 	snop  }
0x6: {  	_ = 	snop  }
0x7: {  	_ = 	snop  }
__scs_overlays_trampoline_lowered:
0x8: {  	[smem:$0x3FAE] =	sst s0  }
0x9: {  	[smem:$0x3FAF] =	sst s1  }
0xa: {  	[smem:$0x3FB0] =	sst s2  }
0xb: {  	[smem:$0x3FB1] =	sst s3  }
0xc: {  	[smem:$0x3FB2] =	sst s4  }
0xd: {  	[smem:$0x3FB3] =	sst s5  }
0xe: {  	[smem:$0x3FB4] =	sst s6  }
0xf: {  	[smem:$0x3FB5] =	sst s7  }
0x10: {  	[smem:$0x3FB6] =	sst s8  }
0x11: {  	[smem:$0x3FB7] =	sst s9;
	s0 =	simm.s32 @!p0 $0x0  }
0x12: {  	s1 =	sld [smem:$0x3F9D];
	s0 =	simm.s32 @p0 $0x1  }
0x13: {  	[smem:$0x3FB8] =	sst s0;
	s0 =	simm.s32 @!p1 $0x0  }
0x14: {  	s2 =	sld [smem:$0x3F9C];
	s0 =	simm.s32 @p1 $0x1  }
0x15: {  	[smem:$0x3FB9] =	sst s0;
	s0 =	simm.s32 @!p2 $0x0  }
0x16: {  	s3 =	sld [smem:$0x3FDB];
	s0 =	simm.s32 @p2 $0x1  }
0x17: {  	s4 =	simm.s32 $0x1BF5;
	[smem:$0x3FBB] =	sst s0  }
0x18: {  	s0 =	sld [smem:$0x3F9E];
	_ =	swait.ge [sflag:s4], $0x0  }
0x19: {  	s7 =	sld [smem:$0x3F9F]  }
0x1a: {  	s8 =	sadd.s32 $0xFFFFE003, lr  }
0x1b: {  	s9 =	sadd.s32 $0xFFFFFEF7, lr;
	s5 =	simm.s32 $0xFFFFFFFF;
	p2 =	slt.u32 s8, $0xFFFFF086  }
0x1c: {  	p1 =	slt.u32 s9, $0xF7A;
	s5 =	simm.s32 @!p2 $0x0  }
0x1d: {  	s5 =	simm.s32 @p1 $0x1;
	p0 =	seq.s32 s7, s2  }
0x1e: {  	s7 =	smul.u32 @!p0 $0xF7A, s2;
	p2 =	seq.s32 @!p0 s5, $0x0  }
0x1f: {  	s9 =	smul.u32 $0xF7A, s1;
	s8 =	simm.s32 @!p0 $0x1BF5;
	p2 =	por !p2, p0  }
0x20: {  	[sflag:s8] =	ssyncset.s32 @!p0 $0xFFFFF086;
	s6 =	sadd.s32 @!p0 s3, s7;
	s7 =	simm.s32 @!p0 $0x108  }
0x21: {  	s3 =	sadd.s32 s3, s9;
	s6 =	sadd.s32 @!p0 $0x88, s6;
	s7 =	simm.s32 @p2 $0x1082  }
0x22: {  	[simem:s7], [sflag:s8] =	dma.local @!p0 [hbm:s6], $0xF7A  }
0x23: {  	s9 =	sor.u32 $0xD0000000, s2;
	s6 =	simm.s32 $0x108;
	_ =	swait.ge @!p0 [sflag:s8], $0x0  }
0x24: {  	s3 =	sadd.s32 $0x88, s3;
	s6 =	simm.s32 @!p1 $0x1082;
	[sflag:s4] =	ssyncset.s32 $0xFFFFF086  }
0x25: {  	[simem:s6], [sflag:s4] =	dma.local [hbm:s3], $0xF7A  }
0x26: {  	[smem:$0x3F9F] =	sst s1;
	(tag) =	ssettag s2;
	_ =	strace s9  }
0x27: {  	s1 =	sld [smem:$0x3FAF]  }
0x28: {  	s2 =	sld [smem:$0x3FB0]  }
0x29: {  	s4 =	sld [smem:$0x3FB2]  }
0x2a: {  	p0 =	seq.s32 s5, $0x0;
	s5 =	sld [smem:$0x3FB3]  }
0x2b: {  	s6 =	sld [smem:$0x3FB4]  }
0x2c: {  	s7 =	sld [smem:$0x3FB5]  }
0x2d: {  	s3 =	simm.s32 $0x108;
	s8 =	sld [smem:$0x3FB6]  }
0x2e: {  	s3 =	simm.s32 @!p0 $0x1082;
	s9 =	sld [smem:$0x3FB7]  }
0x2f: {  	lr =	sadd.s32 s0, s3;
	s0 =	sld [smem:$0x3FAE]  }
0x30: {  	s3 =	sld [smem:$0x3FB1]  }
0x31: {  	[smem:$0x3FBA] =	sst s10  }
0x32: {  	s10 =	sld [smem:$0x3FB8];
	_ =	sdelay $0x3  }
0x33: {  	p0 =	seq.s32 s10, $0x1;
	s10 =	sld [smem:$0x3FBA];
	_ =	sdelay $0x3  }
0x34: {  	[smem:$0x3FBA] =	sst s10  }
0x35: {  	s10 =	sld [smem:$0x3FB9];
	_ =	sdelay $0x3  }
0x36: {  	p1 =	seq.s32 s10, $0x1;
	s10 =	sld [smem:$0x3FBA];
	_ =	sdelay $0x3  }
0x37: {  	[smem:$0x3FBA] =	sst s10  }
0x38: {  	s10 =	sld [smem:$0x3FBB]  }
0x39: {  	_ = 	snop;
	(pc) =	sbr.ind lr, $3  }
0x3a: {  	_ = 	snop  }
0x3b: {  	_ = 	snop  }
0x3c: {  	p2 =	seq.s32 s10, $0x1;
	s10 =	sld [smem:$0x3FBA]  }
0x3d: {  	_ =	shalt  }
0x3e: {  	_ =	shalt  }
0x3f: {  	_ =	shalt  }
0x40: {  	_ =	shalt  }
0x41: {  	_ =	shalt  }
0x42: {  	_ =	shalt  }
0x43: {  	_ =	shalt  }
0x44: {  	_ =	shalt  }
0x45: {  	_ =	shalt  }
0x46: {  	_ =	shalt  }
0x47: {  	_ =	shalt  }
0x48: {  	_ =	shalt  }
0x49: {  	_ =	shalt  }
0x4a: {  	_ =	shalt  }
0x4b: {  	_ =	shalt  }
0x4c: {  	_ =	shalt  }
0x4d: {  	_ =	shalt  }
0x4e: {  	_ =	shalt  }
0x4f: {  	_ =	shalt  }
0x50: {  	_ =	shalt  }
0x51: {  	_ =	shalt  }
0x52: {  	_ =	shalt  }
0x53: {  	_ =	shalt  }
0x54: {  	_ =	shalt  }
0x55: {  	_ =	shalt  }
0x56: {  	_ =	shalt  }
0x57: {  	_ =	shalt  }
0x58: {  	_ =	shalt  }
0x59: {  	_ =	shalt  }
0x5a: {  	_ =	shalt  }
0x5b: {  	_ =	shalt  }
0x5c: {  	_ =	shalt  }
0x5d: {  	_ =	shalt  }
0x5e: {  	_ =	shalt  }
0x5f: {  	_ =	shalt  }
0x60: {  	_ =	shalt  }
0x61: {  	_ =	shalt  }
0x62: {  	_ =	shalt  }
0x63: {  	_ =	shalt  }
0x64: {  	_ =	shalt  }
0x65: {  	_ =	shalt  }
0x66: {  	_ =	shalt  }
0x67: {  	_ =	shalt  }
0x68: {  	_ =	shalt  }
0x69: {  	_ =	shalt  }
0x6a: {  	_ =	shalt  }
0x6b: {  	_ =	shalt  }
0x6c: {  	_ =	shalt  }
0x6d: {  	_ =	shalt  }
0x6e: {  	_ =	shalt  }
0x6f: {  	_ =	shalt  }
0x70: {  	_ =	shalt  }
0x71: {  	_ =	shalt  }
0x72: {  	_ =	shalt  }
0x73: {  	_ =	shalt  }
0x74: {  	_ =	shalt  }
0x75: {  	_ =	shalt  }
0x76: {  	_ =	shalt  }
0x77: {  	_ =	shalt  }
0x78: {  	_ =	shalt  }
0x79: {  	_ =	shalt  }
0x7a: {  	_ =	shalt  }
0x7b: {  	_ =	shalt  }
0x7c: {  	_ =	shalt  }
0x7d: {  	_ =	shalt  }
0x7e: {  	_ =	shalt  }
0x7f: {  	_ =	shalt  }
0x80: {  	_ =	shalt  }
0x81: {  	_ =	shalt  }
0x82: {  	_ =	shalt  }
0x83: {  	_ =	shalt  }
0x84: {  	_ =	shalt  }
0x85: {  	_ =	shalt  }
0x86: {  	_ =	shalt  }
0x87: {  	_ =	shalt  }
.Lfunc_end0:
.L_simem_size_0:
called_computation_lowered:
.L_overlay_start_0:
0x88: {  	s2 =	sld [smem:$0x3FD9]  }
0x89: {  	s3 =	sld [smem:$0x3FFE];
	_ =	sdelay $0x1  }
0x8a: {  	s1 =	srdreg.scid  }
0x8b: {  	s0 =	sand.u32 $0x1, s1  }
0x8c: {  	s14 =	sshll.u32 s0, $0xA;
	s2 =	sadd.s32 s3, s2  }
0x8d: {  	s2 =	sadd.s32 s2, s14  }
0x8e: {  	[smem:$0x3FC6] =	sst s2  }
0x8f: {  	_ = 	snop  }
0x90: {  	s2 =	sld [smem:$0x3FD0];
	_ =	sdelay $0x2  }
0x91: {  	s15 =	simm.s32 $0xA;
	s4 =	simm.s32 $0x10  }
0x92: {  	[smem:s4], [sflag:s15] =	dma.local [hbm:s2], $0x1  }
0x93: {  	_ =	swait.eq [sflag:s15], $0x1  }
0x94: {  	s16 =	sld [smem:$0x10]  }
0x95: {  	s17 =	sld [smem:$0x12]  }
0x96: {  	s5 =	sld [smem:$0x13];
	[sflag:s15] =	ssyncset.done $0x0  }
0x97: {  	s6 =	sld [smem:$0x14];
	[sflag:s15] =	ssyncadd.s32 $0xFFFFFFFF  }
0x98: {  	s18 =	sld [smem:$0x15];
	(tm) =	ssettm $0x1  }
0x99: {  	s7 =	sld [smem:$0x3FFB];
	_ =	sdelay $0x3  }
0x9a: {  	_ =	strace s7  }
0x9b: {  	s7 =	sld [smem:$0x3FFC];
	_ =	sdelay $0x3  }
0x9c: {  	_ =	strace s7  }
0x9d: {  	s7 =	sld [smem:$0x3FFD];
	_ =	sdelay $0x3  }
0x9e: {  	_ =	strace s7  }
0x9f: {  	_ =	strace $0x8FFFFFFF  }
0xa0: {  	s19 =	sld [smem:$0x3FDB];
	_ =	sdelay $0x1  }
0xa1: {  	s8 =	simm.s32 $_scs_section_size  }
0xa2: {  	s9 =	simm.s32 $_size__tile_overlayer_lowered;
	s10 =	simm.s32 $_tile_overlayer_lowered  }
0xa3: {  	s22 =	simm.s32 $0x1BFF;
	s21 =	sshll.u32 s10, $0x1;
	s7 =	sadd.s32 s8, s19  }
0xa4: {  	s11 =	simm.s32 $0x0;
	s20 =	sshll.u32 s9, $0x1;
	s9 =	sadd.s32 s21, s7  }
0xa5: {  	[timem:s11], [sflag:s22] =	dma.local [hbm:s9], s20  }
0xa6: {  	_ =	swait.ge [sflag:s22], s20  }
0xa7: {  	s8 =	ssub.s32 $0x0, s20;
	[sflag:s22] =	ssyncset.done $0x0  }
0xa8: {  	[sflag:s22] =	ssyncadd.s32 s8;
	_ =	sdelay $0x1  }
0xa9: {  	s23 =	simm.s32 $0x1B8B  }
0xaa: {  	_ =	swait.ge [sflag:s23], $0x1  }
0xab: {  	[sflag:s23] =	ssyncset.done $0x0  }
0xac: {  	s25 =	simm.s32 $0x1B8E;
	s24 =	sld [smem:$0x3FFE];
	[sflag:s23] =	ssyncadd.s32 $0xFFFFFFFF  }
0xad: {  	s26 =	simm.s32 $execute0_lowered;
	[smem:$0x3FD2] =	sst s25  }
0xae: {  	s9 =	sshll.u32 s26, $0x1;
	_ =	strace $0x80000046;
	[dreg:$0x1] =	wrdreg $0xFFFFFFFF  }
0xaf: {  	s28 =	simm.s32 $_size_execute0_lowered;
	s7 =	sadd.s32 s7, s9;
	[dreg:$0x0] =	wrdreg $0x0  }
0xb0: {  	s9 =	sshll.u32 s28, $0x1;
	[dreg:$0x2] =	wrdreg s7  }
0xb1: {  	[dreg:$0x3] =	wrdreg s9  }
0xb2: {  	[dreg:$0x4] =	wrdreg $0xC0  }
0xb3: {  	_ =	task [dreg:s11], $0x5FFFF  }
0xb4: {  	[dreg:$0x1] =	wrdreg $0xFFFFFFFF  }
0xb5: {  	[dreg:$0x0] =	wrdreg $0x60  }
0xb6: {  	[dreg:$0x2] =	wrdreg s24  }
0xb7: {  	[dreg:$0x3] =	wrdreg s5  }
0xb8: {  	[dreg:$0x4] =	wrdreg s17  }
0xb9: {  	[dreg:$0x5] =	wrdreg s16  }
0xba: {  	[dreg:$0x6] =	wrdreg s6  }
0xbb: {  	[dreg:$0x7] =	wrdreg s18  }
0xbc: {  	[dreg:$0x8] =	wrdreg $0x1D7200  }
0xbd: {  	[dreg:$0x9] =	wrdreg $0x9  }
0xbe: {  	_ =	task.clear_ibuf [dreg:s11], $0xAFFFF;
	_ =	strace $0x90000046  }
0xbf: {  	s29 =	simm.s32 $0x9;
	_ =	strace $0x80000048  }
0xc0: {  	_ =	swait.ge [sflag:s29], $0x1  }
0xc1: {  	[sflag:s29] =	ssyncadd.s32 $0xFFFFFFFF  }
0xc2: {  	_ =	strace $0x90000048  }
0xc3: {  	_ =	sfence  }
0xc4: {  	s30 =	sld [smem:$0x0];
	_ =	sdelay $0x2  }
0xc5: {  	s31 =	sshll.u32 s1, $0xD;
	s1 =	sshrl.u32 s1, $0x2  }
0xc6: {  	s3 =	sand.u32 $0x4000, s31;
	s1 =	sadd.s32 s1, s30  }
0xc7: {  	s0 =	sor.u32 s3, s0;
	s1 =	sshll.u32 s1, $0x11  }
0xc8: {  	s0 =	sor.u32 s1, s0  }
0xc9: {  	s0 =	sadd.s32 $0x8F2B, s0  }
0xca: {  	[sflag:s0] =	ssyncadd.remote.s32 $0x1  }
0xcb: {  	_ =	sfence.sel $0xFFFF  }
0xcc: {  	[dreg:$0x0] =	wrdreg $0xFFFFFFFF;
	(pc) =	sbr.abs _section_cstart, $3  }
0xcd: {  	[dreg:$0x1] =	wrdreg $0xFFFFFFFF  }
0xce: {  	_ =	task.clear_ibuf [dreg:s11], $0x2FFFF;
	_ =	strace $0x9FFFFFFF  }
0xcf: {  	(tm) =	ssettm $0x7FFFFFFF  }
tec
execute0_lowered:
.L_overlay_start_1:
0x0: {  	(tag) =	ssettag $0x1  }
0x1: {  	s0 =	rddreg [dreg:$0x0]  }
0x2: {  	s1 =	rddreg [dreg:$0x2]  }
0x3: {  	s2 =	rddreg [dreg:$0x3]  }
0x4: {  	s4 =	rddreg [dreg:$0x4]  }
0x5: {  	s5 =	rddreg [dreg:$0x5]  }
0x6: {  	s6 =	rddreg [dreg:$0x6];
	s3 =	simm.s32 $0x0  }
0x7: {  	s15 =	stileid.u32;
	s7 =	srdreg.scid;
	s28 =	simm.s32 $0x4000  }
0x8: {  	s29 =	simm.s32 $0x6000;
	s30 =	simm.s32 $0x8000;
	s31 =	simm.s32 $0xA000  }
0x9: {  	[smem:$0x7FF] =	sst s3;
	s8 =	sshll.u32 s15, $0x1;
	s7 =	sand.u32 $0x1, s7  }
0xa: {  	s9 =	sadd.s32 $0xA00, s0;
	s11 =	sshrl.u32 s15, $0x2;
	s14 =	sadd.s32 $0x6A00, s0  }
0xb: {  	_ =	strace $0x80000047;
	s8 =	sand.u32 $0x6, s8;
	s12 =	sshll.u32 s11, $0xA  }
0xc: {  	s18 =	sshll.u32 s11, $0x6;
	s8 =	sor.u32 s7, s8;
	s7 =	ssub.s32 $0x2, s7  }
0xd: {  	s10 =	sshll.u32 s8, $0xC;
	s13 =	smul.u32 $0x6000, s8;
	s22 =	sshrl.u32 s7, $0x1  }
0xe: {  	s17 =	sshll.u32 s8, $0x7;
	s10 =	sor.u32 s12, s10;
	s7 =	ssub.s32 s7, s22  }
0xf: {  	s12 =	sshll.u32 s15, $0x6;
	s22 =	sshll.u32 s11, $0x7;
	s23 =	sshrl.u32 s13, $0x3  }
0x10: {  	s0 =	sadd.s32 s10, s0;
	s24 =	sadd.s32 $0x400, s23;
	s16 =	sadd.s32 s9, s23  }
0x11: {  	s13 =	sadd.s32 $0x800, s23;
	s26 =	sadd.s32 s14, s23;
	[dreg:$0x8] =	wrdreg s16  }
0x12: {  	s21 =	sadd.s32 $0xCA00, s0;
	s0 =	sadd.s32 $0x14A00, s0;
	[dreg:$0xb] =	wrdreg s26  }
0x13: {  	s23 =	sshll.u32 s8, $0x9;
	s8 =	simm.s32 $0x1D6E0;
	[dreg:$0xf] =	wrdreg s21  }
0x14: {  	s25 =	sadd.s32 s9, s24;
	s9 =	sadd.s32 s9, s13;
	[dreg:$0x11] =	wrdreg s0  }
0x15: {  	s10 =	sadd.s32 s14, s24;
	s15 =	sadd.s32 s14, s13;
	[dreg:$0x9] =	wrdreg s25  }
0x16: {  	s16 =	sshll.u32 s11, $0x5;
	s26 =	smax.u32 s7, $0x1;
	[dreg:$0xa] =	wrdreg s9  }
0x17: {  	s7 =	simm.s32 $0x1D6C0;
	s13 =	simm.s32 $0x18890;
	[dreg:$0xc] =	wrdreg s10  }
0x18: {  	s14 =	simm.s32 $0x190A0;
	[dreg:$0xd] =	wrdreg s15;
	s10 =	sshll.u32 s11, $0xB  }
0x19: {  	s9 =	sand.u32 $0xC0, s12;
	s20 =	sor.u32 $0x10, s16;
	s25 =	sor.u32 $0x18000, s16  }
0x1a: {  	[dreg:$0x16] =	wrdreg s26;
	s26 =	simm.s32 $0x2000;
	s12 =	simm.s32 $0x18080  }
0x1b: {  	s15 =	simm.s32 $0x194A0;
	s19 =	sadd.s32 s9, s6;
	[dreg:$0x15] =	wrdreg s25  }
0x1c: {  	s6 =	sor.u32 s16, s17;
	s25 =	sshrl.u32 s18, $0x2;
	[dreg:$0xe] =	wrdreg s19  }
0x1d: {  	v0 =	vlaneseq.u32;
	s21 =	sor.u32 $0x14040, s10;
	s1 =	sadd.s32 s1, s6;
	[dreg:$0x19] =	wrdreg s25  }
0x1e: {  	v1 =	vor.u32 s16, v0;
	s16 =	simm.s32 $0x1B4A0;
	s2 =	sadd.s32 s2, s6;
	[dreg:$0x10] =	wrdreg s1  }
0x1f: {  	s1 =	sadd.s32 s4, s22;
	[dreg:$0x12] =	wrdreg s2;
	s22 =	sor.u32 $0x40, s10  }
0x20: {  	[tilespmem:$0x1FFD0] =	vst v1;
	v1 =	vor.u32 s20, v0;
	s24 =	sshrl.u32 s6, $0x3;
	s0 =	sadd.s32 s23, s1;
	[dreg:$0x17] =	wrdreg s22  }
0x21: {  	vm0 =	vmmov $0x1;
	s6 =	simm.s32 $0x1D6A0;
	[tilespmem:$0x1FFE0] =	vst v1;
	v1 =	vimm.s32 $0x0;
	s23 =	sor.u32 $0x4040, s10;
	[dreg:$0x13] =	wrdreg s0  }
0x22: {  	s2 =	simm.s32 $0x1;
	v1 =	vsel vm0, $0xFFFFFFFF, v1;
	s0 =	sadd.s32 s5, s24;
	[dreg:$0x18] =	wrdreg s23  }
0x23: {  	v47 =	vimm.f32 $1.000000000e+10;
	vm2 =	vmmov $0xf;
	v4 =	vimm.s32 $0x0;
	[tilespmem:$0x1FFF0] =	vst v1;
	s1 =	simm.s32 $0x0;
	s24 =	sor.u32 $0x2040, s10;
	[dreg:$0x14] =	wrdreg s0  }
.LBB2_1:
0x24: {  	[dreg:$0x1a] =	wrdreg s1  }
0x25: {  	s0 =	rddreg [dreg:$0x8]  }
0x26: {  	[tilespmem:s3], [sflag:$0x1] =	stream.linear.gather [hbm4b:s0+s3], $0x2000, $0x38;
	[tilespmem:$0x1D7A0] =	vst v63  }
0x27: {  	_ =	swait.ge [sflag:s2], $0x2000  }
0x28: {  	[sflag:s2] =	ssyncset.done $0x0  }
0x29: {  	s11 =	rddreg [dreg:$0x9];
	[sflag:s2] =	ssyncadd.s32 $0xFFFFE000  }
0x2a: {  	[tilespmem:s26], [sflag:$0x1] =	stream.linear.gather [hbm4b:s11+s3], $0x2000, $0x38;
	[tilespmem:$0x1D7A0] =	vst v63  }
0x2b: {  	_ =	swait.ge [sflag:s2], $0x2000  }
0x2c: {  	[sflag:s2] =	ssyncset.done $0x0  }
0x2d: {  	s17 =	rddreg [dreg:$0xa];
	[sflag:s2] =	ssyncadd.s32 $0xFFFFE000  }
0x2e: {  	[tilespmem:s28], [sflag:$0x1] =	stream.linear.gather [hbm4b:s17+s3], $0x2000, $0x38;
	[tilespmem:$0x1D7A0] =	vst v63  }
0x2f: {  	_ =	swait.ge [sflag:s2], $0x2000  }
0x30: {  	[sflag:s2] =	ssyncset.done $0x0  }
0x31: {  	s18 =	rddreg [dreg:$0xb];
	[sflag:s2] =	ssyncadd.s32 $0xFFFFE000  }
0x32: {  	[tilespmem:s29], [sflag:$0x1] =	stream.linear.gather [hbm4b:s18+s3], $0x2000, $0x38;
	[tilespmem:$0x1D7A0] =	vst v63  }
0x33: {  	_ =	swait.ge [sflag:s2], $0x2000  }
0x34: {  	[sflag:s2] =	ssyncset.done $0x0  }
0x35: {  	s19 =	rddreg [dreg:$0xc];
	[sflag:s2] =	ssyncadd.s32 $0xFFFFE000  }
0x36: {  	[tilespmem:s30], [sflag:$0x1] =	stream.linear.gather [hbm4b:s19+s3], $0x2000, $0x38;
	[tilespmem:$0x1D7A0] =	vst v63  }
0x37: {  	_ =	swait.ge [sflag:s2], $0x2000  }
0x38: {  	[sflag:s2] =	ssyncset.done $0x0  }
0x39: {  	s20 =	rddreg [dreg:$0xd];
	[sflag:s2] =	ssyncadd.s32 $0xFFFFE000  }
0x3a: {  	[tilespmem:s31], [sflag:$0x1] =	stream.linear.gather [hbm4b:s20+s3], $0x2000, $0x38;
	[tilespmem:$0x1D7A0] =	vst v63  }
0x3b: {  	_ =	swait.ge [sflag:s2], $0x2000  }
0x3c: {  	[sflag:s2] =	ssyncset.done $0x0  }
0x3d: {  	[sflag:s2] =	ssyncadd.s32 $0xFFFFE000  }
0x3e: {  	s23 =	simm.s32 $0x1D790;
	s22 =	rddreg [dreg:$0x1]  }
0x3f: {  	[tilespmem:s23], [sflag:$0x1] =	stream.linear.gather [hbm4b:s22+s3], $0x10, $0x38;
	[tilespmem:$0x1D7A0] =	vst v63  }
0x40: {  	_ =	swait.ge [sflag:s2], $0x10  }
0x41: {  	[sflag:s2] =	ssyncset.done $0x0  }
0x42: {  	s25 =	simm.s32 $0x40;
	[sflag:s2] =	ssyncadd.s32 $0xFFFFFFF0  }
0x43: {  	s18 =	simm.s32 $0x2040;
	v8 =	vld [tilespmem:s25+$0x30]  }
0x44: {  	v9 =	vld [tilespmem:s18+$0x30]  }
0x45: {  	s19 =	simm.s32 $0x4040;
	v10 =	vld [tilespmem:s18+$0xFFFFFFC0]  }
0x46: {  	v11 =	vld [tilespmem:s19+$0x30]  }
0x47: {  	v13 =	vld [tilespmem:s18+$0xFFFFFFD0]  }
0x48: {  	v14 =	vld [tilespmem:s25+$0xFFFFFFE0]  }
0x49: {  	v16 =	vld [tilespmem:s18+$0xFFFFFFE0]  }
0x4a: {  	v19 =	vld [tilespmem:s25+$0xFFFFFFF0]  }
0x4b: {  	v21 =	vld [tilespmem:s18+$0xFFFFFFF0]  }
0x4c: {  	v23 =	vld [tilespmem:s25+$0x0]  }
0x4d: {  	v25 =	vld [tilespmem:s18+$0x0]  }
0x4e: {  	v26 =	vld [tilespmem:s18+$0x20]  }
0x4f: {  	v29 =	vld [tilespmem:s25+$0xFFFFFFC0];
	v7 =	vmul.f32 v8, v8  }
0x50: {  	v36 =	vld [tilespmem:s19+$0xFFFFFFC0];
	v15 =	vmul.f32 v9, v9;
	v17 =	vmul.f32 v10, v10  }
0x51: {  	v41 =	vld [tilespmem:s19+$0xFFFFFFD0];
	v20 =	vmul.f32 v11, v11;
	v27 =	vmul.f32 v13, v13  }
0x52: {  	v12 =	vld [tilespmem:s25+$0xFFFFFFD0];
	v28 =	vmul.f32 v14, v14;
	v30 =	vmul.f32 v16, v16  }
0x53: {  	v45 =	vld [tilespmem:s19+$0xFFFFFFE0];
	v18 =	vshrl.u32 v10, $0x10;
	v31 =	vmul.f32 v19, v19;
	v32 =	vmul.f32 v21, v21  }
0x54: {  	v6 =	vld [tilespmem:$0x1D790];
	v22 =	vshrl.u32 v9, $0x10;
	v33 =	vmul.f32 v23, v23;
	v34 =	vmul.f32 v25, v25  }
0x55: {  	v24 =	vshrl.u32 v11, $0x10;
	v39 =	vmul.f32 v26, v26;
	v40 =	vmul.f32 v29, v29  }
0x56: {  	v60 =	vmul.f32 v36, v36;
	v61 =	vshrl.u32 v36, $0x10;
	v62 =	vmul.f32 v41, v41  }
0x57: {  	v46 =	vshrl.u32 v12, $0x10;
	v48 =	vshrl.u32 v13, $0x10;
	v49 =	vshrl.u32 v16, $0x10  }
0x58: {  	v50 =	vshrl.u32 v45, $0x10;
	v51 =	vshrl.u32 v19, $0x10;
	v52 =	vshrl.u32 v21, $0x10  }
0x59: {  	v53 =	vshrl.u32 v25, $0x10;
	v18 =	vand.u32 $0x1, v18;
	v7 =	vxor.u32 v7, v6  }
0x5a: {  	v15 =	vxor.u32 v15, v6;
	v20 =	vxor.u32 v20, v6;
	v17 =	vxor.u32 v17, v6  }
0x5b: {  	v27 =	vxor.u32 v27, v6;
	v28 =	vxor.u32 v28, v6;
	v30 =	vxor.u32 v30, v6  }
0x5c: {  	v31 =	vxor.u32 v31, v6;
	v32 =	vxor.u32 v32, v6;
	v33 =	vxor.u32 v33, v6  }
0x5d: {  	v34 =	vxor.u32 v34, v6;
	v40 =	vxor.u32 v40, v6;
	v39 =	vxor.u32 v39, v6  }
0x5e: {  	v10 =	vadd.s32 v18, v10;
	v18 =	vshrl.u32 v14, $0x10;
	v7 =	vadd.f32 v15, v7  }
0x5f: {  	v56 =	vxor.u32 v60, v6;
	v17 =	vadd.f32 v17, v40;
	v28 =	vadd.f32 v30, v28  }
0x60: {  	v15 =	vshrl.u32 v8, $0x10;
	v31 =	vadd.f32 v32, v31;
	v33 =	vadd.f32 v34, v33  }
0x61: {  	v30 =	vand.u32 $0x1, v61;
	v18 =	vand.u32 $0x1, v18;
	v15 =	vand.u32 $0x1, v15  }
0x62: {  	v30 =	vadd.s32 v30, v36;
	v36 =	vand.u32 $0x1, v49;
	v14 =	vadd.s32 v18, v14  }
0x63: {  	v18 =	vshrl.u32 v23, $0x10;
	v7 =	vadd.f32 v20, v7;
	v8 =	vadd.s32 v15, v8  }
0x64: {  	v15 =	vand.u32 $0x1, v22;
	v16 =	vadd.s32 v36, v16;
	v18 =	vand.u32 $0x1, v18  }
0x65: {  	v20 =	vld [tilespmem:s25+$0x10];
	v17 =	vadd.f32 v56, v17;
	v30 =	vadd.s32 $0x7FFF, v30;
	v8 =	vadd.s32 $0x7FFF, v8  }
0x66: {  	v22 =	vld [tilespmem:s18+$0x10];
	v9 =	vadd.s32 v15, v9;
	v15 =	vand.u32 $0x1, v24;
	v24 =	vmul.f32 v12, v12  }
0x67: {  	v42 =	vadd.s32 v18, v23;
	v23 =	vand.u32 $0x1, v53;
	v8 =	vand.u32 $0xFFFF0000, v8  }
0x68: {  	s1 =	simm.s32 $0x12040;
	v9 =	vadd.s32 $0x7FFF, v9;
	v11 =	vadd.s32 v15, v11;
	v25 =	vadd.s32 v23, v25  }
0x69: {  	s4 =	simm.s32 $0xC040;
	v15 =	vld [tilespmem:s25+$0x20];
	[tilespmem:s1+$0x30] =	vst v7;
	v9 =	vand.u32 $0xFFFF0000, v9;
	v11 =	vadd.s32 $0x7FFF, v11;
	v24 =	vxor.u32 v24, v6  }
0x6a: {  	[tilespmem:s4+$0x30] =	vst v8;
	v24 =	vadd.f32 v27, v24;
	v27 =	vshrl.u32 v29, $0x10;
	v8 =	vand.u32 $0xFFFF0000, v11  }
0x6b: {  	v35 =	vmul.f32 v20, v20;
	v37 =	vmul.f32 v22, v22;
	v27 =	vand.u32 $0x1, v27  }
0x6c: {  	v54 =	vshrl.u32 v20, $0x10;
	v18 =	vshrl.u32 v22, $0x10;
	v27 =	vadd.s32 v27, v29  }
0x6d: {  	v29 =	vshrl.u32 v41, $0x10;
	v55 =	vand.u32 $0x1, v54;
	v18 =	vand.u32 $0x1, v18  }
0x6e: {  	v38 =	vmul.f32 v15, v15;
	v35 =	vxor.u32 v35, v6;
	v37 =	vxor.u32 v37, v6  }
0x6f: {  	v29 =	vand.u32 $0x1, v29;
	v23 =	vshrl.u32 v15, $0x10;
	v36 =	vadd.s32 v55, v20  }
0x70: {  	v57 =	vadd.s32 v18, v22;
	v18 =	vshrl.u32 v26, $0x10;
	v22 =	vand.u32 $0x1, v50  }
0x71: {  	v63 =	vadd.f32 v37, v35;
	v29 =	vadd.s32 v29, v41;
	v41 =	vand.u32 $0x1, v52  }
0x72: {  	v37 =	vand.u32 $0x1, v46;
	v23 =	vand.u32 $0x1, v23;
	v41 =	vadd.s32 v41, v21;
	v21 =	vld [tilespmem:s19+$0xFFFFFFF0]  }
0x73: {  	v18 =	vand.u32 $0x1, v18;
	v38 =	vxor.u32 v38, v6;
	v43 =	vadd.s32 v23, v15;
	v15 =	vld [tilespmem:s19+$0x10]  }
0x74: {  	v12 =	vadd.s32 v37, v12;
	v37 =	vadd.s32 v22, v45;
	v26 =	vadd.s32 v18, v26;
	v18 =	vld [tilespmem:s19+$0x20]  }
0x75: {  	v22 =	vmul.f32 v45, v45;
	v38 =	vadd.f32 v39, v38;
	v39 =	vand.u32 $0x1, v48  }
0x76: {  	v27 =	vadd.s32 $0x7FFF, v27;
	v13 =	vadd.s32 v39, v13;
	v39 =	vand.u32 $0x1, v51  }
0x77: {  	v27 =	vand.u32 $0xFFFF0000, v27;
	v22 =	vxor.u32 v22, v6;
	v19 =	vadd.s32 v39, v19  }
0x78: {  	v20 =	vld [tilespmem:s19+$0x0];
	v28 =	vadd.f32 v22, v28;
	v19 =	vadd.s32 $0x7FFF, v19;
	v23 =	vshrl.u32 v21, $0x10  }
0x79: {  	v22 =	vshrl.u32 v15, $0x10;
	v7 =	vmul.f32 v18, v18;
	v23 =	vand.u32 $0x1, v23  }
0x7a: {  	v22 =	vand.u32 $0x1, v22;
	v58 =	vadd.s32 v23, v21;
	v21 =	vmul.f32 v21, v21  }
0x7b: {  	v23 =	vxor.u32 v62, v6;
	v60 =	vadd.s32 v22, v15;
	v15 =	vmul.f32 v15, v15  }
0x7c: {  	v7 =	vxor.u32 v7, v6;
	v22 =	vadd.s32 $0x7FFF, v29;
	v23 =	vadd.f32 v23, v24  }
0x7d: {  	v24 =	vshrl.u32 v20, $0x10;
	v62 =	vadd.f32 v7, v38;
	v7 =	vadd.s32 $0x7FFF, v37  }
0x7e: {  	s5 =	simm.s32 $0xE040;
	[tilespmem:s1+$0xFFFFFFC0] =	vst v17;
	v17 =	vadd.s32 $0x7FFF, v58;
	v24 =	vand.u32 $0x1, v24;
	v21 =	vxor.u32 v21, v6  }
0x7f: {  	[tilespmem:s5+$0x30] =	vst v9;
	v15 =	vxor.u32 v15, v6;
	v59 =	vadd.s32 v24, v20;
	v20 =	vmul.f32 v20, v20  }
0x80: {  	s17 =	simm.s32 $0x10040;
	v31 =	vadd.f32 v21, v31;
	[tilespmem:s1+$0xFFFFFFD0] =	vst v23;
	v24 =	vadd.s32 $0x7FFF, v12;
	v23 =	vadd.s32 $0x7FFF, v13  }
0x81: {  	s0 =	simm.s32 $0x14040;
	[tilespmem:s17+$0x30] =	vst v8;
	v21 =	vadd.s32 $0x7FFF, v14;
	v14 =	vadd.s32 $0x7FFF, v36;
	v20 =	vxor.u32 v20, v6  }
0x82: {  	[tilespmem:s0+$0x30] =	vst v47;
	v13 =	vadd.s32 $0x7FFF, v57;
	v11 =	vadd.f32 v20, v33;
	v20 =	vshrl.u32 v18, $0x10  }
0x83: {  	[tilespmem:s1+$0xFFFFFFE0] =	vst v28;
	v12 =	vadd.s32 $0x7FFF, v43;
	v8 =	vadd.s32 $0x7FFF, v59;
	v9 =	vand.u32 $0x1, v20  }
0x84: {  	[tilespmem:s1+$0x20] =	vst v62;
	v20 =	vadd.s32 $0x7FFF, v16;
	v16 =	vadd.s32 $0x7FFF, v42;
	v61 =	vadd.s32 v9, v18  }
0x85: {  	[tilespmem:s1+$0xFFFFFFF0] =	vst v31;
	v9 =	vadd.f32 v15, v63;
	v63 =	vadd.s32 $0x7FFF, v10;
	v18 =	vadd.s32 $0x7FFF, v41  }
0x86: {  	s9 =	simm.s32 $0xE040;
	s11 =	simm.s32 $0x14040;
	s22 =	simm.s32 $0xC0;
	[tilespmem:s1+$0x0] =	vst v11;
	v15 =	vadd.s32 $0x7FFF, v25;
	v11 =	vadd.s32 $0x7FFF, v26;
	v25 =	vand.u32 $0xFFFF0000, v30  }
0x87: {  	s23 =	simm.s32 $0xC040;
	s2 =	simm.s32 $0x10040;
	s25 =	simm.s32 $0x0;
	v10 =	vadd.s32 $0x7FFF, v61;
	v26 =	vand.u32 $0xFFFF0000, v63;
	[tilespmem:s1+$0x10] =	vst v9;
	v9 =	vadd.s32 $0x7FFF, v60  }
.LBB2_2:
0x88: {  	v29 =	vld [tilespmem:s22+$0x30]  }
0x89: {  	v32 =	vand.u32 $0xFFFF0000, v20;
	v20 =	vld [tilespmem:s22+$0xFFFFFFD0]  }
0x8a: {  	v3 =	vld [tilespmem:s22+$0xFFFFFFE0]  }
0x8b: {  	[tilespmem:s4+$0xFFFFFFC0] =	vst v27;
	v27 =	vand.u32 $0xFFFF0000, v22;
	v22 =	vand.u32 $0xFFFF0000, v11;
	v11 =	vld [tilespmem:s22+$0xFFFFFFF0]  }
0x8c: {  	v24 =	vand.u32 $0xFFFF0000, v24;
	v23 =	vand.u32 $0xFFFF0000, v23;
	s18 =	sadd.s32 $0x80, s18;
	v31 =	vand.u32 $0xFFFF0000, v21;
	v52 =	vld [tilespmem:s22+$0x10]  }
0x8d: {  	v33 =	vand.u32 $0xFFFF0000, v7;
	v19 =	vand.u32 $0xFFFF0000, v19;
	v34 =	vand.u32 $0xFFFF0000, v18;
	s19 =	sadd.s32 $0x80, s19;
	v30 =	vld [tilespmem:s18+$0x30];
	[tilespmem:s5+$0xFFFFFFC0] =	vst v26  }
0x8e: {  	v35 =	vand.u32 $0xFFFF0000, v17;
	v36 =	vand.u32 $0xFFFF0000, v16;
	v37 =	vand.u32 $0xFFFF0000, v15;
	v18 =	vld [tilespmem:s19+$0x30];
	[tilespmem:s4+$0xFFFFFFD0] =	vst v24  }
0x8f: {  	v38 =	vand.u32 $0xFFFF0000, v8;
	v28 =	vand.u32 $0xFFFF0000, v14;
	v21 =	vand.u32 $0xFFFF0000, v10;
	v1 =	vld [tilespmem:s18+$0xFFFFFFC0];
	[tilespmem:s17+$0xFFFFFFC0] =	vst v25  }
0x90: {  	v7 =	vimm.f32 $1.000000000e+10;
	v26 =	vand.u32 $0xFFFF0000, v13;
	v2 =	vld [tilespmem:s18+$0xFFFFFFD0];
	[tilespmem:s5+$0xFFFFFFD0] =	vst v23;
	v13 =	vmul.f32 v29, v29  }
0x91: {  	v23 =	vand.u32 $0xFFFF0000, v12;
	v12 =	vld [tilespmem:s18+$0xFFFFFFE0];
	[tilespmem:s4+$0xFFFFFFE0] =	vst v31;
	v50 =	vmul.f32 v20, v20;
	v53 =	vmul.f32 v3, v3  }
0x92: {  	v24 =	vand.u32 $0xFFFF0000, v9;
	[tilespmem:s0+$0xFFFFFFC0] =	vst v47;
	v40 =	vmul.f32 v11, v11;
	v14 =	vmul.f32 v30, v30  }
0x93: {  	[tilespmem:s17+$0xFFFFFFD0] =	vst v27;
	v16 =	vmul.f32 v18, v18;
	v25 =	vshrl.u32 v30, $0x10;
	v46 =	vshrl.u32 v18, $0x10  }
0x94: {  	[tilespmem:$0x1FFB0] =	vst v1;
	v27 =	vmul.f32 v1, v1;
	v1 =	vshrl.u32 v1, $0x10;
	v15 =	vxor.u32 v13, v6  }
0x95: {  	[tilespmem:s5+$0xFFFFFFE0] =	vst v32;
	v25 =	vand.u32 $0x1, v25;
	v49 =	vand.u32 $0x1, v46;
	v51 =	vmul.f32 v2, v2  }
0x96: {  	[tilespmem:s17+$0xFFFFFFE0] =	vst v33;
	v39 =	vmul.f32 v12, v12;
	v41 =	vxor.u32 v50, v6;
	v46 =	vmul.f32 v52, v52  }
0x97: {  	[tilespmem:s0+$0xFFFFFFE0] =	vst v47;
	v32 =	vxor.u32 v53, v6;
	v53 =	vshrl.u32 v20, $0x10;
	v14 =	vxor.u32 v14, v6  }
0x98: {  	v13 =	vld [tilespmem:s18+$0xFFFFFFF0];
	[tilespmem:s4+$0xFFFFFFF0] =	vst v19;
	v16 =	vxor.u32 v16, v6;
	v25 =	vadd.s32 v25, v30;
	v17 =	vadd.f32 v14, v15  }
0x99: {  	[tilespmem:s9+$0xFFFFFFF0] =	vst v34;
	v30 =	vld [tilespmem:s19+$0xFFFFFFE0];
	v15 =	vshrl.u32 v29, $0x10;
	v25 =	vadd.s32 $0x7FFF, v25;
	v33 =	vxor.u32 v27, v6  }
0x9a: {  	v14 =	vld [tilespmem:s22+$0x0];
	v44 =	vxor.u32 v51, v6;
	[tilespmem:s2+$0xFFFFFFF0] =	vst v35;
	v35 =	vxor.u32 v39, v6;
	v39 =	vxor.u32 v40, v6  }
0x9b: {  	v27 =	vld [tilespmem:s19+$0xFFFFFFC0];
	v46 =	vxor.u32 v46, v6;
	v45 =	vand.u32 $0x1, v15;
	v25 =	vand.u32 $0xFFFF0000, v25  }
0x9c: {  	v15 =	vld [tilespmem:s18+$0x0];
	v41 =	vadd.f32 v44, v41;
	v48 =	vadd.f32 v16, v17;
	v17 =	vadd.s32 v45, v29  }
0x9d: {  	s1 =	sadd.s32 $0x80, s1;
	v31 =	vld [tilespmem:s19+$0xFFFFFFF0];
	v32 =	vadd.f32 v35, v32;
	v29 =	vadd.s32 $0x7FFF, v17;
	v42 =	vmul.f32 v13, v13  }
0x9e: {  	v59 =	vshrl.u32 v13, $0x10;
	[tilespmem:s1+$0x30] =	vst v48;
	v19 =	vand.u32 $0xFFFF0000, v29;
	v29 =	vadd.s32 v49, v18  }
0x9f: {  	s4 =	sadd.s32 $0x80, s4;
	v49 =	vld [tilespmem:s19+$0x0];
	[tilespmem:s23+$0x0] =	vst v36;
	v57 =	vshrl.u32 v30, $0x10;
	v29 =	vadd.s32 $0x7FFF, v29;
	v43 =	vmul.f32 v14, v14  }
0xa0: {  	v17 =	vld [tilespmem:s18+$0x10];
	[tilespmem:s4+$0x30] =	vst v19;
	v42 =	vxor.u32 v42, v6;
	v51 =	vshrl.u32 v27, $0x10;
	v62 =	vshrl.u32 v14, $0x10  }
0xa1: {  	v18 =	vld [tilespmem:s22+$0x20];
	[tilespmem:s9+$0x0] =	vst v37;
	v57 =	vand.u32 $0x1, v57;
	v29 =	vand.u32 $0xFFFF0000, v29;
	v45 =	vmul.f32 v15, v15  }
0xa2: {  	v19 =	vld [tilespmem:s18+$0x20];
	[tilespmem:s2+$0x0] =	vst v38;
	v38 =	vmul.f32 v27, v27;
	v58 =	vmul.f32 v31, v31;
	v60 =	vshrl.u32 v31, $0x10  }
0xa3: {  	s5 =	sadd.s32 $0x80, s5;
	[tilespmem:s0+$0xFFFFFFD0] =	vst v47;
	v63 =	vshrl.u32 v15, $0x10;
	v35 =	vadd.f32 v42, v39;
	v39 =	vand.u32 $0x1, v51  }
0xa4: {  	[tilespmem:s5+$0x30] =	vst v25;
	v25 =	vld [tilespmem:s22+$0xFFFFFFC0];
	v42 =	vand.u32 $0x1, v53;
	v43 =	vxor.u32 v43, v6;
	v27 =	vadd.s32 v39, v27  }
0xa5: {  	v20 =	vadd.s32 v42, v20;
	v54 =	vmul.f32 v17, v17;
	v36 =	vxor.u32 v45, v6;
	v45 =	vld [tilespmem:s19+$0x10];
	[tilespmem:s23+$0x10] =	vst v28  }
0xa6: {  	s17 =	sadd.s32 $0x80, s17;
	v38 =	vxor.u32 v38, v6;
	v55 =	vmul.f32 v18, v18;
	[tilespmem:s9+$0x10] =	vst v26;
	v26 =	vshrl.u32 v12, $0x10  }
0xa7: {  	[tilespmem:s17+$0x30] =	vst v29;
	v61 =	vmul.f32 v49, v49;
	v36 =	vadd.f32 v36, v43;
	v56 =	vmul.f32 v19, v19  }
0xa8: {  	s0 =	sadd.s32 $0x80, s0;
	v29 =	vld [tilespmem:s19+$0xFFFFFFD0];
	v34 =	vxor.u32 v54, v6;
	v54 =	vshrl.u32 v2, $0x10;
	[tilespmem:s2+$0x10] =	vst v24;
	v24 =	vshrl.u32 v11, $0x10  }
0xa9: {  	[tilespmem:s0+$0x30] =	vst v47;
	v26 =	vand.u32 $0x1, v26;
	v48 =	vmul.f32 v25, v25;
	v47 =	vxor.u32 v55, v6  }
0xaa: {  	v50 =	vshrl.u32 v25, $0x10;
	v55 =	vmul.f32 v30, v30;
	v34 =	vadd.f32 v34, v46  }
0xab: {  	v43 =	vand.u32 $0x1, v54;
	v24 =	vand.u32 $0x1, v24;
	v12 =	vadd.s32 v26, v12  }
0xac: {  	[tilespmem:$0x1FFA0] =	vst v1;
	v26 =	vadd.s32 v57, v30;
	v57 =	vxor.u32 v58, v6;
	v40 =	vxor.u32 v56, v6  }
0xad: {  	v9 =	vmovc v2;
	[tilespmem:s11+$0xFFFFFFF0] =	vst v7;
	v1 =	vmul.f32 v29, v29;
	v28 =	vshrl.u32 v29, $0x10;
	v56 =	vshrl.u32 v3, $0x10  }
0xae: {  	v10 =	vmovc v3;
	[tilespmem:s11+$0x0] =	vst v7;
	v3 =	vshrl.u32 v52, $0x10;
	v9 =	vadd.s32 v43, v9;
	v11 =	vadd.s32 v24, v11  }
0xaf: {  	v24 =	vxor.u32 v61, v6;
	v37 =	vxor.u32 v48, v6;
	v48 =	vld [tilespmem:s19+$0x20];
	[tilespmem:s23+$0x20] =	vst v23;
	v23 =	vshrl.u32 v49, $0x10  }
0xb0: {  	[tilespmem:s11+$0x10] =	vst v7;
	v8 =	vmul.f32 v45, v45;
	v5 =	vshrl.u32 v45, $0x10;
	v40 =	vadd.f32 v40, v47  }
0xb1: {  	v28 =	vand.u32 $0x1, v28;
	v46 =	vand.u32 $0x1, v56;
	v3 =	vand.u32 $0x1, v3;
	[tilespmem:$0x1FFC0] =	vst v1  }
0xb2: {  	v47 =	vimm.f32 $1.000000000e+10;
	v61 =	vadd.f32 v24, v36;
	v24 =	vadd.s32 $0x7FFF, v20;
	[tilespmem:s9+$0x20] =	vst v22  }
0xb3: {  	v20 =	vadd.s32 $0x7FFF, v12;
	v22 =	vshrl.u32 v17, $0x10;
	v1 =	vshrl.u32 v19, $0x10;
	[tilespmem:s2+$0x20] =	vst v21  }
0xb4: {  	v33 =	vadd.f32 v33, v37;
	v37 =	vand.u32 $0x1, v50;
	v50 =	vand.u32 $0x1, v59;
	[tilespmem:s11+$0x20] =	vst v7;
	v7 =	vld [tilespmem:$0x1FFA0]  }
0xb5: {  	v59 =	vand.u32 $0x1, v60;
	v60 =	vand.u32 $0x1, v62;
	v62 =	vand.u32 $0x1, v63  }
0xb6: {  	v23 =	vand.u32 $0x1, v23;
	v5 =	vand.u32 $0x1, v5;
	v28 =	vadd.s32 v28, v29  }
0xb7: {  	v29 =	vxor.u32 v55, v6;
	v10 =	vadd.s32 v46, v10;
	v3 =	vadd.s32 v3, v52  }
0xb8: {  	v21 =	vshrl.u32 v18, $0x10;
	v22 =	vand.u32 $0x1, v22;
	v1 =	vand.u32 $0x1, v1  }
0xb9: {  	v25 =	vadd.s32 v37, v25;
	v13 =	vadd.s32 v50, v13;
	v44 =	vand.u32 $0x1, v7;
	v7 =	vld [tilespmem:$0x1FFB0]  }
0xba: {  	v31 =	vadd.s32 v59, v31;
	v14 =	vadd.s32 v60, v14;
	v15 =	vadd.s32 v62, v15  }
0xbb: {  	v58 =	vadd.s32 v23, v49;
	v8 =	vxor.u32 v8, v6;
	v5 =	vadd.s32 v5, v45  }
0xbc: {  	v62 =	vadd.s32 $0x7FFF, v27;
	v23 =	vadd.s32 $0x7FFF, v9;
	v21 =	vand.u32 $0x1, v21  }
0xbd: {  	v59 =	vadd.s32 v22, v17;
	v1 =	vadd.s32 v1, v19;
	v25 =	vadd.s32 $0x7FFF, v25  }
0xbe: {  	v27 =	vadd.f32 v8, v34;
	v22 =	vadd.s32 $0x7FFF, v28;
	v63 =	vadd.s32 v44, v7;
	v7 =	vld [tilespmem:$0x1FFC0]  }
0xbf: {  	v19 =	vadd.s32 $0x7FFF, v11;
	v15 =	vadd.s32 $0x7FFF, v15;
	v8 =	vadd.s32 $0x7FFF, v58  }
0xc0: {  	v9 =	vadd.s32 $0x7FFF, v5;
	v60 =	vadd.s32 v21, v18;
	v18 =	vadd.f32 v29, v32  }
0xc1: {  	v21 =	vadd.s32 $0x7FFF, v10;
	v11 =	vadd.s32 $0x7FFF, v1;
	v16 =	vmul.f32 v48, v48  }
0xc2: {  	s25 =	sadd.s32 $0x80, s25;
	v2 =	vshrl.u32 v48, $0x10;
	[tilespmem:s1+$0x10] =	vst v27;
	v12 =	vadd.s32 $0x7FFF, v60;
	v27 =	vand.u32 $0xFFFF0000, v25  }
0xc3: {  	p0 =	slt.u32 s25, $0x1F80;
	[tilespmem:s1+$0x0] =	vst v61;
	v56 =	vxor.u32 v7, v6;
	v7 =	vxor.u32 v16, v6;
	v16 =	vadd.f32 v38, v33  }
.Ltmp0:
0xc4: {  	v25 =	vand.u32 $0xFFFF0000, v62;
	v2 =	vand.u32 $0x1, v2;
	[tilespmem:s1+$0xFFFFFFE0] =	vst v18;
	v17 =	vadd.f32 v56, v41;
	(pc) =	sbr.rel @p0 .LBB2_2-.Ltmp0, $4  }
0xc5: {  	v18 =	vadd.s32 $0x7FFF, v13;
	v29 =	vadd.s32 $0x7FFF, v63;
	v63 =	vadd.f32 v7, v40;
	[tilespmem:s1+$0xFFFFFFC0] =	vst v16  }
0xc6: {  	v13 =	vadd.s32 $0x7FFF, v59;
	v2 =	vadd.s32 v2, v48;
	v16 =	vadd.f32 v57, v35;
	[tilespmem:s1+$0xFFFFFFD0] =	vst v17  }
0xc7: {  	s20 =	simm.s32 $0x0;
	s22 =	sadd.s32 $0x80, s22;
	s23 =	smov.u32 s4;
	v10 =	vadd.s32 $0x7FFF, v2;
	v7 =	vadd.s32 $0x7FFF, v26;
	v26 =	vand.u32 $0xFFFF0000, v29;
	[tilespmem:s1+$0x20] =	vst v63  }
0xc8: {  	s9 =	smov.u32 s5;
	s2 =	smov.u32 s17;
	s11 =	smov.u32 s0;
	v17 =	vadd.s32 $0x7FFF, v31;
	[tilespmem:s1+$0xFFFFFFF0] =	vst v16;
	v16 =	vadd.s32 $0x7FFF, v14;
	v14 =	vadd.s32 $0x7FFF, v3  }
0xc9: {  	[tilespmem:s4+$0xFFFFFFC0] =	vst v27  }
0xca: {  	v1 =	vand.u32 $0xFFFF0000, v24;
	[tilespmem:s5+$0xFFFFFFC0] =	vst v26  }
0xcb: {  	[tilespmem:s4+$0xFFFFFFD0] =	vst v1  }
0xcc: {  	v2 =	vand.u32 $0xFFFF0000, v23;
	[tilespmem:s17+$0xFFFFFFC0] =	vst v25  }
0xcd: {  	[tilespmem:s5+$0xFFFFFFD0] =	vst v2  }
0xce: {  	v1 =	vand.u32 $0xFFFF0000, v22;
	[tilespmem:s0+$0xFFFFFFC0] =	vst v47  }
0xcf: {  	[tilespmem:s17+$0xFFFFFFD0] =	vst v1  }
0xd0: {  	v1 =	vand.u32 $0xFFFF0000, v21;
	[tilespmem:s0+$0xFFFFFFD0] =	vst v47  }
0xd1: {  	v2 =	vand.u32 $0xFFFF0000, v20;
	[tilespmem:s4+$0xFFFFFFE0] =	vst v1  }
0xd2: {  	v1 =	vand.u32 $0xFFFF0000, v7;
	[tilespmem:s5+$0xFFFFFFE0] =	vst v2  }
0xd3: {  	[tilespmem:s17+$0xFFFFFFE0] =	vst v1  }
0xd4: {  	v1 =	vand.u32 $0xFFFF0000, v19;
	[tilespmem:s0+$0xFFFFFFE0] =	vst v47  }
0xd5: {  	v2 =	vand.u32 $0xFFFF0000, v18;
	[tilespmem:s4+$0xFFFFFFF0] =	vst v1  }
0xd6: {  	v1 =	vand.u32 $0xFFFF0000, v17;
	[tilespmem:s9+$0xFFFFFFF0] =	vst v2  }
0xd7: {  	[tilespmem:s2+$0xFFFFFFF0] =	vst v1  }
0xd8: {  	v1 =	vand.u32 $0xFFFF0000, v16;
	[tilespmem:s11+$0xFFFFFFF0] =	vst v47  }
0xd9: {  	v2 =	vand.u32 $0xFFFF0000, v15;
	[tilespmem:s23+$0x0] =	vst v1  }
0xda: {  	v1 =	vand.u32 $0xFFFF0000, v8;
	[tilespmem:s9+$0x0] =	vst v2  }
0xdb: {  	[tilespmem:s2+$0x0] =	vst v1  }
0xdc: {  	v1 =	vand.u32 $0xFFFF0000, v14;
	[tilespmem:s11+$0x0] =	vst v47  }
0xdd: {  	v2 =	vand.u32 $0xFFFF0000, v13;
	[tilespmem:s23+$0x10] =	vst v1  }
0xde: {  	v1 =	vand.u32 $0xFFFF0000, v9;
	[tilespmem:s9+$0x10] =	vst v2  }
0xdf: {  	[tilespmem:s2+$0x10] =	vst v1  }
0xe0: {  	v1 =	vand.u32 $0xFFFF0000, v12;
	[tilespmem:s11+$0x10] =	vst v47  }
0xe1: {  	v2 =	vand.u32 $0xFFFF0000, v11;
	[tilespmem:s23+$0x20] =	vst v1  }
0xe2: {  	v1 =	vand.u32 $0xFFFF0000, v10;
	[tilespmem:s9+$0x20] =	vst v2  }
0xe3: {  	[tilespmem:s2+$0x20] =	vst v1  }
0xe4: {  	[tilespmem:s11+$0x20] =	vst v47  }
0xe5: {  	s19 =	rddreg [dreg:$0xe]  }
0xe6: {  	s22 =	rddreg [dreg:$0x17]  }
0xe7: {  	s23 =	rddreg [dreg:$0x18]  }
0xe8: {  	s18 =	simm.s32 $0x0;
	s25 =	rddreg [dreg:$0x19]  }
.LBB2_4:
0xe9: {  	v1 =	vmov s18  }
0xea: {  	v2 =	vmov s20;
	_ =	sdelay $0x2  }
0xeb: {  	s0 =	simm.s32 $0x18000  }
0xec: {  	[tilespmem:v1+s0+$0x0] =	vst.idx.msk $0x1, v2  }
0xed: {  	v7 =	vld.idx.msk [tilespmem:v2+s3+$0x0], $0xffff  }
0xee: {  	v9 =	vld.idx.msk [tilespmem:v2+s26+$0x0], $0xffff  }
0xef: {  	v10 =	vld.idx.msk [tilespmem:v2+s28+$0x0], $0xffff  }
0xf0: {  	v1 =	vld [tilespmem:s23+$0x30]  }
0xf1: {  	v2 =	vld [tilespmem:s23+$0x20]  }
0xf2: {  	v3 =	vld [tilespmem:s22+$0x30]  }
0xf3: {  	v5 =	vld [tilespmem:s24+$0x30]  }
0xf4: {  	v8 =	vld [tilespmem:s23+$0x10]  }
0xf5: {  	v11 =	vld [tilespmem:s22+$0x20]  }
0xf6: {  	v12 =	vld [tilespmem:s24+$0x20]  }
0xf7: {  	v13 =	vld [tilespmem:s23+$0x0]  }
0xf8: {  	v14 =	vld [tilespmem:s22+$0x10]  }
0xf9: {  	v15 =	vld [tilespmem:s24+$0x10]  }
0xfa: {  	v16 =	vld [tilespmem:s23+$0xFFFFFFF0]  }
0xfb: {  	v17 =	vld [tilespmem:s22+$0x0];
	v1 =	vsub.f32 v1, v10;
	v2 =	vsub.f32 v2, v10  }
0xfc: {  	v22 =	vimm.f32 $-1.000000000e+00;
	s1 =	sadd.s32 $0xFFFFFF80, s10;
	v19 =	vld [tilespmem:s23+$0xFFFFFFE0];
	v3 =	vsub.f32 v3, v7;
	v5 =	vsub.f32 v5, v9  }
0xfd: {  	v23 =	vimm.s32 $0x0;
	s20 =	sadd.s32 $0x80, s1;
	v18 =	vld [tilespmem:s24+$0x0];
	v21 =	vsub.f32 v8, v10;
	v24 =	vsub.f32 v11, v7  }
0xfe: {  	s5 =	sadd.s32 $0xF0, s1;
	s2 =	sadd.s32 $0xC0, s1;
	v45 =	vor.u32 s20, v0;
	v20 =	vld [tilespmem:s22+$0xFFFFFFF0];
	v26 =	vsub.f32 v13, v10;
	v27 =	vsub.f32 v12, v9  }
0xff: {  	s9 =	sadd.s32 $0xB0, s1;
	v25 =	vld [tilespmem:s24+$0xFFFFFFF0];
	v8 =	vor.u32 s5, v0;
	v11 =	vor.u32 s2, v0;
	v14 =	vsub.f32 v14, v7  }
0x100: {  	s11 =	sadd.s32 $0xA0, s1;
	v28 =	vld [tilespmem:s23+$0xFFFFFFD0];
	v15 =	vsub.f32 v15, v9;
	v16 =	vsub.f32 v16, v10;
	v12 =	vor.u32 s9, v0  }
0x101: {  	v29 =	vld [tilespmem:s22+$0xFFFFFFE0];
	v17 =	vsub.f32 v17, v7;
	v19 =	vsub.f32 v19, v10;
	v13 =	vor.u32 s11, v0  }
0x102: {  	v31 =	vld [tilespmem:s23+$0xFFFFFFC0];
	v18 =	vsub.f32 v18, v9;
	v2 =	vmul.f32 v2, v2;
	v1 =	vmul.f32 v1, v1  }
0x103: {  	v30 =	vld [tilespmem:s24+$0xFFFFFFE0];
	v20 =	vsub.f32 v20, v7;
	v3 =	vmul.f32 v3, v3;
	v5 =	vmul.f32 v5, v5  }
0x104: {  	v32 =	vld [tilespmem:s22+$0xFFFFFFD0];
	v25 =	vsub.f32 v25, v9;
	v21 =	vmul.f32 v21, v21;
	v24 =	vmul.f32 v24, v24  }
0x105: {  	v33 =	vld [tilespmem:s24+$0xFFFFFFD0];
	v28 =	vsub.f32 v28, v10;
	v26 =	vmul.f32 v26, v26;
	v35 =	vmul.f32 v27, v27  }
0x106: {  	v34 =	vld [tilespmem:s22+$0xFFFFFFC0];
	v29 =	vsub.f32 v29, v7;
	v36 =	vmul.f32 v14, v14;
	v37 =	vmul.f32 v15, v15  }
0x107: {  	v14 =	vsub.f32 v31, v10;
	v31 =	vmul.f32 v16, v16;
	v17 =	vmul.f32 v17, v17  }
0x108: {  	v30 =	vsub.f32 v30, v9;
	v38 =	vmul.f32 v19, v19;
	v55 =	vmul.f32 v18, v18  }
0x109: {  	v27 =	vld [tilespmem:s24+$0xFFFFFFC0];
	v15 =	vsub.f32 v32, v7;
	v39 =	vmul.f32 v20, v20;
	v40 =	vmul.f32 v25, v25  }
0x10a: {  	v16 =	vsub.f32 v33, v9;
	v56 =	vmul.f32 v28, v28;
	v25 =	vmul.f32 v29, v29  }
0x10b: {  	s17 =	sadd.s32 $0x90, s1;
	v19 =	vsub.f32 v34, v7;
	v30 =	vmul.f32 v30, v30;
	v57 =	vmul.f32 v14, v14  }
0x10c: {  	v18 =	vor.u32 s17, v0;
	v41 =	vmul.f32 v15, v15;
	v42 =	vmul.f32 v16, v16  }
0x10d: {  	v43 =	vmul.f32 v19, v19;
	v15 =	vxor.u32 v2, v6;
	v16 =	vxor.u32 v3, v6  }
0x10e: {  	v14 =	vxor.u32 v1, v6;
	v19 =	vxor.u32 v5, v6;
	v20 =	vsub.f32 v27, v9  }
0x10f: {  	v26 =	vxor.u32 v26, v6;
	v29 =	vxor.u32 v31, v6;
	v31 =	vxor.u32 v17, v6  }
0x110: {  	v28 =	vxor.u32 v37, v6;
	v32 =	vxor.u32 v55, v6;
	v44 =	vmul.f32 v20, v20  }
0x111: {  	v5 =	vxor.u32 v38, v6;
	v30 =	vxor.u32 v30, v6;
	v61 =	vxor.u32 v56, v6  }
0x112: {  	v3 =	vld [tilespmem:s21+$0xFFFFFFC0];
	v62 =	vxor.u32 v39, v6;
	v1 =	vxor.u32 v43, v6;
	v2 =	vxor.u32 v44, v6  }
0x113: {  	v60 =	vld [tilespmem:s21+$0xFFFFFFD0];
	v63 =	vxor.u32 v40, v6;
	v58 =	vxor.u32 v41, v6;
	v1 =	vadd.f32 v2, v1  }
0x114: {  	v33 =	vld [tilespmem:s21+$0xFFFFFFE0];
	v59 =	vxor.u32 v42, v6;
	v2 =	vxor.u32 v25, v6;
	v25 =	vxor.u32 v57, v6  }
0x115: {  	v17 =	vld [tilespmem:s21+$0x30];
	v34 =	vadd.f32 v59, v58;
	v20 =	vxor.u32 v21, v6;
	v1 =	vadd.f32 v25, v1  }
0x116: {  	v21 =	vxor.u32 v24, v6;
	v24 =	vxor.u32 v35, v6;
	v35 =	vld [tilespmem:s21+$0xFFFFFFF0];
	v2 =	vadd.f32 v30, v2  }
0x117: {  	v37 =	vadd.f32 v63, v62;
	v30 =	vld [tilespmem:s21+$0x10];
	v1 =	vmin.f32 v3, v1;
	v3 =	vadd.f32 v61, v34  }
0x118: {  	s4 =	sadd.s32 $0x80, s23;
	s0 =	smov.u32 s21;
	v27 =	vxor.u32 v36, v6;
	v25 =	vld [tilespmem:s21+$0x20];
	v36 =	vadd.f32 v5, v2;
	vm0 =	vgt.f32 v1, v22  }
0x119: {  	s2 =	simm.s32 $0x0;
	s5 =	smov.u32 s22;
	s9 =	smov.u32 s24;
	[tilespmem:s21+$0xFFFFFFC0] =	vst v1;
	v34 =	vsel vm0, v45, v23;
	v38 =	vsel vm0, v1, v22;
	v22 =	vmin.f32 v60, v3;
	v23 =	vld [tilespmem:s21+$0x0]  }
.LBB2_5:
0x11a: {  	v1 =	vld [tilespmem:s4+$0x30];
	[tilespmem:s0+$0xFFFFFFD0] =	vst v22;
	vm0 =	vgt.f32 v22, v38;
	v2 =	vadd.f32 v29, v37;
	v3 =	vadd.f32 v32, v31  }
0x11b: {  	s5 =	sadd.s32 $0x80, s5;
	v5 =	vld [tilespmem:s4+$0x20];
	v18 =	vsel vm0, v18, v34;
	v22 =	vsel vm0, v22, v38;
	v29 =	vmin.f32 v33, v36  }
0x11c: {  	s9 =	sadd.s32 $0x80, s9;
	v31 =	vld [tilespmem:s5+$0x30];
	[tilespmem:s0+$0xFFFFFFE0] =	vst v29;
	vm0 =	vgt.f32 v29, v22;
	v3 =	vadd.f32 v26, v3;
	v26 =	vadd.f32 v28, v27  }
0x11d: {  	v27 =	vld [tilespmem:s9+$0x30];
	v13 =	vsel vm0, v13, v18;
	v18 =	vsel vm0, v29, v22;
	v2 =	vmin.f32 v35, v2  }
0x11e: {  	v21 =	vadd.f32 v24, v21;
	v28 =	vld [tilespmem:s4+$0x10];
	[tilespmem:s0+$0xFFFFFFF0] =	vst v2;
	vm0 =	vgt.f32 v2, v18;
	v20 =	vadd.f32 v20, v26  }
0x11f: {  	v3 =	vmin.f32 v23, v3;
	v24 =	vld [tilespmem:s5+$0x20];
	v12 =	vsel vm0, v12, v13;
	v2 =	vsel vm0, v2, v18  }
0x120: {  	v16 =	vadd.f32 v19, v16;
	v15 =	vadd.f32 v15, v21;
	v13 =	vld [tilespmem:s9+$0x20];
	[tilespmem:s0+$0x0] =	vst v3;
	vm0 =	vgt.f32 v3, v2  }
0x121: {  	s11 =	sadd.s32 $0xD0, s1;
	v18 =	vld [tilespmem:s4+$0x0];
	v11 =	vsel vm0, v11, v12;
	v2 =	vsel vm0, v3, v2;
	v3 =	vmin.f32 v30, v20  }
0x122: {  	v19 =	vor.u32 s11, v0;
	v14 =	vadd.f32 v14, v16;
	v12 =	vld [tilespmem:s5+$0x10];
	[tilespmem:s0+$0x10] =	vst v3;
	vm0 =	vgt.f32 v3, v2  }
0x123: {  	s1 =	sadd.s32 $0xE0, s1;
	v16 =	vld [tilespmem:s9+$0x10];
	v11 =	vsel vm0, v19, v11;
	v2 =	vsel vm0, v3, v2;
	v3 =	vmin.f32 v25, v15  }
0x124: {  	v1 =	vsub.f32 v1, v10;
	v19 =	vor.u32 s1, v0;
	v15 =	vld [tilespmem:s4+$0xFFFFFFF0];
	[tilespmem:s0+$0x20] =	vst v3;
	vm0 =	vgt.f32 v3, v2  }
0x125: {  	v20 =	vld [tilespmem:s5+$0x0];
	v11 =	vsel vm0, v19, v11;
	v2 =	vsel vm0, v3, v2;
	v3 =	vmin.f32 v17, v14  }
0x126: {  	v5 =	vsub.f32 v5, v10;
	v17 =	vsub.f32 v31, v7;
	v14 =	vld [tilespmem:s9+$0x0];
	[tilespmem:s0+$0x30] =	vst v3;
	vm0 =	vgt.f32 v3, v2  }
0x127: {  	v21 =	vsub.f32 v27, v9;
	s1 =	sadd.s32 s2, s10;
	v19 =	vld [tilespmem:s4+$0xFFFFFFE0];
	v22 =	vsel vm0, v8, v11;
	v23 =	vsel vm0, v3, v2  }
0x128: {  	v24 =	vsub.f32 v24, v7;
	s11 =	sadd.s32 $0xF0, s1;
	v3 =	vsub.f32 v28, v10;
	v2 =	vld [tilespmem:s5+$0xFFFFFFF0]  }
0x129: {  	s17 =	sadd.s32 $0xC0, s1;
	v26 =	vsub.f32 v13, v9;
	v18 =	vsub.f32 v18, v10;
	v8 =	vor.u32 s11, v0;
	v25 =	vld [tilespmem:s9+$0xFFFFFFF0]  }
0x12a: {  	s11 =	sadd.s32 $0xB0, s1;
	v11 =	vor.u32 s17, v0;
	v28 =	vsub.f32 v12, v7;
	v16 =	vsub.f32 v16, v9;
	v27 =	vld [tilespmem:s4+$0xFFFFFFD0]  }
0x12b: {  	s17 =	sadd.s32 $0xA0, s1;
	v12 =	vor.u32 s11, v0;
	v15 =	vsub.f32 v15, v10;
	v20 =	vsub.f32 v20, v7;
	v29 =	vld [tilespmem:s5+$0xFFFFFFE0]  }
0x12c: {  	v13 =	vor.u32 s17, v0;
	v14 =	vsub.f32 v14, v9;
	v30 =	vld [tilespmem:s9+$0xFFFFFFE0];
	v19 =	vsub.f32 v19, v10  }
0x12d: {  	v1 =	vmul.f32 v1, v1;
	v5 =	vmul.f32 v5, v5;
	v31 =	vld [tilespmem:s4+$0xFFFFFFC0];
	v2 =	vsub.f32 v2, v7  }
0x12e: {  	v33 =	vmul.f32 v21, v21;
	v17 =	vmul.f32 v17, v17;
	v32 =	vld [tilespmem:s5+$0xFFFFFFD0];
	v25 =	vsub.f32 v25, v9  }
0x12f: {  	v24 =	vmul.f32 v24, v24;
	v3 =	vmul.f32 v3, v3;
	v21 =	vld [tilespmem:s9+$0xFFFFFFD0];
	v27 =	vsub.f32 v27, v10  }
0x130: {  	v36 =	vmul.f32 v26, v26;
	v35 =	vmul.f32 v18, v18;
	v34 =	vld [tilespmem:s5+$0xFFFFFFC0];
	v29 =	vsub.f32 v29, v7  }
0x131: {  	v28 =	vmul.f32 v28, v28;
	v18 =	vld [tilespmem:s9+$0xFFFFFFC0];
	v26 =	vsub.f32 v30, v9;
	v30 =	vmul.f32 v16, v16  }
0x132: {  	v37 =	vmul.f32 v20, v20;
	v16 =	vsub.f32 v31, v10;
	v31 =	vmul.f32 v15, v15  }
0x133: {  	v38 =	vmul.f32 v19, v19;
	v15 =	vsub.f32 v32, v7;
	v32 =	vmul.f32 v14, v14  }
0x134: {  	s2 =	sadd.s32 $0x80, s2;
	v2 =	vmul.f32 v2, v2;
	v39 =	vmul.f32 v25, v25;
	v14 =	vsub.f32 v21, v9  }
0x135: {  	p0 =	slt.u32 s2, $0x780;
	v25 =	vmul.f32 v29, v29;
	v19 =	vsub.f32 v34, v7;
	v34 =	vmul.f32 v27, v27  }
0x136: {  	s11 =	sadd.s32 $0x90, s1;
	v41 =	vmul.f32 v26, v26;
	v40 =	vmul.f32 v16, v16;
	v20 =	vsub.f32 v18, v9  }
0x137: {  	s17 =	sadd.s32 $0x80, s1;
	v42 =	vmul.f32 v15, v15;
	v43 =	vmul.f32 v14, v14;
	v18 =	vor.u32 s11, v0  }
0x138: {  	v46 =	vor.u32 s17, v0;
	v44 =	vmul.f32 v19, v19;
	v45 =	vmul.f32 v20, v20  }
0x139: {  	v16 =	vxor.u32 v17, v6;
	v15 =	vxor.u32 v5, v6;
	v14 =	vxor.u32 v1, v6  }
0x13a: {  	v21 =	vxor.u32 v24, v6;
	v19 =	vxor.u32 v33, v6;
	v20 =	vxor.u32 v3, v6  }
0x13b: {  	v26 =	vxor.u32 v35, v6;
	v24 =	vxor.u32 v36, v6;
	v27 =	vxor.u32 v28, v6  }
0x13c: {  	s0 =	sadd.s32 $0x80, s0;
	v29 =	vxor.u32 v31, v6;
	v31 =	vxor.u32 v37, v6;
	v28 =	vxor.u32 v30, v6  }
0x13d: {  	v32 =	vxor.u32 v32, v6;
	v1 =	vxor.u32 v44, v6;
	v3 =	vxor.u32 v45, v6;
	v5 =	vld [tilespmem:s0+$0xFFFFFFC0]  }
0x13e: {  	v35 =	vxor.u32 v38, v6;
	v1 =	vadd.f32 v3, v1;
	v3 =	vxor.u32 v25, v6;
	v17 =	vld [tilespmem:s0+$0x30]  }
0x13f: {  	v30 =	vxor.u32 v42, v6;
	v33 =	vxor.u32 v43, v6;
	v25 =	vxor.u32 v40, v6;
	v40 =	vld [tilespmem:s0+$0xFFFFFFD0]  }
.Ltmp1:
0x140: {  	v30 =	vadd.f32 v33, v30;
	v33 =	vxor.u32 v41, v6;
	v1 =	vadd.f32 v25, v1;
	v25 =	vld [tilespmem:s0+$0x20];
	(pc) =	sbr.rel @p0 .LBB2_5-.Ltmp1, $4  }
0x141: {  	v2 =	vxor.u32 v2, v6;
	v34 =	vxor.u32 v34, v6;
	v3 =	vadd.f32 v33, v3;
	v33 =	vld [tilespmem:s0+$0xFFFFFFE0]  }
0x142: {  	v1 =	vmin.f32 v5, v1;
	v5 =	vadd.f32 v34, v30;
	v34 =	vxor.u32 v39, v6;
	v30 =	vld [tilespmem:s0+$0x10]  }
0x143: {  	v36 =	vadd.f32 v35, v3;
	[tilespmem:s0+$0xFFFFFFC0] =	vst v1;
	vm0 =	vgt.f32 v1, v23;
	v37 =	vadd.f32 v34, v2;
	v35 =	vld [tilespmem:s0+$0xFFFFFFF0]  }
0x144: {  	s4 =	sadd.s32 $0x80, s4;
	v34 =	vsel vm0, v46, v22;
	v38 =	vsel vm0, v1, v23;
	v22 =	vmin.f32 v40, v5;
	v23 =	vld [tilespmem:s0+$0x0]  }
0x145: {  	vm0 =	vgt.f32 v22, v38;
	v1 =	vadd.f32 v32, v31  }
0x146: {  	v2 =	vadd.f32 v29, v37;
	v3 =	vsel vm0, v22, v38;
	v5 =	vmin.f32 v33, v36  }
0x147: {  	v7 =	vadd.f32 v28, v27;
	vm1 =	vgt.f32 v5, v3  }
0x148: {  	v1 =	vadd.f32 v26, v1;
	v3 =	vsel vm1, v5, v3;
	v2 =	vmin.f32 v35, v2  }
0x149: {  	v9 =	vadd.f32 v24, v21;
	vm3 =	vgt.f32 v2, v3  }
0x14a: {  	v7 =	vadd.f32 v20, v7;
	v1 =	vmin.f32 v23, v1;
	v3 =	vsel vm3, v2, v3  }
0x14b: {  	v10 =	vadd.f32 v19, v16;
	vm4 =	vgt.f32 v1, v3  }
0x14c: {  	v9 =	vadd.f32 v15, v9;
	v7 =	vmin.f32 v30, v7;
	v3 =	vsel vm4, v1, v3  }
0x14d: {  	vm5 =	vgt.f32 v7, v3  }
0x14e: {  	v10 =	vadd.f32 v14, v10;
	v9 =	vmin.f32 v25, v9;
	v3 =	vsel vm5, v7, v3  }
0x14f: {  	vm6 =	vgt.f32 v9, v3  }
0x150: {  	v10 =	vmin.f32 v17, v10;
	v3 =	vsel vm6, v9, v3  }
0x151: {  	vm7 =	vgt.f32 v10, v3  }
0x152: {  	v3 =	vsel vm7, v10, v3  }
0x153: {  	(xrf0) =	vmax.scan.msk.f32 $0xffff, v3;
	_ =	sdelay $0x1  }
0x154: {  	v59 =	vsel vm0, v18, v34  }
0x155: {  	v13 =	vsel vm1, v13, v59  }
0x156: {  	s2 =	sadd.s32 $0xD0, s1;
	v12 =	vsel vm3, v12, v13  }
0x157: {  	s17 =	sadd.s32 $0xE0, s1;
	v60 =	vor.u32 s2, v0;
	v11 =	vsel vm4, v11, v12  }
0x158: {  	v61 =	vor.u32 s17, v0;
	v11 =	vsel vm5, v60, v11;
	v62, _, _ =	vpop (xrf0)  }
0x159: {  	v11 =	vsel vm6, v61, v11;
	v63 =	vbroadcast v62, $0xF  }
0x15a: {  	v8 =	vsel vm7, v8, v11  }
0x15b: {  	vm0 =	veq.f32 v3, v63;
	v3 =	vxor.u32 $0x80000000, v8  }
0x15c: {  	v3 =	vnsel vm0, $0x80002000, v3  }
0x15d: {  	(xrf0) =	vmin.scan.msk.u32 $0xffff, v3;
	_ =	sdelay $0x5  }
0x15e: {  	v3, _, _ =	vpop (xrf0)  }
0x15f: {  	(v2sf) =	vpush v3, $0xF;
	_ =	sdelay $0x5  }
0x160: {  	[tilespmem:s0+$0xFFFFFFD0] =	vst v22  }
0x161: {  	[tilespmem:s0+$0xFFFFFFE0] =	vst v5  }
0x162: {  	[tilespmem:s0+$0xFFFFFFF0] =	vst v2  }
0x163: {  	[tilespmem:s0+$0x0] =	vst v1  }
0x164: {  	[tilespmem:s0+$0x10] =	vst v7  }
0x165: {  	[tilespmem:s0+$0x20] =	vst v9  }
0x166: {  	[tilespmem:s0+$0x30] =	vst v10  }
0x167: {  	v2 =	vld [tilespmem:$0x1FFF0];
	_ =	sdelay $0x1  }
0x168: {  	s20 =	spop (v2sf)  }
0x169: {  	s1 =	sxor.u32 $0x80000000, s20  }
0x16a: {  	s2 =	sshll.u32 s18, $0x8;
	vm0 =	vcmask $0x704;
	v1 =	vmov s1  }
0x16b: {  	s1 =	sand.u32 $0x100, s2;
	v1 =	vnsel vm0, $0x0, v1;
	vm0 =	vnez.u8 v2  }
0x16c: {  	s4 =	sadd.s32 s1, s19;
	v1 =	vsel vm0, v63, v1  }
0x16d: {  	s5 =	simm.s32 $0x1D740;
	s9 =	simm.s32 $0x1;
	s1 =	sadd.s32 s25, s4;
	[tilespmem:$0x1D740] =	vst v1  }
0x16e: {  	[spmem:s1] =	stream.linear.scatter [tilespmem:s5], [sflag:$0x1], $0x10, $0x38;
	[tilespmem:$0x1D7A0] =	vst v63  }
0x16f: {  	_ =	swait.ge [sflag:s9], $0x10  }
0x170: {  	v1 =	vand.u32 $0x3, v0;
	[sflag:s9] =	ssyncset.done $0x0  }
0x171: {  	v1 =	vmul.u32 $0x10, v1;
	[sflag:s9] =	ssyncadd.s32 $0xFFFFFFF0  }
0x172: {  	s11 =	simm.s32 $0x1D750;
	[bflag:$0x0] =	sbarrier.arrive $0xFFFF  }
0x173: {  	[tilespmem:s11], [sflag:$0x1] =	stream.linear.gather [spmem:s4], $0x40, $0x38;
	[tilespmem:$0x1D7A0] =	vst v63  }
0x174: {  	_ =	swait.ge [sflag:s9], $0x40  }
0x175: {  	[sflag:s9] =	ssyncset.done $0x0  }
0x176: {  	[sflag:s9] =	ssyncadd.s32 $0xFFFFFFC0  }
0x177: {  	v2 =	vld.idx.msk [tilespmem:v1+s11+$0x0], $0xffff;
	_ =	sdelay $0x4  }
0x178: {  	v2 =	vnsel vm2, $0x80000000, v2  }
0x179: {  	v3 =	vxor.u32 $0x80000000, v2  }
0x17a: {  	(xrf0) =	vmax.scan.msk.u32 $0xffff, v3;
	_ =	sdelay $0x5  }
0x17b: {  	v3, _, _ =	vpop (xrf0)  }
0x17c: {  	(v2sf) =	vpush v3, $0xF;
	_ =	sdelay $0x6  }
0x17d: {  	v1 =	vor.u32 $0x1, v1;
	_ =	sdelay $0x4  }
0x17e: {  	v1 =	vld.idx.msk [tilespmem:v1+s11+$0x0], $0xffff;
	_ =	sdelay $0x2  }
0x17f: {  	s17 =	spop (v2sf)  }
0x180: {  	s0 =	sxor.u32 $0x80000000, s17  }
0x181: {  	v1 =	vxor.u32 $0x80000000, v1;
	vm0 =	veq.s32 v2, s0  }
0x182: {  	v1 =	vnsel vm0, $0x80002000, v1  }
0x183: {  	(xrf0) =	vmin.scan.msk.u32 $0xffff, v1;
	_ =	sdelay $0x5  }
0x184: {  	v1, _, _ =	vpop (xrf0)  }
0x185: {  	(v2sf) =	vpush v1, $0xF;
	_ =	sdelay $0x9  }
0x186: {  	s18 =	sadd.s32 $0x1, s18  }
0x187: {  	p0 =	sne.s32 s18, $0x80  }
.Ltmp2:
0x188: {  	_ = 	snop;
	(pc) =	sbr.rel @p0 .LBB2_4-.Ltmp2, $3  }
0x189: {  	_ =	sdelay $0x1  }
0x18a: {  	s20 =	spop (v2sf)  }
0x18b: {  	s20 =	sxor.u32 $0x80000000, s20  }
0x18c: {  	v1 =	vld [tilespmem:$0x1FFD0];
	_ =	sdelay $0x6  }
0x18d: {  	s0 =	simm.s32 $0x18000  }
0x18e: {  	v1 =	vld.idx.msk [tilespmem:v1+s0+$0x0], $0xffff;
	_ =	sdelay $0x6  }
0x18f: {  	s18 =	simm.s32 $0x0  }
0x190: {  	v2 =	vld.idx.msk [tilespmem:v1+s18+$0x0], $0xffff;
	_ =	sdelay $0x4  }
0x191: {  	v3 =	vmul.f32 $4.097000000e+03, v2;
	_ =	sdelay $0x1  }
0x192: {  	v5 =	vld.idx.msk [tilespmem:v1+s28+$0x0], $0xffff;
	v3 =	vxor.u32 v3, v6  }
0x193: {  	v7 =	vsub.f32 v3, v2;
	_ =	sdelay $0x1  }
0x194: {  	v7 =	vxor.u32 v7, v6  }
0x195: {  	v3 =	vsub.f32 v3, v7  }
0x196: {  	v8 =	vmul.f32 v2, v2;
	v7 =	vmul.f32 v5, v5  }
0x197: {  	v3 =	vxor.u32 v3, v6  }
0x198: {  	v8 =	vxor.u32 v8, v6;
	v7 =	vxor.u32 v7, v6;
	v9 =	vsub.f32 v2, v3  }
0x199: {  	v10 =	vadd.f32 v7, v8  }
0x19a: {  	v9 =	vxor.u32 v9, v6  }
0x19b: {  	v11 =	vmul.f32 v3, v3;
	v10 =	vxor.u32 v10, v6;
	v3 =	vmul.f32 v9, v3  }
0x19c: {  	v12 =	vsub.f32 v10, v8  }
0x19d: {  	v11 =	vxor.u32 v11, v6;
	v3 =	vxor.u32 v3, v6  }
0x19e: {  	v13 =	vld.idx.msk [tilespmem:v1+s26+$0x0], $0xffff;
	v11 =	vsub.f32 v11, v8;
	v12 =	vxor.u32 v12, v6;
	v3 =	vadd.f32 v3, v3  }
0x19f: {  	v14 =	vsub.f32 v10, v12  }
0x1a0: {  	v11 =	vxor.u32 v11, v6;
	v3 =	vxor.u32 v3, v6  }
0x1a1: {  	v9 =	vmul.f32 v9, v9;
	v3 =	vadd.f32 v3, v11;
	v11 =	vxor.u32 v14, v6  }
0x1a2: {  	v7 =	vsub.f32 v7, v12;
	v8 =	vsub.f32 v8, v11  }
0x1a3: {  	v9 =	vxor.u32 v9, v6;
	v11 =	vmul.f32 $4.097000000e+03, v13  }
0x1a4: {  	v7 =	vxor.u32 v7, v6;
	v3 =	vxor.u32 v3, v6;
	v8 =	vxor.u32 v8, v6  }
0x1a5: {  	v3 =	vadd.f32 v3, v9;
	v7 =	vadd.f32 v8, v7;
	v8 =	vxor.u32 v11, v6  }
0x1a6: {  	v9 =	vsub.f32 v8, v13  }
0x1a7: {  	v3 =	vxor.u32 v3, v6;
	v7 =	vxor.u32 v7, v6  }
0x1a8: {  	v3 =	vadd.f32 v3, v7;
	v7 =	vxor.u32 v9, v6  }
0x1a9: {  	v7 =	vsub.f32 v8, v7  }
0x1aa: {  	v8 =	vmul.f32 v13, v13;
	v3 =	vxor.u32 v3, v6  }
0x1ab: {  	v3 =	vadd.f32 v3, v10;
	v7 =	vxor.u32 v7, v6  }
0x1ac: {  	v8 =	vxor.u32 v8, v6;
	v9 =	vsub.f32 v13, v7  }
0x1ad: {  	v10 =	vadd.f32 v8, v3  }
0x1ae: {  	v9 =	vxor.u32 v9, v6  }
0x1af: {  	v11 =	vmul.f32 v7, v7;
	v7 =	vmul.f32 v9, v7;
	v10 =	vxor.u32 v10, v6  }
0x1b0: {  	v12 =	vsub.f32 v10, v8  }
0x1b1: {  	v11 =	vxor.u32 v11, v6;
	v7 =	vxor.u32 v7, v6  }
0x1b2: {  	v11 =	vsub.f32 v11, v8;
	v7 =	vadd.f32 v7, v7;
	v12 =	vxor.u32 v12, v6  }
0x1b3: {  	v14 =	vsub.f32 v10, v12  }
0x1b4: {  	v11 =	vxor.u32 v11, v6;
	v7 =	vxor.u32 v7, v6  }
0x1b5: {  	v9 =	vmul.f32 v9, v9;
	v7 =	vadd.f32 v7, v11;
	v11 =	vxor.u32 v14, v6  }
0x1b6: {  	v3 =	vsub.f32 v3, v12;
	v8 =	vsub.f32 v8, v11  }
0x1b7: {  	v9 =	vxor.u32 v9, v6  }
0x1b8: {  	v3 =	vxor.u32 v3, v6;
	v7 =	vxor.u32 v7, v6;
	v8 =	vxor.u32 v8, v6  }
0x1b9: {  	v7 =	vadd.f32 v7, v9;
	v3 =	vadd.f32 v8, v3;
	_ =	sdelay $0x1  }
0x1ba: {  	v7 =	vxor.u32 v7, v6;
	v3 =	vxor.u32 v3, v6  }
0x1bb: {  	v3 =	vadd.f32 v3, v7;
	v7 =	vmul.u32 $0x8, v0;
	_ =	sdelay $0x1  }
0x1bc: {  	[tilespmem:$0x1D6A0] =	vst v2;
	v3 =	vxor.u32 v3, v6;
	v8 =	vor.u32 $0x1, v7  }
0x1bd: {  	[tilespmem:$0x1D6C0] =	vst v13;
	v9 =	vor.u32 $0x2, v7;
	v3 =	vadd.f32 v3, v10  }
0x1be: {  	[tilespmem:$0x1D6E0] =	vst v5  }
0x1bf: {  	s11 =	simm.s32 $0x1D4A0;
	[tilespmem:$0x1D700] =	vst v3  }
0x1c0: {  	[tilespmem:v7+s11+$0x0] =	vst.idx.msk $0xffff, v2  }
0x1c1: {  	[tilespmem:v8+s11+$0x0] =	vst.idx.msk $0xffff, v13  }
0x1c2: {  	[tilespmem:v9+s11+$0x0] =	vst.idx.msk $0xffff, v5  }
0x1c3: {  	v2 =	vld.idx.msk [tilespmem:v1+s29+$0x0], $0xffff;
	_ =	sdelay $0x3  }
0x1c4: {  	s17 =	simm.s32 $0x1D5A0  }
0x1c5: {  	[tilespmem:v7+s17+$0x0] =	vst.idx.msk $0xffff, v2  }
0x1c6: {  	v2 =	vld.idx.msk [tilespmem:v1+s30+$0x0], $0xffff;
	_ =	sdelay $0x4  }
0x1c7: {  	[tilespmem:v8+s17+$0x0] =	vst.idx.msk $0xffff, v2  }
0x1c8: {  	v1 =	vld.idx.msk [tilespmem:v1+s31+$0x0], $0xffff;
	_ =	sdelay $0x4  }
0x1c9: {  	[tilespmem:v9+s17+$0x0] =	vst.idx.msk $0xffff, v1;
	v1 =	vld [tilespmem:$0x1FFE0];
	_ =	sdelay $0x7  }
0x1ca: {  	v1 =	vld.idx.msk [tilespmem:v1+s0+$0x0], $0xffff;
	_ =	sdelay $0x7  }
0x1cb: {  	v2 =	vld.idx.msk [tilespmem:v1+s18+$0x0], $0xffff;
	_ =	sdelay $0x4  }
0x1cc: {  	v3 =	vmul.f32 $4.097000000e+03, v2;
	_ =	sdelay $0x1  }
0x1cd: {  	v5 =	vld.idx.msk [tilespmem:v1+s28+$0x0], $0xffff;
	v3 =	vxor.u32 v3, v6  }
0x1ce: {  	v10 =	vsub.f32 v3, v2;
	_ =	sdelay $0x1  }
0x1cf: {  	v10 =	vxor.u32 v10, v6  }
0x1d0: {  	v3 =	vsub.f32 v3, v10  }
0x1d1: {  	v11 =	vmul.f32 v2, v2;
	v10 =	vmul.f32 v5, v5  }
0x1d2: {  	v3 =	vxor.u32 v3, v6  }
0x1d3: {  	v11 =	vxor.u32 v11, v6;
	v10 =	vxor.u32 v10, v6;
	v12 =	vsub.f32 v2, v3  }
0x1d4: {  	v13 =	vadd.f32 v10, v11  }
0x1d5: {  	v12 =	vxor.u32 v12, v6  }
0x1d6: {  	v14 =	vmul.f32 v3, v3;
	v13 =	vxor.u32 v13, v6;
	v3 =	vmul.f32 v12, v3  }
0x1d7: {  	v15 =	vsub.f32 v13, v11  }
0x1d8: {  	v14 =	vxor.u32 v14, v6;
	v3 =	vxor.u32 v3, v6  }
0x1d9: {  	v16 =	vld.idx.msk [tilespmem:v1+s26+$0x0], $0xffff;
	v14 =	vsub.f32 v14, v11;
	v15 =	vxor.u32 v15, v6;
	v3 =	vadd.f32 v3, v3  }
0x1da: {  	v17 =	vsub.f32 v13, v15  }
0x1db: {  	v14 =	vxor.u32 v14, v6;
	v3 =	vxor.u32 v3, v6  }
0x1dc: {  	v12 =	vmul.f32 v12, v12;
	v3 =	vadd.f32 v3, v14;
	v14 =	vxor.u32 v17, v6  }
0x1dd: {  	v10 =	vsub.f32 v10, v15;
	v11 =	vsub.f32 v11, v14  }
0x1de: {  	v12 =	vxor.u32 v12, v6;
	v14 =	vmul.f32 $4.097000000e+03, v16  }
0x1df: {  	v10 =	vxor.u32 v10, v6;
	v3 =	vxor.u32 v3, v6;
	v11 =	vxor.u32 v11, v6  }
0x1e0: {  	v3 =	vadd.f32 v3, v12;
	v10 =	vadd.f32 v11, v10;
	v11 =	vxor.u32 v14, v6  }
0x1e1: {  	v12 =	vsub.f32 v11, v16  }
0x1e2: {  	v3 =	vxor.u32 v3, v6;
	v10 =	vxor.u32 v10, v6  }
0x1e3: {  	v3 =	vadd.f32 v3, v10;
	v10 =	vxor.u32 v12, v6  }
0x1e4: {  	v10 =	vsub.f32 v11, v10  }
0x1e5: {  	v11 =	vmul.f32 v16, v16;
	v3 =	vxor.u32 v3, v6  }
0x1e6: {  	v3 =	vadd.f32 v3, v13;
	v10 =	vxor.u32 v10, v6  }
0x1e7: {  	v11 =	vxor.u32 v11, v6;
	v12 =	vsub.f32 v16, v10  }
0x1e8: {  	v13 =	vadd.f32 v11, v3  }
0x1e9: {  	v12 =	vxor.u32 v12, v6  }
0x1ea: {  	v14 =	vmul.f32 v10, v10;
	v10 =	vmul.f32 v12, v10;
	v13 =	vxor.u32 v13, v6  }
0x1eb: {  	v15 =	vsub.f32 v13, v11  }
0x1ec: {  	v14 =	vxor.u32 v14, v6;
	v10 =	vxor.u32 v10, v6  }
0x1ed: {  	v14 =	vsub.f32 v14, v11;
	v10 =	vadd.f32 v10, v10;
	v15 =	vxor.u32 v15, v6  }
0x1ee: {  	v63 =	vsub.f32 v13, v15  }
0x1ef: {  	v14 =	vxor.u32 v14, v6;
	v10 =	vxor.u32 v10, v6  }
0x1f0: {  	v12 =	vmul.f32 v12, v12;
	v10 =	vadd.f32 v10, v14;
	v14 =	vxor.u32 v63, v6  }
0x1f1: {  	v3 =	vsub.f32 v3, v15;
	v11 =	vsub.f32 v11, v14  }
0x1f2: {  	v12 =	vxor.u32 v12, v6  }
0x1f3: {  	v3 =	vxor.u32 v3, v6;
	v10 =	vxor.u32 v10, v6;
	v11 =	vxor.u32 v11, v6  }
0x1f4: {  	v10 =	vadd.f32 v10, v12;
	v3 =	vadd.f32 v11, v3;
	_ =	sdelay $0x1  }
0x1f5: {  	v10 =	vxor.u32 v10, v6;
	v3 =	vxor.u32 v3, v6  }
0x1f6: {  	v3 =	vadd.f32 v3, v10  }
0x1f7: {  	v10 =	vor.u32 $0x80, v7  }
0x1f8: {  	[tilespmem:$0x1D6B0] =	vst v2;
	v11 =	vor.u32 $0x81, v7;
	v3 =	vxor.u32 v3, v6  }
0x1f9: {  	[tilespmem:$0x1D6D0] =	vst v16;
	v12 =	vor.u32 $0x82, v7;
	v3 =	vadd.f32 v3, v13  }
0x1fa: {  	[tilespmem:$0x1D6F0] =	vst v5  }
0x1fb: {  	[tilespmem:$0x1D710] =	vst v3  }
0x1fc: {  	[tilespmem:v10+s11+$0x0] =	vst.idx.msk $0xffff, v2  }
0x1fd: {  	[tilespmem:v11+s11+$0x0] =	vst.idx.msk $0xffff, v16  }
0x1fe: {  	[tilespmem:v12+s11+$0x0] =	vst.idx.msk $0xffff, v5  }
0x1ff: {  	v2 =	vld.idx.msk [tilespmem:v1+s29+$0x0], $0xffff;
	_ =	sdelay $0x4  }
0x200: {  	[tilespmem:v10+s17+$0x0] =	vst.idx.msk $0xffff, v2  }
0x201: {  	v2 =	vld.idx.msk [tilespmem:v1+s30+$0x0], $0xffff;
	_ =	sdelay $0x4  }
0x202: {  	[tilespmem:v11+s17+$0x0] =	vst.idx.msk $0xffff, v2  }
0x203: {  	v1 =	vld.idx.msk [tilespmem:v1+s31+$0x0], $0xffff  }
.Ltmp3:
0x204: {  	_ = 	snop;
	(pc) =	sbr.rel .LBB2_8-.Ltmp3, $2  }
0x205: {  	_ =	sdelay $0x2  }
0x206: {  	s20 =	simm.s32 $0x1D700;
	v46 =	vimm.f32 $+Inf;
	[tilespmem:v12+s17+$0x0] =	vst.idx.msk $0xffff, v1  }
.LBB2_18:
0x207: {  	s18 =	sadd.s32 $0x1, s18  }
0x208: {  	p0 =	sne.s32 s18, $0x20  }
.Ltmp4:
0x209: {  	_ = 	snop;
	(pc) =	sbr.rel @!p0 .LBB2_19-.Ltmp4, $1  }
0x20a: {  	_ =	sdelay $0x3  }
.LBB2_8:
0x20b: {  	v13 =	vmov s18;
	_ =	sdelay $0x4  }
0x20c: {  	v1 =	vld.idx.msk [tilespmem:v13+s6+$0x0], $0xffff  }
0x20d: {  	v2 =	vld.idx.msk [tilespmem:v13+s7+$0x0], $0xffff  }
0x20e: {  	v3 =	vld.idx.msk [tilespmem:v13+s8+$0x0], $0xffff;
	_ =	sdelay $0x3  }
0x20f: {  	v18 =	vimm.f32 $+Inf;
	v5 =	vshrl.u32 v1, $0x10  }
0x210: {  	v14 =	vshrl.u32 v2, $0x10;
	v15 =	vshrl.u32 v3, $0x10;
	v5 =	vand.u32 $0x1, v5  }
0x211: {  	v14 =	vand.u32 $0x1, v14;
	v1 =	vadd.s32 v5, v1;
	v5 =	vand.u32 $0x1, v15  }
0x212: {  	v2 =	vadd.s32 v14, v2;
	v1 =	vadd.s32 $0x7FFF, v1;
	v3 =	vadd.s32 v5, v3  }
0x213: {  	s0 =	simm.s32 $0xFFFFFF80;
	s1 =	simm.s32 $0xC040;
	s2 =	simm.s32 $0xE040;
	v2 =	vadd.s32 $0x7FFF, v2;
	v14 =	vand.u32 $0xFFFF0000, v1;
	v1 =	vadd.s32 $0x7FFF, v3  }
0x214: {  	s4 =	simm.s32 $0x10040;
	s5 =	simm.s32 $0x12040;
	s9 =	simm.s32 $0x16040;
	v19 =	vimm.f32 $+Inf;
	v17 =	vld.idx.msk [tilespmem:v13+s20+$0x0], $0xffff;
	v15 =	vand.u32 $0xFFFF0000, v2;
	v16 =	vand.u32 $0xFFFF0000, v1  }
.LBB2_9:
0x215: {  	v1 =	vld [tilespmem:s1+$0xFFFFFFC0]  }
0x216: {  	v2 =	vld [tilespmem:s2+$0xFFFFFFC0];
	_ =	sdelay $0x2  }
0x217: {  	v3 =	vld [tilespmem:s4+$0xFFFFFFC0];
	_ =	sdelay $0x1  }
0x218: {  	v1 =	vmul.f32 v14, v1;
	v2 =	vmul.f32 v15, v2  }
0x219: {  	v20 =	vld [tilespmem:s1+$0xFFFFFFD0]  }
0x21a: {  	v22 =	vld [tilespmem:s2+$0xFFFFFFD0];
	v5 =	vadd.f32 v2, v1  }
0x21b: {  	v3 =	vmul.f32 v16, v3  }
0x21c: {  	v25 =	vld [tilespmem:s4+$0xFFFFFFD0];
	v5 =	vxor.u32 v5, v6  }
0x21d: {  	v62 =	vld [tilespmem:s1+$0xFFFFFFE0];
	v21 =	vadd.f32 v5, v3  }
0x21e: {  	v29 =	vld [tilespmem:s5+$0xFFFFFFC0];
	v20 =	vmul.f32 v14, v20  }
0x21f: {  	v41 =	vld [tilespmem:s4+$0xFFFFFFF0];
	v22 =	vmul.f32 v15, v22;
	v23 =	vsub.f32 v5, v1;
	v21 =	vxor.u32 v21, v6  }
0x220: {  	v24 =	vsub.f32 v21, v5  }
0x221: {  	v31 =	vld [tilespmem:s2+$0x0];
	v25 =	vmul.f32 v16, v25;
	v58 =	vadd.f32 v22, v20;
	v23 =	vxor.u32 v23, v6  }
0x222: {  	v34 =	vmul.f32 v14, v62;
	v26 =	vsub.f32 v5, v23;
	v24 =	vxor.u32 v24, v6  }
0x223: {  	v35 =	vadd.f32 v29, v17;
	v60 =	vxor.u32 v58, v6;
	v27 =	vsub.f32 v21, v24  }
0x224: {  	v38 =	vld [tilespmem:s1+$0xFFFFFFF0];
	v44 =	vmul.f32 v16, v41;
	v61 =	vadd.f32 v60, v25;
	v26 =	vxor.u32 v26, v6  }
0x225: {  	v2 =	vsub.f32 v2, v23;
	v1 =	vsub.f32 v1, v26;
	v59 =	vxor.u32 v27, v6  }
0x226: {  	v56 =	vmul.f32 v15, v31;
	v3 =	vsub.f32 v3, v24;
	v5 =	vsub.f32 v5, v59  }
0x227: {  	v33 =	vld [tilespmem:s4+$0xFFFFFFE0];
	v2 =	vxor.u32 v2, v6;
	v26 =	vsub.f32 v60, v20;
	v1 =	vxor.u32 v1, v6  }
0x228: {  	v63 =	vld [tilespmem:s2+$0xFFFFFFE0];
	v3 =	vxor.u32 v3, v6;
	v1 =	vadd.f32 v1, v2;
	v5 =	vxor.u32 v5, v6  }
0x229: {  	v36 =	vld [tilespmem:s5+$0xFFFFFFD0];
	v27 =	vmul.f32 v14, v38;
	v2 =	vadd.f32 v5, v3;
	v3 =	vxor.u32 v61, v6  }
0x22a: {  	v52 =	vld [tilespmem:s1+$0x0];
	v1 =	vxor.u32 v1, v6;
	v5 =	vxor.u32 v26, v6;
	v24 =	vsub.f32 v3, v60  }
0x22b: {  	v39 =	vld [tilespmem:s2+$0xFFFFFFF0];
	v26 =	vsub.f32 v60, v5;
	v5 =	vsub.f32 v22, v5;
	v2 =	vxor.u32 v2, v6  }
0x22c: {  	v22 =	vmul.f32 v16, v33;
	v1 =	vadd.f32 v2, v1;
	v2 =	vxor.u32 v24, v6  }
0x22d: {  	v26 =	vxor.u32 v26, v6;
	v5 =	vxor.u32 v5, v6;
	v28 =	vsub.f32 v3, v2  }
0x22e: {  	v24 =	vmul.f32 v15, v63;
	v20 =	vsub.f32 v20, v26;
	v2 =	vsub.f32 v25, v2  }
0x22f: {  	v25 =	vadd.f32 v36, v17;
	v26 =	vmul.f32 v14, v52;
	v1 =	vxor.u32 v1, v6  }
0x230: {  	v1 =	vadd.f32 v1, v21;
	v32 =	vxor.u32 v28, v6;
	v28 =	vmul.f32 v15, v39  }
0x231: {  	v20 =	vxor.u32 v20, v6;
	v58 =	vadd.f32 v56, v26;
	v21 =	vsub.f32 v60, v32  }
0x232: {  	v2 =	vxor.u32 v2, v6;
	v5 =	vadd.f32 v20, v5;
	v42 =	vadd.f32 v28, v27  }
0x233: {  	v55 =	vld [tilespmem:s4+$0x0];
	v1 =	vadd.f32 v1, v1;
	v61 =	vxor.u32 v58, v6;
	v20 =	vxor.u32 v21, v6  }
0x234: {  	v2 =	vadd.f32 v20, v2;
	v20 =	vadd.f32 v24, v34;
	v49 =	vxor.u32 v42, v6  }
0x235: {  	v5 =	vxor.u32 v5, v6;
	v62 =	vsub.f32 v61, v26;
	v50 =	vadd.f32 v49, v44  }
0x236: {  	v2 =	vxor.u32 v2, v6;
	v37 =	vxor.u32 v20, v6;
	v20 =	vsub.f32 v35, v1  }
0x237: {  	v2 =	vadd.f32 v2, v5;
	v5 =	vadd.f32 v37, v22  }
0x238: {  	v59 =	vmul.f32 v16, v55;
	v51 =	vsub.f32 v49, v27;
	v40 =	vsub.f32 v37, v34  }
0x239: {  	v20 =	vmax.f32 v20, $0.0e+00;
	v1 =	vxor.u32 v2, v6;
	v2 =	vxor.u32 v5, v6  }
0x23a: {  	vm0 =	vlt.f32 v20, v19;
	v1 =	vadd.f32 v1, v3;
	v3 =	vxor.u32 v40, v6  }
0x23b: {  	v18 =	vmin.f32 v18, v20;
	v5 =	vsub.f32 v2, v37;
	v29 =	vsub.f32 v37, v3  }
0x23c: {  	v53 =	vxor.u32 v51, v6;
	v18 =	vsel vm0, v19, v18;
	v3 =	vsub.f32 v24, v3  }
0x23d: {  	v63 =	vld [tilespmem:s1+$0x10];
	v5 =	vxor.u32 v5, v6;
	v1 =	vadd.f32 v1, v1;
	v29 =	vxor.u32 v29, v6  }
0x23e: {  	v30 =	vsub.f32 v2, v5;
	v5 =	vsub.f32 v22, v5;
	v22 =	vxor.u32 v50, v6  }
0x23f: {  	v60 =	vld [tilespmem:s5+$0xFFFFFFE0];
	v19 =	vmin.f32 v19, v20;
	v23 =	vsub.f32 v34, v29;
	v29 =	vsub.f32 v22, v49  }
0x240: {  	v3 =	vxor.u32 v3, v6;
	v21 =	vsub.f32 v25, v1;
	v1 =	vsub.f32 v49, v53  }
0x241: {  	v32 =	vld [tilespmem:s4+$0x10];
	v25 =	vadd.f32 v61, v59;
	v43 =	vxor.u32 v30, v6;
	v5 =	vxor.u32 v5, v6  }
0x242: {  	v30 =	vmul.f32 v14, v63;
	v45 =	vxor.u32 v23, v6;
	v48 =	vsub.f32 v37, v43  }
0x243: {  	v54 =	vxor.u32 v29, v6;
	v1 =	vxor.u32 v1, v6;
	v36 =	vxor.u32 v25, v6  }
0x244: {  	v51 =	vld [tilespmem:s1+$0x20];
	v29 =	vadd.f32 v60, v17;
	v3 =	vadd.f32 v45, v3;
	v23 =	vxor.u32 v48, v6  }
0x245: {  	v21 =	vmax.f32 v21, $0.0e+00;
	v1 =	vsub.f32 v27, v1;
	v5 =	vadd.f32 v23, v5  }
0x246: {  	v34 =	vld [tilespmem:s2+$0x20];
	v57 =	vsub.f32 v44, v54;
	v38 =	vsub.f32 v36, v61;
	v44 =	vmul.f32 v16, v32  }
0x247: {  	vm0 =	vlt.f32 v21, v19;
	v3 =	vxor.u32 v3, v6;
	v5 =	vxor.u32 v5, v6  }
0x248: {  	v18 =	vmin.f32 v18, v21;
	v3 =	vadd.f32 v5, v3;
	v5 =	vsub.f32 v22, v54  }
0x249: {  	v32 =	vmul.f32 v14, v51;
	v18 =	vsel vm0, v19, v18;
	v23 =	vsub.f32 v28, v53  }
0x24a: {  	v1 =	vxor.u32 v1, v6;
	v24 =	vxor.u32 v57, v6;
	v5 =	vxor.u32 v5, v6  }
0x24b: {  	v31 =	vxor.u32 v38, v6;
	v58 =	vmul.f32 v15, v34;
	v5 =	vsub.f32 v49, v5  }
0x24c: {  	v33 =	vsub.f32 v36, v31;
	v43 =	vsub.f32 v59, v31;
	v3 =	vxor.u32 v3, v6  }
0x24d: {  	v23 =	vxor.u32 v23, v6;
	v2 =	vadd.f32 v3, v2;
	v5 =	vxor.u32 v5, v6  }
0x24e: {  	v63 =	vld [tilespmem:s2+$0x30];
	v19 =	vmin.f32 v19, v21;
	v1 =	vadd.f32 v1, v23;
	v5 =	vadd.f32 v5, v24  }
0x24f: {  	v60 =	vadd.f32 v58, v32;
	v41 =	vxor.u32 v33, v6;
	v2 =	vadd.f32 v2, v2  }
0x250: {  	v23 =	vsub.f32 v61, v41;
	v1 =	vxor.u32 v1, v6;
	v3 =	vxor.u32 v5, v6;
	v5 =	vld [tilespmem:s2+$0x10]  }
0x251: {  	v2 =	vsub.f32 v29, v2;
	v1 =	vadd.f32 v3, v1;
	v3 =	vxor.u32 v62, v6  }
0x252: {  	v28 =	vxor.u32 v60, v6;
	v23 =	vxor.u32 v23, v6;
	v37 =	vsub.f32 v61, v3  }
0x253: {  	v40 =	vld [tilespmem:s5+$0xFFFFFFF0];
	v29 =	vmul.f32 v15, v63;
	v2 =	vmax.f32 v2, $0.0e+00;
	v3 =	vsub.f32 v56, v3  }
0x254: {  	vm0 =	vlt.f32 v2, v19;
	v18 =	vmin.f32 v18, v2;
	v25 =	vxor.u32 v37, v6  }
0x255: {  	v1 =	vxor.u32 v1, v6;
	v5 =	vmul.f32 v15, v5;
	v39 =	vsub.f32 v26, v25  }
0x256: {  	v49 =	vld [tilespmem:s5+$0x0];
	v1 =	vadd.f32 v1, v22;
	v3 =	vxor.u32 v3, v6;
	v26 =	vxor.u32 v43, v6  }
0x257: {  	v48 =	vadd.f32 v23, v26;
	v42 =	vadd.f32 v5, v30;
	v22 =	vxor.u32 v39, v6  }
0x258: {  	v18 =	vsel vm0, v19, v18;
	v25 =	vadd.f32 v40, v17;
	v3 =	vadd.f32 v22, v3  }
0x259: {  	v1 =	vadd.f32 v1, v1;
	v22 =	vxor.u32 v48, v6;
	v27 =	vxor.u32 v42, v6  }
0x25a: {  	v42 =	vld [tilespmem:s4+$0x30];
	v45 =	vadd.f32 v27, v44;
	v50 =	vsub.f32 v27, v30;
	v3 =	vxor.u32 v3, v6  }
0x25b: {  	v57 =	vld [tilespmem:s4+$0x20];
	v19 =	vmin.f32 v19, v2;
	v23 =	vadd.f32 v49, v17;
	v3 =	vadd.f32 v22, v3  }
0x25c: {  	v1 =	vsub.f32 v25, v1;
	v31 =	vxor.u32 v45, v6;
	v53 =	vxor.u32 v50, v6  }
0x25d: {  	v52 =	vsub.f32 v31, v27;
	v26 =	vsub.f32 v27, v53;
	v3 =	vxor.u32 v3, v6  }
0x25e: {  	v1 =	vmax.f32 v1, $0.0e+00;
	v5 =	vsub.f32 v5, v53;
	v3 =	vadd.f32 v3, v36  }
0x25f: {  	v36 =	vsub.f32 v28, v32;
	v50 =	vmul.f32 v16, v42;
	v54 =	vxor.u32 v52, v6  }
0x260: {  	v62 =	vld [tilespmem:s1+$0x30];
	v56 =	vxor.u32 v26, v6;
	v26 =	vmul.f32 v16, v57;
	v55 =	vsub.f32 v31, v54  }
0x261: {  	v5 =	vxor.u32 v5, v6;
	v24 =	vsub.f32 v30, v56;
	v3 =	vadd.f32 v3, v3  }
0x262: {  	v59 =	vsub.f32 v44, v54;
	v37 =	vadd.f32 v28, v26;
	v25 =	vxor.u32 v55, v6  }
0x263: {  	v24 =	vxor.u32 v24, v6;
	v3 =	vsub.f32 v23, v3;
	v25 =	vsub.f32 v27, v25  }
0x264: {  	v27 =	vxor.u32 v59, v6;
	v5 =	vadd.f32 v24, v5;
	v24 =	vxor.u32 v37, v6  }
0x265: {  	v39 =	vsub.f32 v24, v28;
	v61 =	vxor.u32 v25, v6;
	v25 =	vmul.f32 v14, v62  }
0x266: {  	v5 =	vxor.u32 v5, v6;
	v22 =	vadd.f32 v61, v27;
	v27 =	vxor.u32 v36, v6  }
0x267: {  	v41 =	vxor.u32 v39, v6;
	v38 =	vsub.f32 v28, v27;
	v43 =	vadd.f32 v29, v25  }
0x268: {  	v44 =	vsub.f32 v24, v41;
	v27 =	vsub.f32 v58, v27;
	v22 =	vxor.u32 v22, v6  }
0x269: {  	v23 =	vsub.f32 v26, v41;
	v5 =	vadd.f32 v22, v5;
	v45 =	vxor.u32 v43, v6  }
0x26a: {  	v40 =	vxor.u32 v38, v6;
	v48 =	vxor.u32 v44, v6;
	v53 =	vadd.f32 v45, v50  }
0x26b: {  	v27 =	vxor.u32 v27, v6;
	v22 =	vsub.f32 v32, v40;
	v49 =	vsub.f32 v45, v25  }
0x26c: {  	v23 =	vxor.u32 v23, v6;
	v28 =	vsub.f32 v28, v48;
	v54 =	vxor.u32 v53, v6  }
0x26d: {  	v22 =	vxor.u32 v22, v6;
	v51 =	vxor.u32 v49, v6;
	v56 =	vsub.f32 v54, v45  }
0x26e: {  	v28 =	vxor.u32 v28, v6;
	v22 =	vadd.f32 v22, v27;
	v52 =	vsub.f32 v45, v51  }
0x26f: {  	v23 =	vadd.f32 v28, v23;
	v55 =	vsub.f32 v29, v51;
	v29 =	vxor.u32 v56, v6  }
0x270: {  	vm0 =	vlt.f32 v1, v19;
	v57 =	vsub.f32 v54, v29  }
0x271: {  	v27 =	vxor.u32 v52, v6;
	v23 =	vxor.u32 v23, v6;
	v22 =	vxor.u32 v22, v6  }
0x272: {  	v58 =	vld [tilespmem:s5+$0x10];
	v25 =	vsub.f32 v25, v27;
	v22 =	vadd.f32 v23, v22;
	v23 =	vxor.u32 v57, v6  }
0x273: {  	v5 =	vxor.u32 v5, v6;
	v26 =	vsub.f32 v50, v29;
	v23 =	vsub.f32 v45, v23  }
0x274: {  	v18 =	vmin.f32 v18, v1;
	v5 =	vadd.f32 v5, v31;
	v28 =	vxor.u32 v55, v6  }
0x275: {  	v25 =	vxor.u32 v25, v6;
	v26 =	vxor.u32 v26, v6;
	v23 =	vxor.u32 v23, v6  }
0x276: {  	v18 =	vsel vm0, v19, v18;
	v59 =	vld [tilespmem:s5+$0x20];
	v25 =	vadd.f32 v25, v28;
	v23 =	vadd.f32 v23, v26  }
0x277: {  	v19 =	vmin.f32 v19, v1;
	v3 =	vmax.f32 v3, $0.0e+00;
	v60 =	vadd.f32 v58, v17  }
0x278: {  	v61 =	vld [tilespmem:s5+$0x30];
	v5 =	vadd.f32 v5, v5;
	v25 =	vxor.u32 v25, v6;
	v23 =	vxor.u32 v23, v6  }
0x279: {  	vm0 =	vlt.f32 v3, v19;
	v22 =	vxor.u32 v22, v6;
	v23 =	vadd.f32 v23, v25  }
0x27a: {  	v18 =	vmin.f32 v18, v3;
	v5 =	vsub.f32 v60, v5;
	v22 =	vadd.f32 v22, v24  }
0x27b: {  	v18 =	vsel vm0, v19, v18;
	v62 =	vadd.f32 v59, v17;
	v23 =	vxor.u32 v23, v6  }
0x27c: {  	[tilespmem:s9+$0xFFFFFFC0] =	vst v20;
	v5 =	vmax.f32 v5, $0.0e+00;
	v22 =	vadd.f32 v22, v22;
	v20 =	vadd.f32 v23, v54  }
0x27d: {  	[tilespmem:s9+$0xFFFFFFE0] =	vst v2;
	v63 =	vmin.f32 v19, v3;
	v2 =	vmin.f32 v18, v5;
	v18 =	vadd.f32 v61, v17  }
0x27e: {  	s0 =	sadd.s32 $0x80, s0;
	vm0 =	vlt.f32 v5, v63;
	v19 =	vsub.f32 v62, v22;
	v20 =	vadd.f32 v20, v20  }
0x27f: {  	p0 =	slt.u32 s0, $0x1F80;
	[tilespmem:s9+$0xFFFFFFF0] =	vst v1;
	v1 =	vsel vm0, v63, v2  }
.Ltmp5:
0x280: {  	[tilespmem:s9+$0x0] =	vst v3;
	v2 =	vmin.f32 v63, v5;
	v3 =	vmax.f32 v19, $0.0e+00;
	v18 =	vsub.f32 v18, v20;
	(pc) =	sbr.rel @p0 .LBB2_9-.Ltmp5, $4  }
0x281: {  	[tilespmem:s9+$0xFFFFFFD0] =	vst v21;
	vm0 =	vlt.f32 v3, v2;
	v1 =	vmin.f32 v1, v3  }
0x282: {  	[tilespmem:s9+$0x20] =	vst v3;
	v1 =	vsel vm0, v2, v1;
	v2 =	vmin.f32 v2, v3;
	v3 =	vmax.f32 v18, $0.0e+00  }
0x283: {  	s2 =	sadd.s32 $0x80, s2;
	s1 =	sadd.s32 $0x80, s1;
	[tilespmem:s9+$0x10] =	vst v5;
	vm0 =	vlt.f32 v3, v2;
	v1 =	vmin.f32 v1, v3  }
0x284: {  	s4 =	sadd.s32 $0x80, s4;
	s5 =	sadd.s32 $0x80, s5;
	[tilespmem:s9+$0x30] =	vst v3;
	v19 =	vmin.f32 v2, v3;
	s9 =	sadd.s32 $0x80, s9;
	v18 =	vsel vm0, v2, v1  }
0x285: {  	(xrf0) =	vmax.scan.msk.f32 $0xffff, v18;
	_ =	sdelay $0x1  }
0x286: {  	s0 =	simm.s32 $0x16040  }
0x287: {  	v1 =	vld [tilespmem:s0+$0xFFFFFFC0]  }
0x288: {  	v2 =	vld [tilespmem:s0+$0xFFFFFFD0]  }
0x289: {  	v5 =	vld [tilespmem:s0+$0xFFFFFFE0]  }
0x28a: {  	v24 =	vld [tilespmem:s0+$0x0];
	v3, _, _ =	vpop (xrf0)  }
0x28b: {  	v14 =	vbroadcast v3, $0xF;
	v3 =	vld [tilespmem:s0+$0xFFFFFFF0];
	_ =	sdelay $0x1  }
0x28c: {  	v16 =	vimm.s32 $0x0;
	v17 =	vld [tilespmem:s0+$0x10];
	vm4 =	vle.f32 v1, v14  }
0x28d: {  	v15 =	vld [tilespmem:s0+$0x20];
	vm3 =	vle.f32 v2, v14;
	vm0 =	vle.f32 v5, v14;
	v19 =	vmpcnt.ones.xlane vm4  }
0x28e: {  	vm6 =	vle.f32 v24, v14;
	v18 =	vsel vm4, $0x1, v4;
	v21 =	vmpcnt.ones.xlane vm3  }
0x28f: {  	(xrf0) =	vadd.scan.msk.s32 $0xffff, v18;
	v18 =	vadd.s32 v16, v19;
	v19 =	vmpcnt.ones.xlane vm0;
	vm5 =	vle.f32 v3, v14  }
0x290: {  	v25 =	vld [tilespmem:s0+$0x30];
	v20 =	vsel vm3, $0x1, v4;
	v21 =	vadd.s32 v18, v21;
	v22 =	vmpcnt.ones.xlane vm5  }
0x291: {  	vm7 =	vle.f32 v17, v14;
	(xrf0) =	vadd.scan.msk.s32 $0xffff, v20;
	v20 =	vmpcnt.ones.xlane vm6;
	v19 =	vadd.s32 v21, v19  }
0x292: {  	vm9 =	vle.f32 v15, v14;
	v23 =	vsel vm0, $0x1, v4;
	v22 =	vadd.s32 v19, v22  }
0x293: {  	v27 =	vsel vm5, $0x1, v4;
	(xrf0) =	vadd.scan.msk.s32 $0xffff, v23;
	v23 =	vadd.s32 v22, v20;
	v20 =	vmpcnt.ones.xlane vm9  }
0x294: {  	v26 =	vmpcnt.ones.xlane vm7  }
0x295: {  	vm1 =	vle.f32 v25, v14  }
0x296: {  	v28 =	vsel vm6, $0x1, v4;
	v29 =	vsel vm7, $0x1, v4;
	(xrf0) =	vadd.scan.msk.s32 $0xffff, v27;
	v26 =	vadd.s32 v23, v26;
	v27, _, _ =	vpop (xrf0)  }
0x297: {  	v30 =	vsel vm9, $0x1, v4;
	(xrf0) =	vadd.scan.msk.s32 $0xffff, v28;
	v16 =	vadd.s32 v27, v16;
	v27 =	vadd.s32 v26, v20;
	v20, _, _ =	vpop (xrf0)  }
0x298: {  	v28 =	vmpcnt.ones.xlane vm1;
	(xrf0) =	vadd.scan.msk.s32 $0xffff, v29;
	v16 =	vadd.s32 $0xFFFFFFFF, v16;
	v18 =	vadd.s32 v20, v18  }
0x299: {  	v29 =	vsel vm1, $0x1, v4;
	(xrf0) =	vadd.scan.msk.s32 $0xffff, v30  }
0x29a: {  	s19 =	simm.s32 $0x20;
	s23 =	simm.s32 $0x40;
	v34 =	vadd.s32 v27, v28;
	(xrf0) =	vadd.scan.msk.s32 $0xffff, v29;
	v28 =	vadd.s32 $0xFFFFFFFF, v18  }
0x29b: {  	s4 =	simm.s32 $0x160C0;
	v36 =	vor.u32 s19, v0;
	v33 =	vor.u32 s23, v0;
	vm8 =	vmmov vm6;
	v18, _, _ =	vpop (xrf0)  }
0x29c: {  	s2 =	simm.s32 $0x0;
	vm7 =	vmmov vm7;
	vm14 =	vmmov vm5;
	v18 =	vadd.s32 v18, v21;
	v20, _, _ =	vpop (xrf0);
	v21 =	vld [tilespmem:s4+$0xFFFFFFC0]  }
0x29d: {  	s9 =	simm.s32 $0x10;
	v29 =	vor.u32 s2, v0;
	[tilespmem:v16+s12+$0x0] =	vst.idx.msk vm4, v1;
	v32 =	vadd.s32 $0xFFFFFFFF, v18;
	v18 =	vadd.s32 v20, v19;
	v19, _, _ =	vpop (xrf0);
	v20 =	vld [tilespmem:s4+$0xFFFFFFD0]  }
0x29e: {  	s22 =	simm.s32 $0x30;
	vm5 =	vmmov vm9;
	v1 =	vor.u32 s9, v0;
	[tilespmem:v16+s13+$0x0] =	vst.idx.msk vm4, v29;
	v19 =	vadd.s32 v19, v22;
	v22, _, _ =	vpop (xrf0)  }
0x29f: {  	v35 =	vadd.s32 $0xFFFFFFFF, v18;
	v18 =	vld [tilespmem:s4+$0xFFFFFFE0];
	[tilespmem:v28+s12+$0x0] =	vst.idx.msk vm3, v2;
	v2 =	vor.u32 s22, v0;
	v16 =	vadd.s32 v22, v23;
	v22, _, _ =	vpop (xrf0)  }
0x2a0: {  	v31 =	vadd.s32 $0xFFFFFFFF, v19;
	v19 =	vld [tilespmem:s4+$0xFFFFFFF0];
	v30 =	vadd.s32 $0xFFFFFFFF, v16;
	v22 =	vadd.s32 v22, v26;
	v23, _, _ =	vpop (xrf0)  }
0x2a1: {  	s25 =	simm.s32 $0x70;
	[tilespmem:v28+s13+$0x0] =	vst.idx.msk vm3, v1;
	v16 =	vld [tilespmem:s4+$0x0];
	v29 =	vadd.s32 $0xFFFFFFFF, v22;
	v1 =	vadd.s32 v23, v27;
	vm9 =	vle.f32 v21, v14  }
0x2a2: {  	v22 =	vld [tilespmem:s4+$0x20];
	[tilespmem:v32+s12+$0x0] =	vst.idx.msk vm0, v5;
	v1 =	vadd.s32 $0xFFFFFFFF, v1;
	v5 =	vor.u32 s25, v0;
	vm6 =	vle.f32 v20, v14  }
0x2a3: {  	v23 =	vld [tilespmem:s4+$0x10];
	v26 =	vsel vm9, $0x1, v4;
	v28 =	vmpcnt.ones.xlane vm9;
	[tilespmem:v32+s13+$0x0] =	vst.idx.msk vm0, v36;
	v62 =	vsel vm6, $0x1, v4  }
0x2a4: {  	v63 =	vmpcnt.ones.xlane vm6;
	vm3 =	vle.f32 v18, v14;
	(xrf0) =	vadd.scan.msk.s32 $0xffff, v26;
	[tilespmem:v35+s12+$0x0] =	vst.idx.msk vm14, v3  }
0x2a5: {  	v27 =	vld [tilespmem:s4+$0x30];
	v37 =	vadd.s32 v34, v28;
	v26 =	vmpcnt.ones.xlane vm3;
	vm13 =	vle.f32 v19, v14;
	(xrf0) =	vadd.scan.msk.s32 $0xffff, v62  }
0x2a6: {  	[tilespmem:v35+s13+$0x0] =	vst.idx.msk vm14, v2;
	v2 =	vsel vm3, $0x1, v4;
	v38 =	vadd.s32 v37, v63;
	vm12 =	vle.f32 v16, v14  }
0x2a7: {  	v28 =	vmpcnt.ones.xlane vm13;
	v36 =	vadd.s32 v38, v26;
	vm10 =	vle.f32 v22, v14;
	[tilespmem:v1+s12+$0x0] =	vst.idx.msk vm1, v25  }
0x2a8: {  	v3 =	vmpcnt.ones.xlane vm12;
	vm11 =	vle.f32 v23, v14;
	[tilespmem:v1+s13+$0x0] =	vst.idx.msk vm1, v5;
	v1 =	vmpcnt.ones.xlane vm10  }
0x2a9: {  	v39 =	vsel vm13, $0x1, v4;
	v28 =	vadd.s32 v36, v28;
	v25 =	vmpcnt.ones.xlane vm11  }
0x2aa: {  	[tilespmem:v31+s12+$0x0] =	vst.idx.msk vm8, v24;
	vm4 =	vle.f32 v27, v14;
	v43 =	vsel vm12, $0x1, v4;
	v26 =	vadd.s32 v28, v3  }
0x2ab: {  	v40 =	vsel vm11, $0x1, v4;
	v3 =	vmpcnt.ones.xlane vm4;
	v25 =	vadd.s32 v26, v25;
	v5, _, _ =	vpop (xrf0);
	(xrf0) =	vadd.scan.msk.s32 $0xffff, v2  }
0x2ac: {  	v35 =	vsel vm10, $0x1, v4;
	v32 =	vadd.s32 v25, v1;
	v41 =	vadd.s32 v5, v34;
	v1, _, _ =	vpop (xrf0);
	(xrf0) =	vadd.scan.msk.s32 $0xffff, v39  }
0x2ad: {  	s1 =	simm.s32 $0x80;
	s5 =	simm.s32 $0x180;
	s0 =	simm.s32 $0x100;
	v24 =	vadd.s32 v32, v3;
	v39 =	vsel vm4, $0x1, v4;
	v42 =	vadd.s32 v1, v37;
	(xrf0) =	vadd.scan.msk.s32 $0xffff, v43  }
.LBB2_11:
0x2ae: {  	p0 =	slt.u32 s5, $0x1F80;
	v1 =	vadd.s32 $0xFFFFFFFF, v41;
	v2 =	vadd.s32 $0xFFFFFFFF, v42;
	(xrf0) =	vadd.scan.msk.s32 $0xffff, v40;
	[tilespmem:v31+s13+$0x0] =	vst.idx.msk vm8, v33;
	s9 =	sadd.s32 $0x50, s2;
	v3 =	vmovc v27  }
0x2af: {  	v34 =	vmovc v24;
	(xrf0) =	vadd.scan.msk.s32 $0xffff, v35;
	[tilespmem:v30+s12+$0x0] =	vst.idx.msk vm7, v17;
	v27 =	vor.u32 s9, v0;
	v17 =	vmov v23  }
0x2b0: {  	vm14 =	vmmov vm13;
	vm8 =	vmmov vm12;
	s9 =	sadd.s32 $0x60, s2;
	s2 =	smov.u32 s1;
	s1 =	smov.u32 s0;
	(xrf0) =	vadd.scan.msk.s32 $0xffff, v39;
	[tilespmem:v30+s13+$0x0] =	vst.idx.msk vm7, v27  }
0x2b1: {  	s0 =	smov.u32 s5;
	v23 =	vor.u32 s9, v0;
	vm7 =	vmmov vm11;
	v5, _, _ =	vpop (xrf0);
	[tilespmem:v29+s12+$0x0] =	vst.idx.msk vm5, v15;
	v15 =	vmov v22  }
0x2b2: {  	s4 =	sadd.s32 $0x80, s4;
	v5 =	vadd.s32 v5, v38;
	v22, _, _ =	vpop (xrf0);
	[tilespmem:v29+s13+$0x0] =	vst.idx.msk vm5, v23;
	vm5 =	vmmov vm10  }
0x2b3: {  	s9 =	sadd.s32 $0x10, s2;
	v29 =	vor.u32 s2, v0;
	[tilespmem:v1+s12+$0x0] =	vst.idx.msk vm9, v21;
	v21 =	vld [tilespmem:s4+$0xFFFFFFC0];
	v5 =	vadd.s32 $0xFFFFFFFF, v5;
	v22 =	vadd.s32 v22, v36;
	v27, _, _ =	vpop (xrf0)  }
0x2b4: {  	v35 =	vld [tilespmem:s4+$0xFFFFFFD0];
	[tilespmem:v1+s13+$0x0] =	vst.idx.msk vm9, v29;
	v1 =	vor.u32 s9, v0;
	s9 =	sadd.s32 $0x20, s2;
	v37 =	vadd.s32 $0xFFFFFFFF, v22;
	v27 =	vadd.s32 v27, v28;
	v23, _, _ =	vpop (xrf0)  }
0x2b5: {  	v28 =	vld [tilespmem:s4+$0xFFFFFFE0];
	[tilespmem:v2+s12+$0x0] =	vst.idx.msk vm6, v20;
	v20 =	vor.u32 s9, v0;
	s9 =	sadd.s32 $0x30, s2;
	v31 =	vadd.s32 $0xFFFFFFFF, v27;
	v26 =	vadd.s32 v23, v26;
	v23, _, _ =	vpop (xrf0)  }
0x2b6: {  	v39 =	vld [tilespmem:s4+$0xFFFFFFF0];
	[tilespmem:v2+s13+$0x0] =	vst.idx.msk vm6, v1;
	v1 =	vor.u32 s9, v0;
	s9 =	sadd.s32 $0x40, s2;
	v30 =	vadd.s32 $0xFFFFFFFF, v26;
	v2 =	vadd.s32 v23, v25;
	v22, _, _ =	vpop (xrf0)  }
0x2b7: {  	v43 =	vld [tilespmem:s4+$0x0];
	v33 =	vor.u32 s9, v0;
	v29 =	vadd.s32 $0xFFFFFFFF, v2;
	v2 =	vadd.s32 v22, v32;
	s9 =	sadd.s32 $0x70, s2  }
0x2b8: {  	vm9 =	vle.f32 v21, v14;
	v23 =	vld [tilespmem:s4+$0x10];
	[tilespmem:v5+s12+$0x0] =	vst.idx.msk vm3, v18;
	v2 =	vadd.s32 $0xFFFFFFFF, v2;
	v25 =	vor.u32 s9, v0  }
0x2b9: {  	v36 =	vsel vm9, $0x1, v4;
	v26 =	vmpcnt.ones.xlane vm9;
	vm6 =	vle.f32 v35, v14;
	v22 =	vld [tilespmem:s4+$0x20];
	[tilespmem:v5+s13+$0x0] =	vst.idx.msk vm3, v20;
	v20 =	vmovc v35  }
0x2ba: {  	v5 =	vsel vm6, $0x1, v4;
	v32 =	vmpcnt.ones.xlane vm6;
	vm3 =	vle.f32 v28, v14;
	v27 =	vld [tilespmem:s4+$0x30];
	(xrf0) =	vadd.scan.msk.s32 $0xffff, v36;
	v18 =	vmovc v28  }
0x2bb: {  	v42 =	vadd.s32 v24, v26;
	v24 =	vmpcnt.ones.xlane vm3;
	vm13 =	vle.f32 v39, v14;
	(xrf0) =	vadd.scan.msk.s32 $0xffff, v5  }
0x2bc: {  	v38 =	vadd.s32 v42, v32;
	v5 =	vmpcnt.ones.xlane vm13;
	vm12 =	vle.f32 v43, v14;
	[tilespmem:v37+s12+$0x0] =	vst.idx.msk vm14, v19  }
0x2bd: {  	v36 =	vadd.s32 v38, v24;
	v19 =	vmpcnt.ones.xlane vm12;
	vm11 =	vle.f32 v23, v14;
	[tilespmem:v2+s12+$0x0] =	vst.idx.msk vm4, v3  }
0x2be: {  	v28 =	vadd.s32 v36, v5;
	v3 =	vmpcnt.ones.xlane vm11;
	vm10 =	vle.f32 v22, v14;
	[tilespmem:v2+s13+$0x0] =	vst.idx.msk vm4, v25  }
.Ltmp6:
0x2bf: {  	v26 =	vadd.s32 v28, v19;
	v41 =	vmpcnt.ones.xlane vm10;
	vm4 =	vle.f32 v27, v14;
	[tilespmem:v37+s13+$0x0] =	vst.idx.msk vm14, v1;
	(pc) =	sbr.rel @p0 .LBB2_11-.Ltmp6, $4  }
0x2c0: {  	v1 =	vsel vm3, $0x1, v4;
	v25 =	vadd.s32 v26, v3;
	v3 =	vmpcnt.ones.xlane vm4;
	v5, _, _ =	vpop (xrf0);
	[tilespmem:v31+s12+$0x0] =	vst.idx.msk vm8, v16  }
0x2c1: {  	v44 =	vsel vm13, $0x1, v4;
	v37 =	vsel vm12, $0x1, v4;
	v32 =	vadd.s32 v25, v41;
	v2, _, _ =	vpop (xrf0);
	(xrf0) =	vadd.scan.msk.s32 $0xffff, v1  }
0x2c2: {  	v40 =	vsel vm11, $0x1, v4;
	v35 =	vsel vm10, $0x1, v4;
	v19 =	vmovc v39;
	v24 =	vadd.s32 v32, v3;
	(xrf0) =	vadd.scan.msk.s32 $0xffff, v44  }
0x2c3: {  	s5 =	sadd.s32 $0x80, s5;
	v16 =	vmovc v43;
	v41 =	vadd.s32 v5, v34;
	v39 =	vsel vm4, $0x1, v4;
	v42 =	vadd.s32 v2, v42;
	(xrf0) =	vadd.scan.msk.s32 $0xffff, v37  }
0x2c4: {  	_ =	sdelay $0x1  }
0x2c5: {  	s4 =	sadd.s32 $0x80, s4  }
0x2c6: {  	v37 =	vld [tilespmem:s4+$0xFFFFFFC0]  }
0x2c7: {  	v34 =	vld [tilespmem:s4+$0xFFFFFFD0]  }
0x2c8: {  	(xrf0) =	vadd.scan.msk.s32 $0xffff, v40;
	[tilespmem:v31+s13+$0x0] =	vst.idx.msk vm8, v33;
	v33 =	vld [tilespmem:s4+$0xFFFFFFE0]  }
0x2c9: {  	(xrf0) =	vadd.scan.msk.s32 $0xffff, v35;
	v35 =	vld [tilespmem:s4+$0xFFFFFFF0]  }
0x2ca: {  	v1 =	vadd.s32 $0xFFFFFFFF, v41;
	v31 =	vld [tilespmem:s4+$0x0]  }
0x2cb: {  	s5 =	sadd.s32 $0x50, s2;
	[tilespmem:v30+s12+$0x0] =	vst.idx.msk vm7, v17;
	v17 =	vld [tilespmem:s4+$0x10]  }
0x2cc: {  	s9 =	sadd.s32 $0x60, s2;
	[tilespmem:v29+s12+$0x0] =	vst.idx.msk vm5, v15;
	v3 =	vor.u32 s5, v0;
	v15 =	vld [tilespmem:s4+$0x20];
	v5, _, _ =	vpop (xrf0)  }
0x2cd: {  	v2 =	vadd.s32 $0xFFFFFFFF, v42;
	v43 =	vor.u32 s9, v0;
	[tilespmem:v30+s13+$0x0] =	vst.idx.msk vm7, v3;
	v5 =	vadd.s32 v5, v38;
	v44, _, _ =	vpop (xrf0)  }
0x2ce: {  	vm0 =	vmmov vm13;
	[tilespmem:v29+s13+$0x0] =	vst.idx.msk vm5, v43;
	v3 =	vadd.s32 $0xFFFFFFFF, v5;
	v5 =	vadd.s32 v44, v36  }
0x2cf: {  	v45 =	vor.u32 s1, v0;
	[tilespmem:v1+s12+$0x0] =	vst.idx.msk vm9, v21;
	vm8 =	vle.f32 v37, v14;
	vm7 =	vle.f32 v34, v14  }
0x2d0: {  	(xrf0) =	vadd.scan.msk.s32 $0xffff, v39;
	vm5 =	vle.f32 v33, v14;
	vm1 =	vle.f32 v35, v14;
	vm14 =	vle.f32 v31, v14  }
0x2d1: {  	v55, _, _ =	vpop (xrf0);
	[tilespmem:v1+s13+$0x0] =	vst.idx.msk vm9, v45;
	vm13 =	vle.f32 v17, v14;
	vm9 =	vle.f32 v15, v14;
	v5 =	vadd.s32 $0xFFFFFFFF, v5  }
0x2d2: {  	v28 =	vadd.s32 v55, v28;
	v48 =	vsel vm8, $0x1, v4;
	v49 =	vmpcnt.ones.xlane vm8  }
0x2d3: {  	v21 =	vld [tilespmem:s4+$0x30];
	v50 =	vsel vm7, $0x1, v4;
	v51 =	vmpcnt.ones.xlane vm7;
	v52 =	vmpcnt.ones.xlane vm5  }
0x2d4: {  	[tilespmem:v2+s12+$0x0] =	vst.idx.msk vm6, v20;
	v58, _, _ =	vpop (xrf0);
	v53 =	vmpcnt.ones.xlane vm1;
	v54 =	vmpcnt.ones.xlane vm14;
	v36 =	vadd.s32 v24, v49  }
0x2d5: {  	v56 =	vmpcnt.ones.xlane vm13;
	v57 =	vsel vm5, $0x1, v4;
	v59, _, _ =	vpop (xrf0);
	(xrf0) =	vadd.scan.msk.s32 $0xffff, v48;
	v1 =	vadd.s32 v36, v51  }
0x2d6: {  	v43 =	vsel vm1, $0x1, v4;
	v44 =	vmpcnt.ones.xlane vm9;
	v60, _, _ =	vpop (xrf0);
	(xrf0) =	vadd.scan.msk.s32 $0xffff, v50;
	v30 =	vadd.s32 v1, v52  }
0x2d7: {  	v61 =	vsel vm9, $0x1, v4;
	v32 =	vadd.s32 v60, v32;
	(xrf0) =	vadd.scan.msk.s32 $0xffff, v57;
	v29 =	vadd.s32 v30, v53  }
0x2d8: {  	vm15 =	vle.f32 v21, v14;
	v14 =	vsel vm14, $0x1, v4;
	(xrf0) =	vadd.scan.msk.s32 $0xffff, v43;
	v39 =	vadd.s32 v29, v54  }
0x2d9: {  	s19 =	sadd.s32 $0x10, s1;
	s22 =	sadd.s32 $0x20, s1;
	v45 =	vmpcnt.ones.xlane vm15;
	(xrf0) =	vadd.scan.msk.s32 $0xffff, v14;
	v14 =	vsel vm13, $0x1, v4;
	v38 =	vadd.s32 v39, v56  }
0x2da: {  	v49 =	vor.u32 s19, v0;
	v50 =	vor.u32 s22, v0;
	(xrf0) =	vadd.scan.msk.s32 $0xffff, v14;
	v43 =	vadd.s32 v38, v44  }
0x2db: {  	[tilespmem:v3+s12+$0x0] =	vst.idx.msk vm3, v18;
	v63 =	vsel vm15, $0x1, v4;
	v62, _, _ =	vpop (xrf0);
	(xrf0) =	vadd.scan.msk.s32 $0xffff, v61;
	v45 =	vadd.s32 v43, v45  }
0x2dc: {  	[tilespmem:v3+s13+$0x0] =	vst.idx.msk vm3, v50;
	v3 =	vadd.s32 $0xFFFFFFFF, v28;
	v48, _, _ =	vpop (xrf0);
	(xrf0) =	vadd.scan.msk.s32 $0xffff, v63;
	v45 =	vxor.u32 $0x80000000, v45  }
0x2dd: {  	[tilespmem:v2+s13+$0x0] =	vst.idx.msk vm6, v49;
	v14 =	vadd.s32 $0xFFFFFFFF, v32;
	v2, _, _ =	vpop (xrf0);
	(xrf0) =	vmax.scan.msk.u32 $0xffff, v45  }
0x2de: {  	s25 =	sadd.s32 $0x30, s1;
	v51, _, _ =	vpop (xrf0)  }
0x2df: {  	[tilespmem:v5+s12+$0x0] =	vst.idx.msk vm0, v19;
	v56 =	vor.u32 s25, v0;
	v52, _, _ =	vpop (xrf0)  }
0x2e0: {  	v25 =	vadd.s32 v59, v25;
	[tilespmem:v5+s13+$0x0] =	vst.idx.msk vm0, v56;
	v54, _, _ =	vpop (xrf0)  }
0x2e1: {  	s23 =	sadd.s32 $0x70, s1;
	v5 =	vadd.s32 $0xFFFFFFFF, v25;
	v59 =	vadd.s32 v62, v24;
	[tilespmem:v3+s12+$0x0] =	vst.idx.msk vm12, v16;
	v55, _, _ =	vpop (xrf0)  }
0x2e2: {  	v26 =	vadd.s32 v58, v26;
	v53 =	vor.u32 s23, v0;
	v16 =	vadd.s32 $0xFFFFFFFF, v59;
	[tilespmem:v14+s12+$0x0] =	vst.idx.msk vm4, v27;
	v57, _, _ =	vpop (xrf0)  }
0x2e3: {  	s4 =	sadd.s32 $0x40, s1;
	[tilespmem:v14+s13+$0x0] =	vst.idx.msk vm4, v53;
	v14 =	vadd.s32 $0xFFFFFFFF, v26;
	v58, _, _ =	vpop (xrf0)  }
0x2e4: {  	v60 =	vor.u32 s4, v0;
	(v2sf) =	vpush v58, $0xF  }
0x2e5: {  	[tilespmem:v3+s13+$0x0] =	vst.idx.msk vm12, v60  }
0x2e6: {  	v3 =	vadd.s32 v48, v36;
	[tilespmem:v5+s12+$0x0] =	vst.idx.msk vm10, v22  }
0x2e7: {  	s5 =	sadd.s32 $0x50, s1;
	v1 =	vadd.s32 v2, v1;
	v3 =	vadd.s32 $0xFFFFFFFF, v3;
	[tilespmem:v16+s12+$0x0] =	vst.idx.msk vm8, v37  }
0x2e8: {  	s9 =	sadd.s32 $0x60, s1;
	v61 =	vor.u32 s5, v0;
	v1 =	vadd.s32 $0xFFFFFFFF, v1;
	[tilespmem:v14+s12+$0x0] =	vst.idx.msk vm11, v23  }
0x2e9: {  	[tilespmem:v14+s13+$0x0] =	vst.idx.msk vm11, v61;
	v14 =	vor.u32 s9, v0  }
0x2ea: {  	vm0 =	vmmov vm1;
	v2 =	vor.u32 s0, v0;
	[tilespmem:v5+s13+$0x0] =	vst.idx.msk vm10, v14;
	v5 =	vadd.s32 v51, v30  }
0x2eb: {  	[tilespmem:v16+s13+$0x0] =	vst.idx.msk vm8, v2;
	v2 =	vadd.s32 $0xFFFFFFFF, v5;
	v5 =	vadd.s32 v57, v43  }
0x2ec: {  	s19 =	sadd.s32 $0x10, s0;
	[tilespmem:v3+s12+$0x0] =	vst.idx.msk vm7, v34;
	v5 =	vadd.s32 $0xFFFFFFFF, v5  }
0x2ed: {  	s22 =	sadd.s32 $0x20, s0;
	[tilespmem:v1+s12+$0x0] =	vst.idx.msk vm5, v33;
	v14 =	vor.u32 s19, v0  }
0x2ee: {  	[tilespmem:v3+s13+$0x0] =	vst.idx.msk vm7, v14;
	v3 =	vadd.s32 v52, v29;
	v14 =	vor.u32 s22, v0  }
0x2ef: {  	v3 =	vadd.s32 $0xFFFFFFFF, v3;
	[tilespmem:v1+s13+$0x0] =	vst.idx.msk vm5, v14  }
0x2f0: {  	s25 =	sadd.s32 $0x30, s0;
	v1 =	vadd.s32 v54, v39;
	[tilespmem:v2+s12+$0x0] =	vst.idx.msk vm0, v35  }
0x2f1: {  	s23 =	sadd.s32 $0x70, s0;
	v62 =	vor.u32 s25, v0;
	v1 =	vadd.s32 $0xFFFFFFFF, v1;
	[tilespmem:v5+s12+$0x0] =	vst.idx.msk vm15, v21  }
0x2f2: {  	v63 =	vadd.s32 v55, v38;
	v14 =	vor.u32 s23, v0;
	[tilespmem:v2+s13+$0x0] =	vst.idx.msk vm0, v62  }
0x2f3: {  	s4 =	sadd.s32 $0x40, s0;
	[tilespmem:v5+s13+$0x0] =	vst.idx.msk vm15, v14;
	v5 =	vadd.s32 $0xFFFFFFFF, v63;
	s5 =	spop (v2sf)  }
0x2f4: {  	v2 =	vor.u32 s4, v0;
	[tilespmem:v3+s12+$0x0] =	vst.idx.msk vm14, v31;
	s9 =	sxor.u32 $0x80000000, s5  }
0x2f5: {  	s19 =	sadd.s32 $0x50, s0;
	[tilespmem:v3+s13+$0x0] =	vst.idx.msk vm14, v2;
	v2 =	vadd.s32 s9, v0  }
.Ltmp7:
0x2f6: {  	[tilespmem:v1+s12+$0x0] =	vst.idx.msk vm13, v17;
	v3 =	vor.u32 s19, v0;
	s2 =	sadd.s32 $0x8000000F, s5;
	(pc) =	sbr.rel .LBB2_13-.Ltmp7, $4  }
0x2f7: {  	s23 =	sadd.s32 $0x60, s0;
	[tilespmem:v1+s13+$0x0] =	vst.idx.msk vm13, v3;
	s22 =	sshra.s32 s2, $0x1F  }
0x2f8: {  	v13 =	vshll.u32 v13, $0x5;
	v1 =	vor.u32 s23, v0;
	[tilespmem:v5+s12+$0x0] =	vst.idx.msk vm9, v15;
	s1 =	sshrl.u32 s22, $0x1C  }
0x2f9: {  	vm6 =	vmmov vm12;
	vm3 =	vmmov vm11;
	vm4 =	vmmov vm10;
	[tilespmem:v5+s13+$0x0] =	vst.idx.msk vm9, v1;
	p0 =	slt.s32 s2, $0x10;
	s25 =	sadd.s32 s1, s2  }
0x2fa: {  	vm3 =	vmmov vm13;
	vm1 =	vmmov vm14;
	vm4 =	vmmov vm9;
	s1 =	simm.s32 $0x0;
	s2 =	simm.s32 $0x0;
	s0 =	sshra.s32 s25, $0x4;
	[tilespmem:v2+s12+$0x0] =	vst.idx.msk $0xffff, v46  }
.LBB2_16:
0x2fb: {  	v1 =	vsel vm0, v17, v16  }
0x2fc: {  	v14 =	vsel vm0, v15, v14;
	v15 =	vxor.u32 $0x80000000, v1  }
.LBB2_17:
0x2fd: {  	(xrf0) =	vmin.scan.msk.f32 $0xffff, v14;
	_ =	sdelay $0x5  }
0x2fe: {  	v1, _, _ =	vpop (xrf0)  }
0x2ff: {  	v1 =	vbroadcast v1, $0xF;
	_ =	sdelay $0x1  }
0x300: {  	vm0 =	veq.f32 v14, v1  }
0x301: {  	v1 =	vnsel vm0, $0x80000810, v15  }
0x302: {  	(xrf0) =	vmin.scan.msk.u32 $0xffff, v1;
	_ =	sdelay $0x5  }
0x303: {  	v1, _, _ =	vpop (xrf0)  }
0x304: {  	(v2sf) =	vpush v1, $0xF;
	_ =	sdelay $0xe  }
0x305: {  	s4 =	spop (v2sf)  }
0x306: {  	s4 =	sxor.u32 $0x80000000, s4  }
0x307: {  	v1 =	vmov s4  }
0x308: {  	v2 =	vmov s2  }
0x309: {  	v2 =	vand.u32 $0x1F, v2  }
0x30a: {  	v2 =	vbroadcast v2, $0x0;
	_ =	sdelay $0x1  }
0x30b: {  	s2 =	sadd.s32 $0x1, s2;
	v2 =	vor.u32 v13, v2;
	v3 =	vld.idx.msk [tilespmem:v1+s13+$0x0], $0xffff  }
0x30c: {  	p1 =	sne.s32 s2, $0x20  }
.Ltmp8:
0x30d: {  	_ = 	snop;
	(pc) =	sbr.rel @!p1 .LBB2_18-.Ltmp8, $3  }
0x30e: {  	_ =	sdelay $0x1  }
0x30f: {  	[tilespmem:v2+s14+$0x0] =	vst.idx.msk $0x1, v3  }
0x310: {  	[tilespmem:v1+s12+$0x0] =	vst.idx.msk $0x1, v46  }
.LBB2_13:
.Ltmp9:
0x311: {  	(pc) =	sbr.rel @p0 .LBB2_17-.Ltmp9, $2  }
0x312: {  	_ =	sdelay $0x2  }
0x313: {  	v15 =	vimm.s32 $0x80000000;
	v14 =	vimm.f32 $+Inf  }
0x314: {  	s4 =	simm.s32 $0x18080  }
0x315: {  	p1 =	sne.s32 s0, $0x1;
	v15 =	vld [tilespmem:s4+$0x0]  }
.Ltmp10:
0x316: {  	_ = 	snop;
	(pc) =	sbr.rel @!p1 .LBB2_16-.Ltmp10, $2  }
0x317: {  	_ =	sdelay $0x2  }
0x318: {  	v16 =	vimm.s32 $0x0;
	v17 =	vor.u32 s1, v0;
	s5 =	simm.s32 $0x18090;
	s9 =	simm.s32 $0x0;
	s4 =	sadd.s32 $0xFFFFFFFF, s0;
	vm0 =	vlt.f32 v15, v14  }
.LBB2_15:
0x319: {  	p1 =	sne.s32 s4, $0x1;
	s4 =	sadd.s32 $0xFFFFFFFF, s4;
	v16 =	vsel vm0, v17, v16;
	v14 =	vsel vm0, v15, v14;
	v15 =	vld [tilespmem:s5+$0x0]  }
.Ltmp11:
0x31a: {  	(pc) =	sbr.rel @p1 .LBB2_15-.Ltmp11, $3  }
0x31b: {  	_ =	sdelay $0x1  }
0x31c: {  	s9 =	sadd.s32 $0x10, s9  }
0x31d: {  	s5 =	sadd.s32 $0x10, s5;
	v17 =	vor.u32 s9, v0;
	vm0 =	vlt.f32 v15, v14  }
.Ltmp12:
0x31e: {  	_ = 	snop;
	(pc) =	sbr.rel .LBB2_16-.Ltmp12, $1  }
0x31f: {  	_ =	sdelay $0x3  }
.LBB2_19:
0x320: {  	s0 =	simm.s32 $0x0  }
0x321: {  	v1 =	vmov s0  }
0x322: {  	v2 =	vshll.u32 v1, $0x5  }
0x323: {  	v3 =	vor.u32 v0, v2;
	_ =	sdelay $0x4  }
0x324: {  	v3 =	vld.idx.msk [tilespmem:v3+s14+$0x0], $0xffff;
	_ =	sdelay $0x4  }
0x325: {  	v5 =	vld.idx.msk [tilespmem:v1+s8+$0x0], $0xffff  }
0x326: {  	v13 =	vld.idx.msk [tilespmem:v1+s7+$0x0], $0xffff  }
0x327: {  	v14 =	vld.idx.msk [tilespmem:v1+s6+$0x0], $0xffff  }
0x328: {  	v6 =	vld.idx.msk [tilespmem:v3+s3+$0x0], $0xffff  }
0x329: {  	v1 =	vshll.u32 v1, $0x8;
	v15 =	vld.idx.msk [tilespmem:v3+s26+$0x0], $0xffff  }
0x32a: {  	v17 =	vor.u32 v7, v1;
	v16 =	vld.idx.msk [tilespmem:v3+s28+$0x0], $0xffff  }
0x32b: {  	v18 =	vor.u32 v8, v1  }
0x32c: {  	v19 =	vor.u32 v9, v1  }
0x32d: {  	v6 =	vsub.f32 v6, v14  }
0x32e: {  	v15 =	vsub.f32 v15, v13  }
0x32f: {  	[tilespmem:v17+s15+$0x0] =	vst.idx.msk $0xffff, v6;
	v6 =	vsub.f32 v16, v5  }
0x330: {  	[tilespmem:v18+s15+$0x0] =	vst.idx.msk $0xffff, v15  }
0x331: {  	[tilespmem:v19+s15+$0x0] =	vst.idx.msk $0xffff, v6  }
0x332: {  	v6 =	vld.idx.msk [tilespmem:v3+s29+$0x0], $0xffff;
	_ =	sdelay $0x4  }
0x333: {  	[tilespmem:v17+s16+$0x0] =	vst.idx.msk $0xffff, v6  }
0x334: {  	v6 =	vld.idx.msk [tilespmem:v3+s30+$0x0], $0xffff;
	_ =	sdelay $0x4  }
0x335: {  	[tilespmem:v18+s16+$0x0] =	vst.idx.msk $0xffff, v6  }
0x336: {  	v6 =	vor.u32 $0x10, v0;
	v3 =	vld.idx.msk [tilespmem:v3+s31+$0x0], $0xffff  }
0x337: {  	v2 =	vor.u32 v6, v2;
	_ =	sdelay $0x3  }
0x338: {  	[tilespmem:v19+s16+$0x0] =	vst.idx.msk $0xffff, v3  }
0x339: {  	v2 =	vld.idx.msk [tilespmem:v2+s14+$0x0], $0xffff;
	_ =	sdelay $0x7  }
0x33a: {  	v3 =	vld.idx.msk [tilespmem:v2+s3+$0x0], $0xffff  }
0x33b: {  	v16 =	vld.idx.msk [tilespmem:v2+s26+$0x0], $0xffff  }
0x33c: {  	v18 =	vor.u32 v10, v1;
	v17 =	vld.idx.msk [tilespmem:v2+s28+$0x0], $0xffff  }
0x33d: {  	v19 =	vor.u32 v11, v1  }
0x33e: {  	v15 =	vor.u32 v12, v1  }
0x33f: {  	v1 =	vsub.f32 v3, v14  }
0x340: {  	v3 =	vsub.f32 v16, v13  }
0x341: {  	[tilespmem:v18+s15+$0x0] =	vst.idx.msk $0xffff, v1;
	v1 =	vsub.f32 v17, v5  }
0x342: {  	[tilespmem:v19+s15+$0x0] =	vst.idx.msk $0xffff, v3  }
0x343: {  	[tilespmem:v15+s15+$0x0] =	vst.idx.msk $0xffff, v1  }
0x344: {  	v1 =	vld.idx.msk [tilespmem:v2+s29+$0x0], $0xffff;
	_ =	sdelay $0x4  }
0x345: {  	[tilespmem:v18+s16+$0x0] =	vst.idx.msk $0xffff, v1  }
0x346: {  	v1 =	vld.idx.msk [tilespmem:v2+s30+$0x0], $0xffff;
	_ =	sdelay $0x3  }
0x347: {  	s25 =	simm.s32 $0x1  }
0x348: {  	v16 =	vmov s25;
	[tilespmem:v19+s16+$0x0] =	vst.idx.msk $0xffff, v1  }
0x349: {  	v14 =	vshll.u32 v16, $0x5;
	v17 =	vld.idx.msk [tilespmem:v2+s31+$0x0], $0xffff  }
0x34a: {  	s0 =	simm.s32 $0x2;
	v13 =	vshll.u32 v16, $0x8;
	v18 =	vor.u32 v0, v14  }
.LBB2_20:
0x34b: {  	_ =	sdelay $0x2  }
0x34c: {  	p0 =	sne.s32 s0, $0x1F;
	s1 =	smov.u32 s0;
	s0 =	sadd.s32 $0x1, s0;
	[tilespmem:v15+s16+$0x0] =	vst.idx.msk $0xffff, v17  }
0x34d: {  	v1 =	vld.idx.msk [tilespmem:v18+s14+$0x0], $0xffff;
	_ =	sdelay $0x4  }
0x34e: {  	v2 =	vld.idx.msk [tilespmem:v16+s8+$0x0], $0xffff  }
0x34f: {  	v3 =	vld.idx.msk [tilespmem:v16+s7+$0x0], $0xffff  }
0x350: {  	v5 =	vld.idx.msk [tilespmem:v16+s6+$0x0], $0xffff  }
0x351: {  	v15 =	vld.idx.msk [tilespmem:v1+s3+$0x0], $0xffff  }
0x352: {  	v16 =	vld.idx.msk [tilespmem:v1+s26+$0x0], $0xffff  }
0x353: {  	v17 =	vld.idx.msk [tilespmem:v1+s28+$0x0], $0xffff  }
0x354: {  	v18 =	vor.u32 v7, v13  }
0x355: {  	v19 =	vor.u32 v8, v13  }
0x356: {  	v20 =	vor.u32 v9, v13  }
0x357: {  	v15 =	vsub.f32 v15, v5  }
0x358: {  	v16 =	vsub.f32 v16, v3  }
0x359: {  	[tilespmem:v18+s15+$0x0] =	vst.idx.msk $0xffff, v15;
	v15 =	vsub.f32 v17, v2  }
0x35a: {  	[tilespmem:v19+s15+$0x0] =	vst.idx.msk $0xffff, v16  }
0x35b: {  	[tilespmem:v20+s15+$0x0] =	vst.idx.msk $0xffff, v15  }
0x35c: {  	v15 =	vld.idx.msk [tilespmem:v1+s29+$0x0], $0xffff;
	_ =	sdelay $0x5  }
0x35d: {  	[tilespmem:v18+s16+$0x0] =	vst.idx.msk $0xffff, v15  }
0x35e: {  	v15 =	vld.idx.msk [tilespmem:v1+s30+$0x0], $0xffff;
	_ =	sdelay $0x5  }
0x35f: {  	[tilespmem:v19+s16+$0x0] =	vst.idx.msk $0xffff, v15  }
0x360: {  	v1 =	vld.idx.msk [tilespmem:v1+s31+$0x0], $0xffff;
	_ =	sdelay $0x1  }
0x361: {  	v14 =	vor.u32 v6, v14;
	_ =	sdelay $0x3  }
0x362: {  	[tilespmem:v20+s16+$0x0] =	vst.idx.msk $0xffff, v1  }
0x363: {  	v1 =	vld.idx.msk [tilespmem:v14+s14+$0x0], $0xffff;
	_ =	sdelay $0x7  }
0x364: {  	v14 =	vld.idx.msk [tilespmem:v1+s3+$0x0], $0xffff  }
0x365: {  	v16 =	vld.idx.msk [tilespmem:v1+s26+$0x0], $0xffff  }
0x366: {  	v17 =	vld.idx.msk [tilespmem:v1+s28+$0x0], $0xffff  }
0x367: {  	v18 =	vor.u32 v10, v13  }
0x368: {  	v19 =	vor.u32 v11, v13  }
0x369: {  	v15 =	vor.u32 v12, v13  }
0x36a: {  	v5 =	vsub.f32 v14, v5  }
0x36b: {  	v3 =	vsub.f32 v16, v3  }
0x36c: {  	v2 =	vsub.f32 v17, v2;
	[tilespmem:v18+s15+$0x0] =	vst.idx.msk $0xffff, v5  }
0x36d: {  	[tilespmem:v19+s15+$0x0] =	vst.idx.msk $0xffff, v3  }
0x36e: {  	[tilespmem:v15+s15+$0x0] =	vst.idx.msk $0xffff, v2  }
0x36f: {  	v2 =	vld.idx.msk [tilespmem:v1+s29+$0x0], $0xffff;
	_ =	sdelay $0x5  }
0x370: {  	[tilespmem:v18+s16+$0x0] =	vst.idx.msk $0xffff, v2  }
0x371: {  	v2 =	vld.idx.msk [tilespmem:v1+s30+$0x0], $0xffff;
	_ =	sdelay $0x4  }
.Ltmp13:
0x372: {  	(pc) =	sbr.rel @p0 .LBB2_20-.Ltmp13, $4  }
0x373: {  	[tilespmem:v19+s16+$0x0] =	vst.idx.msk $0xffff, v2  }
0x374: {  	v16 =	vmov s1;
	v17 =	vld.idx.msk [tilespmem:v1+s31+$0x0], $0xffff  }
0x375: {  	v14 =	vshll.u32 v16, $0x5;
	v13 =	vshll.u32 v16, $0x8  }
0x376: {  	v18 =	vor.u32 v0, v14  }
0x377: {  	_ =	sdelay $0x3  }
0x378: {  	[tilespmem:v15+s16+$0x0] =	vst.idx.msk $0xffff, v17  }
0x379: {  	v1 =	vld.idx.msk [tilespmem:v18+s14+$0x0], $0xffff;
	_ =	sdelay $0x4  }
0x37a: {  	v2 =	vld.idx.msk [tilespmem:v16+s8+$0x0], $0xffff  }
0x37b: {  	v3 =	vld.idx.msk [tilespmem:v16+s7+$0x0], $0xffff  }
0x37c: {  	v5 =	vld.idx.msk [tilespmem:v16+s6+$0x0], $0xffff  }
0x37d: {  	v15 =	vld.idx.msk [tilespmem:v1+s3+$0x0], $0xffff  }
0x37e: {  	v59 =	vld.idx.msk [tilespmem:v1+s26+$0x0], $0xffff  }
0x37f: {  	v7 =	vor.u32 v7, v13;
	v17 =	vld.idx.msk [tilespmem:v1+s28+$0x0], $0xffff  }
0x380: {  	v8 =	vor.u32 v8, v13  }
0x381: {  	v9 =	vor.u32 v9, v13  }
0x382: {  	v15 =	vsub.f32 v15, v5  }
0x383: {  	v16 =	vsub.f32 v59, v3  }
0x384: {  	v60 =	vsub.f32 v17, v2;
	[tilespmem:v7+s15+$0x0] =	vst.idx.msk $0xffff, v15  }
0x385: {  	[tilespmem:v8+s15+$0x0] =	vst.idx.msk $0xffff, v16  }
0x386: {  	[tilespmem:v9+s15+$0x0] =	vst.idx.msk $0xffff, v60  }
0x387: {  	v15 =	vld.idx.msk [tilespmem:v1+s29+$0x0], $0xffff;
	_ =	sdelay $0x4  }
0x388: {  	[tilespmem:v7+s16+$0x0] =	vst.idx.msk $0xffff, v15  }
0x389: {  	v7 =	vld.idx.msk [tilespmem:v1+s30+$0x0], $0xffff;
	_ =	sdelay $0x4  }
0x38a: {  	[tilespmem:v8+s16+$0x0] =	vst.idx.msk $0xffff, v7  }
0x38b: {  	v1 =	vld.idx.msk [tilespmem:v1+s31+$0x0], $0xffff  }
0x38c: {  	v6 =	vor.u32 v6, v14;
	_ =	sdelay $0x3  }
0x38d: {  	[tilespmem:v9+s16+$0x0] =	vst.idx.msk $0xffff, v1  }
0x38e: {  	v1 =	vld.idx.msk [tilespmem:v6+s14+$0x0], $0xffff;
	_ =	sdelay $0x7  }
0x38f: {  	v6 =	vld.idx.msk [tilespmem:v1+s3+$0x0], $0xffff  }
0x390: {  	v7 =	vld.idx.msk [tilespmem:v1+s26+$0x0], $0xffff  }
0x391: {  	v61 =	vor.u32 v10, v13;
	v8 =	vld.idx.msk [tilespmem:v1+s28+$0x0], $0xffff  }
0x392: {  	v62 =	vor.u32 v11, v13  }
0x393: {  	v63 =	vor.u32 v12, v13  }
0x394: {  	v5 =	vsub.f32 v6, v5  }
0x395: {  	v3 =	vsub.f32 v7, v3  }
0x396: {  	v2 =	vsub.f32 v8, v2;
	[tilespmem:v61+s15+$0x0] =	vst.idx.msk $0xffff, v5  }
0x397: {  	[tilespmem:v62+s15+$0x0] =	vst.idx.msk $0xffff, v3  }
0x398: {  	[tilespmem:v63+s15+$0x0] =	vst.idx.msk $0xffff, v2  }
0x399: {  	v2 =	vld.idx.msk [tilespmem:v1+s29+$0x0], $0xffff;
	_ =	sdelay $0x4  }
0x39a: {  	[tilespmem:v61+s16+$0x0] =	vst.idx.msk $0xffff, v2  }
0x39b: {  	v2 =	vld.idx.msk [tilespmem:v1+s30+$0x0], $0xffff;
	_ =	sdelay $0x4  }
0x39c: {  	[tilespmem:v62+s16+$0x0] =	vst.idx.msk $0xffff, v2  }
0x39d: {  	v1 =	vld.idx.msk [tilespmem:v1+s31+$0x0], $0xffff;
	_ =	sdelay $0x4  }
0x39e: {  	s0 =	rddreg [dreg:$0xf];
	s2 =	simm.s32 $0x1;
	[tilespmem:v63+s16+$0x0] =	vst.idx.msk $0xffff, v1  }
0x39f: {  	[hbm4b:s0+s3] =	stream.linear.scatter [tilespmem:s15], [sflag:$0x1], $0x2000, $0x38;
	[tilespmem:$0x1D7A0] =	vst v63  }
0x3a0: {  	_ =	swait.ge [sflag:s2], $0x2000  }
0x3a1: {  	[sflag:s2] =	ssyncset.done $0x0  }
0x3a2: {  	s9 =	rddreg [dreg:$0x10];
	[sflag:s2] =	ssyncadd.s32 $0xFFFFE000  }
0x3a3: {  	[hbm4b:s9+s3] =	stream.linear.scatter [tilespmem:s11], [sflag:$0x1], $0x100, $0x38;
	[tilespmem:$0x1D7A0] =	vst v63  }
0x3a4: {  	_ =	swait.ge [sflag:s2], $0x100  }
0x3a5: {  	[sflag:s2] =	ssyncset.done $0x0  }
0x3a6: {  	s18 =	rddreg [dreg:$0x11];
	[sflag:s2] =	ssyncadd.s32 $0xFFFFFF00  }
0x3a7: {  	[hbm4b:s18+s3] =	stream.linear.scatter [tilespmem:s16], [sflag:$0x1], $0x2000, $0x38;
	[tilespmem:$0x1D7A0] =	vst v63  }
0x3a8: {  	_ =	swait.ge [sflag:s2], $0x2000  }
0x3a9: {  	[sflag:s2] =	ssyncset.done $0x0  }
0x3aa: {  	s19 =	rddreg [dreg:$0x12];
	[sflag:s2] =	ssyncadd.s32 $0xFFFFE000  }
0x3ab: {  	[hbm4b:s19+s3] =	stream.linear.scatter [tilespmem:s17], [sflag:$0x1], $0x100, $0x38;
	[tilespmem:$0x1D7A0] =	vst v63  }
0x3ac: {  	_ =	swait.ge [sflag:s2], $0x100  }
0x3ad: {  	[sflag:s2] =	ssyncset.done $0x0  }
0x3ae: {  	s20 =	rddreg [dreg:$0x13];
	[sflag:s2] =	ssyncadd.s32 $0xFFFFFF00  }
0x3af: {  	[hbm4b:s20+s3] =	stream.linear.scatter [tilespmem:s14], [sflag:$0x1], $0x400, $0x38;
	[tilespmem:$0x1D7A0] =	vst v63  }
0x3b0: {  	_ =	swait.ge [sflag:s2], $0x400  }
0x3b1: {  	[sflag:s2] =	ssyncset.done $0x0;
	s22 =	rddreg [dreg:$0x14]  }
0x3b2: {  	s1 =	rddreg [dreg:$0x15];
	[sflag:s2] =	ssyncadd.s32 $0xFFFFFC00  }
0x3b3: {  	[hbm4b:s22+s3] =	stream.linear.scatter [tilespmem:s1], [sflag:$0x1], $0x20, $0x38;
	[tilespmem:$0x1D7A0] =	vst v63  }
0x3b4: {  	_ =	swait.ge [sflag:s2], $0x20  }
0x3b5: {  	s23 =	rddreg [dreg:$0x1a]  }
0x3b6: {  	s25 =	rddreg [dreg:$0x16];
	s1 =	sadd.s32 $0x1, s23  }
0x3b7: {  	p0 =	sne.s32 s1, s25  }
.Ltmp14:
0x3b8: {  	_ = 	snop;
	(pc) =	sbr.rel @p0 .LBB2_1-.Ltmp14, $3  }
0x3b9: {  	_ =	sdelay $0x1  }
0x3ba: {  	[sflag:s2] =	ssyncset.done $0x0  }
0x3bb: {  	[sflag:s2] =	ssyncadd.s32 $0xFFFFFFE0  }
0x3bc: {  	_ =	sfence.sel $0x180000  }
0x3bd: {  	[bflag:$0x0] =	sbarrier.arrive $0xFFFF  }
0x3be: {  	_ =	strace $0x90000047  }
0x3bf: {  	s0 =	stileid.u32;
	[bflag:$0x2] =	sbarrier.arrive $0xFFFF  }
0x3c0: {  	p0 =	sne.s32 s0, $0x0;
	s0 =	rddreg [dreg:$0x7]  }
0x3c1: {  	s0 =	sadd.s32 @!p0 $0x100000, s0  }
0x3c2: {  	[sflag:s0] =	ssyncadd.tile.s32 @!p0 $0x1;
	_ =	shalt  }
.Lfunc_end2:
_tile_overlayer_lowered:
.L_overlay_start_2:
0x3c3: {  	(tag) =	ssettag $0x2  }
0x3c4: {  	s0 =	rddreg [dreg:$0x0];
	s2 =	stileid.u32  }
0x3c5: {  	s1 =	rddreg [dreg:$0x1];
	p0 =	sne.s32 s2, $0x0  }
0x3c6: {  	s3 =	rddreg [dreg:$0x2];
	[bflag:$0x3] =	sbarrier.arrive $0xFFFF;
	s2 =	simm.s32 @!p0 $0x1C01  }
0x3c7: {  	[timem:s3], [sflag:s2] =	dma.local @!p0 [hbm:s0], s1  }
0x3c8: {  	s0 =	simm.s32 @!p0 $0x1  }
0x3c9: {  	_ =	swait.ge @!p0 [sflag:s0], s1  }
0x3ca: {  	s1 =	ssub.s32 @!p0 $0x0, s1;
	[sflag:s0] =	ssyncset.done @!p0 $0x0  }
0x3cb: {  	[sflag:s0] =	ssyncadd.s32 @!p0 s1  }
0x3cc: {  	[bflag:$0x3] =	sbarrier.arrive $0xFFFF  }
0x3cd: {  	_ =	shalt  }

</sc_bundles>
